<compile_context>
chip_gen: v7x
topology: tpu7x:2x2x1
jax: 0.10.2.dev20260603
libtpu: 0.0.44.dev20260713+nightly
codegen_flags: <defaults>
</compile_context>

<pallas_src>
import functools

import jax
import jax.numpy as jnp
from jax import lax
from jax.experimental import pallas as pl
from jax.experimental.pallas import tpu as pltpu
from jax.experimental.pallas import tpu_sc as plsc

N = 10000
E = 320000
D = 128
DE = 16
DU = 32

NC = 2
NS = 16
NW = NC * NS
EPW = E // NW
CH = 80
NIT = EPW // CH
CPR = 624



def _proj_body(x_ref, wsd_ref, wm_ref, xsd_ref, xm_ref):
    xb = x_ref[...]
    xsd_ref[...] = jnp.dot(xb, wsd_ref[...], preferred_element_type=jnp.float32)
    xm_ref[...] = jnp.dot(xb, wm_ref[...], preferred_element_type=jnp.float32)


def _edgeconst_body(ea_ref, wee_ref, u_ref, weu_ref, be_ref, c_ref):
    cu = jnp.dot(u_ref[...], weu_ref[...], preferred_element_type=jnp.float32)
    c_ref[...] = (jnp.dot(ea_ref[...], wee_ref[...],
                          preferred_element_type=jnp.float32) + cu + be_ref[...])


def _tmat_body(e_ref, w_ref, b_ref, t_ref):
    t_ref[...] = jnp.dot(e_ref[...], w_ref[...],
                         preferred_element_type=jnp.float32) + b_ref[...]


def _node_body(x_ref, p0m_ref, p1m_ref, pc_ref, u_ref,
               w2x_ref, w2a_ref, w2u_ref, b2_ref,
               wgu_ref, wgx_ref, bg_ref, nx_ref, nu_ref, s_ref):
    i = pl.program_id(0)
    cnt = jnp.maximum(jnp.sum(pc_ref[...], axis=1, keepdims=True), 1.0)
    agg = (p0m_ref[...] + p1m_ref[...]) / cnt
    nx = jnp.dot(x_ref[...], w2x_ref[...], preferred_element_type=jnp.float32)
    nx = nx + jnp.dot(agg, w2a_ref[...], preferred_element_type=jnp.float32)
    nx = nx + jnp.dot(u_ref[...], w2u_ref[...], preferred_element_type=jnp.float32)
    nx = jnp.maximum(nx + b2_ref[...], 0.0)
    nx_ref[...] = nx

    @pl.when(i == 0)
    def _():
        s_ref[...] = jnp.zeros_like(s_ref)

    s_ref[...] += jnp.sum(nx, axis=0, keepdims=True)

    @pl.when(i == pl.num_programs(0) - 1)
    def _():
        m = s_ref[...] * (1.0 / N)
        g = (jnp.dot(u_ref[...], wgu_ref[...],
                     preferred_element_type=jnp.float32)
             + jnp.dot(m, wgx_ref[...], preferred_element_type=jnp.float32)
             + bg_ref[...])
        nu_ref[...] = jnp.maximum(g, 0.0)



_MESH = plsc.VectorSubcoreMesh(core_axis_name="c", subcore_axis_name="s",
                               num_cores=NC, num_subcores=NS)


@functools.partial(
    pl.kernel,
    out_type=(jax.ShapeDtypeStruct((E, DE), jnp.float32),
              jax.ShapeDtypeStruct((NW * N,), jnp.float32)),
    mesh=_MESH,
    scratch_types=[
        pltpu.VMEM((EPW,), jnp.int32),
        pltpu.VMEM((EPW,), jnp.int32),
        [pltpu.VMEM((CH, D), jnp.float32)] * 2,
        [pltpu.VMEM((CH, D), jnp.float32)] * 2,
        [pltpu.VMEM((CH, DE), jnp.float32)] * 2,
        [pltpu.VMEM((CH, DE), jnp.float32)] * 2,
        pltpu.VMEM((N,), jnp.float32),
        [pltpu.SemaphoreType.DMA] * 2,
        [pltpu.SemaphoreType.DMA] * 2,
    ],
    compiler_params=pltpu.CompilerParams(needs_layout_passes=False),
)
def _edge_sc(xsd_hbm, c_hbm, row_hbm, col_hbm, enew_hbm, pc_hbm,
             idx_ra, idx_ca, A, B, C_, O, cnt_v, SI, SO):
    wid = lax.axis_index("c") * NS + lax.axis_index("s")
    base0 = wid * EPW

    def fill_zc(i, c2):
        cnt_v[pl.ds(16 * i, 16)] = jnp.zeros((16,), jnp.float32)
        return c2

    lax.fori_loop(0, N // 16, fill_zc, 0)

    pltpu.sync_copy(row_hbm.at[pl.ds(base0, EPW)], idx_ra)
    pltpu.sync_copy(col_hbm.at[pl.ds(base0, EPW)], idx_ca)

    def in_descs(k, s):
        off = k * CH
        return (
            pltpu.make_async_copy(xsd_hbm.at[idx_ra.at[pl.ds(off, CH)]],
                                  A[s], SI[s]),
            pltpu.make_async_copy(xsd_hbm.at[idx_ca.at[pl.ds(off, CH)]],
                                  B[s], SI[s]),
            pltpu.make_async_copy(c_hbm.at[pl.ds(base0 + off, CH)],
                                  C_[s], SI[s]),
        )

    def out_desc(k, s):
        return pltpu.make_async_copy(
            O[s], enew_hbm.at[pl.ds(base0 + k * CH, CH)], SO[s])

    def process(k, s):
        for dsc in in_descs(k, s):
            dsc.wait()

        def body(i, c2):
            O[s][i] = jnp.maximum(
                A[s][i, pl.ds(0, 16)] + B[s][i, pl.ds(16, 16)] + C_[s][i], 0.0)
            return c2

        lax.fori_loop(0, CH, body, 0)
        out_desc(k, s).start()

    for dsc in in_descs(0, 0):
        dsc.start()

    @pl.loop(0, NIT - 1, step=2)
    def _(kk):
        for b2 in range(2):
            k = kk + b2
            s = b2
            for dsc in in_descs(k + 1, 1 - s):
                dsc.start()

            @pl.when(k >= 2)
            def _():
                out_desc(k, s).wait()

            process(k, s)

    out_desc(NIT - 1, 0).wait()
    process(NIT - 1, 0)
    out_desc(NIT - 2, 1).wait()
    out_desc(NIT - 1, 0).wait()

    lanes = lax.iota(jnp.int32, 16)
    one16 = jnp.ones((16,), jnp.float32)

    def count(q, c2):
        idx16 = idx_ca[pl.ds(16 * q, 16)]
        for j in range(16):
            plsc.addupdate_scatter(cnt_v, [idx16], one16, mask=lanes == j)
        return c2

    lax.fori_loop(0, EPW // 16, count, 0)
    pltpu.sync_copy(cnt_v, pc_hbm.at[pl.ds(wid * N, N)])


@functools.partial(
    pl.kernel,
    out_type=jax.ShapeDtypeStruct((NC, N, D), jnp.float32),
    mesh=_MESH,
    scratch_types=[
        [pltpu.VMEM((CH, D), jnp.float32)] * 2,
        [pltpu.VMEM((CH, D), jnp.float32)] * 2,
        [pltpu.VMEM((CH,), jnp.int32)] * 4,
        [pltpu.VMEM((CH,), jnp.int32)] * 4,
        pltpu.VMEM_SHARED((N, D), jnp.float32),
        [pltpu.SemaphoreType.DMA] * 2,
        [pltpu.SemaphoreType.DMA] * 4,
        [pltpu.SemaphoreType.DMA] * 2,
    ],
    compiler_params=pltpu.CompilerParams(needs_layout_passes=False),
)
def _agg_sc(xm_hbm, t_hbm, row_hbm, col_hbm, pm_hbm,
            G, T_, IR, IC, sm, SI, SX, SS):
    cid = lax.axis_index("c")
    sid = lax.axis_index("s")
    wid = cid * NS + sid
    base0 = wid * EPW

    def fill_zb(i, c2):
        for j in range(D // 16):
            G[0][i, pl.ds(16 * j, 16)] = jnp.zeros((16,), jnp.float32)
        return c2

    lax.fori_loop(0, CH, fill_zb, 0)
    for r in range(CPR // CH):
        pltpu.sync_copy(G[0], sm.at[pl.ds(sid * CPR + r * CH, CH)])
    pltpu.sync_copy(G[0].at[pl.ds(0, CPR - (CPR // CH) * CH)],
                    sm.at[pl.ds(sid * CPR + (CPR // CH) * CH,
                                CPR - (CPR // CH) * CH)])

    @pl.when(sid == NS - 1)
    def _():
        pltpu.sync_copy(G[0].at[pl.ds(0, N - NS * CPR)],
                        sm.at[pl.ds(NS * CPR, N - NS * CPR)])

    plsc.subcore_barrier()

    def idx_descs(k, slot):
        base = base0 + k * CH
        return (
            pltpu.make_async_copy(row_hbm.at[pl.ds(base, CH)], IR[slot],
                                  SX[slot]),
            pltpu.make_async_copy(col_hbm.at[pl.ds(base, CH)], IC[slot],
                                  SX[slot]),
        )

    def gt_descs(k, s, slot):
        base = base0 + k * CH
        return (
            pltpu.make_async_copy(xm_hbm.at[IR[slot]], G[s], SI[s]),
            pltpu.make_async_copy(t_hbm.at[pl.ds(base, CH)], T_[s], SI[s]),
        )

    def scat_desc(s, slot):
        return pltpu.make_async_copy(G[s], sm.at[IC[slot]], SS[s])

    def step(k, s, slot):
        for dsc in gt_descs(k, s, slot):
            dsc.wait()

        def body(i, c2):
            for j in range(D // 16):
                sl = pl.ds(16 * j, 16)
                G[s][i, sl] = jnp.maximum(G[s][i, sl] + T_[s][i, sl], 0.0)
            return c2

        lax.fori_loop(0, CH, body, 0)
        pltpu.async_copy(G[s], sm.at[IC[slot]], SS[s], add=True)

    for dsc in idx_descs(0, 0):
        dsc.start()
    for dsc in idx_descs(1, 1):
        dsc.start()
    for dsc in idx_descs(0, 0):
        dsc.wait()
    for dsc in gt_descs(0, 0, 0):
        dsc.start()

    @pl.loop(0, NIT - 1, step=4)
    def _(kk):
        for b2 in range(4):
            k = kk + b2
            s = b2 % 2
            slot = b2
            nslot = (b2 + 1) % 4
            pslot = (b2 + 2) % 4

            @pl.when(k >= 1)
            def _():
                scat_desc(1 - s, (b2 + 3) % 4).wait()

            @pl.when(k <= NIT - 3)
            def _():
                for dsc in idx_descs(k + 2, pslot):
                    dsc.start()

            for dsc in idx_descs(k + 1, nslot):
                dsc.wait()
            for dsc in gt_descs(k + 1, 1 - s, nslot):
                dsc.start()

            step(k, s, slot)

    scat_desc(1, 3).wait()
    step(NIT - 1, 0, 0)
    scat_desc(0, 0).wait()

    plsc.subcore_barrier()

    pltpu.sync_copy(sm.at[pl.ds(sid * CPR, CPR)],
                    pm_hbm.at[cid, pl.ds(sid * CPR, CPR)])

    @pl.when(sid == NS - 1)
    def _():
        pltpu.sync_copy(sm.at[pl.ds(NS * CPR, N - NS * CPR)],
                        pm_hbm.at[cid, pl.ds(NS * CPR, N - NS * CPR)])



def kernel(x, edge_index, edge_attr, u, W_edge, b_edge, W_node1, b_node1,
           W_node2, b_node2, W_glob, b_glob):
    f32 = jnp.float32

    W_esrc = W_edge[:D]
    W_edst = W_edge[D:2 * D]
    W_ee = W_edge[2 * D:2 * D + DE]
    W_eu = W_edge[2 * D + DE:]
    W1x = W_node1[:D]
    W1e = W_node1[D:]
    W2x = W_node2[:D]
    W2a = W_node2[D:2 * D]
    W2u = W_node2[2 * D:]
    Wg_u = W_glob[:DU]
    Wg_x = W_glob[DU:]
    be2 = b_edge.reshape(1, DE)
    b12 = b_node1.reshape(1, D)
    b22 = b_node2.reshape(1, D)
    bg2 = b_glob.reshape(1, DU)

    NB = 5
    NBR = N // NB
    EB = 80
    EBR = E // EB

    Wsd = jnp.concatenate(
        [W_esrc, W_edst, jnp.zeros((D, D - 2 * DE), f32)], axis=1)
    xsd, xm = pl.pallas_call(
        _proj_body,
        grid=(NB,),
        in_specs=[
            pl.BlockSpec((NBR, D), lambda i: (i, 0)),
            pl.BlockSpec((D, D), lambda i: (0, 0)),
            pl.BlockSpec((D, D), lambda i: (0, 0)),
        ],
        out_specs=[
            pl.BlockSpec((NBR, D), lambda i: (i, 0)),
            pl.BlockSpec((NBR, D), lambda i: (i, 0)),
        ],
        out_shape=[
            jax.ShapeDtypeStruct((N, D), f32),
            jax.ShapeDtypeStruct((N, D), f32),
        ],
    )(x, Wsd, W1x)

    c = pl.pallas_call(
        _edgeconst_body,
        grid=(EB,),
        in_specs=[
            pl.BlockSpec((EBR, DE), lambda i: (i, 0)),
            pl.BlockSpec((DE, DE), lambda i: (0, 0)),
            pl.BlockSpec((1, DU), lambda i: (0, 0)),
            pl.BlockSpec((DU, DE), lambda i: (0, 0)),
            pl.BlockSpec((1, DE), lambda i: (0, 0)),
        ],
        out_specs=pl.BlockSpec((EBR, DE), lambda i: (i, 0)),
        out_shape=jax.ShapeDtypeStruct((E, DE), f32),
    )(edge_attr, W_ee, u, W_eu, be2)

    row = edge_index[0]
    col = edge_index[1]

    enew, pc = _edge_sc(xsd, c, row, col)

    t = pl.pallas_call(
        _tmat_body,
        grid=(EB,),
        in_specs=[
            pl.BlockSpec((EBR, DE), lambda i: (i, 0)),
            pl.BlockSpec((DE, D), lambda i: (0, 0)),
            pl.BlockSpec((1, D), lambda i: (0, 0)),
        ],
        out_specs=pl.BlockSpec((EBR, D), lambda i: (i, 0)),
        out_shape=jax.ShapeDtypeStruct((E, D), f32),
    )(enew, W1e, b12)

    pm = _agg_sc(xm, t, row, col)

    pct = pc.reshape(NW, N).T
    new_x, new_u = pl.pallas_call(
        _node_body,
        grid=(NB,),
        in_specs=[
            pl.BlockSpec((NBR, D), lambda i: (i, 0)),
            pl.BlockSpec((NBR, D), lambda i: (i, 0)),
            pl.BlockSpec((NBR, D), lambda i: (i, 0)),
            pl.BlockSpec((NBR, NW), lambda i: (i, 0)),
            pl.BlockSpec((1, DU), lambda i: (0, 0)),
            pl.BlockSpec((D, D), lambda i: (0, 0)),
            pl.BlockSpec((D, D), lambda i: (0, 0)),
            pl.BlockSpec((DU, D), lambda i: (0, 0)),
            pl.BlockSpec((1, D), lambda i: (0, 0)),
            pl.BlockSpec((DU, DU), lambda i: (0, 0)),
            pl.BlockSpec((D, DU), lambda i: (0, 0)),
            pl.BlockSpec((1, DU), lambda i: (0, 0)),
        ],
        out_specs=[
            pl.BlockSpec((NBR, D), lambda i: (i, 0)),
            pl.BlockSpec((1, DU), lambda i: (0, 0)),
        ],
        out_shape=[
            jax.ShapeDtypeStruct((N, D), f32),
            jax.ShapeDtypeStruct((1, DU), f32),
        ],
        scratch_shapes=[pltpu.VMEM((1, D), f32)],
    )(x, pm[0], pm[1], pct, u, W2x, W2a, W2u, b22, Wg_u, Wg_x, bg2)

    return (new_x, edge_index, enew, new_u)

# --- scband reference (transcript-rebuilt; emitter-appended) ---
"""Pipeline reference for scband-meta-graph-layer-15401752724197 (READ-ONLY COPY).

The authoritative reference and input builder live on the scoring server;
editing this copy changes nothing except your own understanding.
"""

import jax, jax.numpy as jnp
import numpy as np

N = 10000
E = 320000
D = 128
DE = 16
DU = 32

def setup_inputs(seed: int = 0) -> dict:
    key = jax.random.key(seed)
    ks = jax.random.split(key, 10)
    x = jax.random.normal(ks[0], (N, D), dtype=jnp.float32)
    edge_index = jax.random.randint(ks[1], (2, E), 0, N, dtype=jnp.int32)
    edge_attr = jax.random.normal(ks[2], (E, DE), dtype=jnp.float32)
    u = jax.random.normal(ks[3], (1, DU), dtype=jnp.float32)
    s = 0.05
    W_edge = jax.random.normal(ks[4], (2 * D + DE + DU, DE), dtype=jnp.float32) * s
    b_edge = jnp.zeros((DE,), dtype=jnp.float32)
    W_node1 = jax.random.normal(ks[5], (D + DE, D), dtype=jnp.float32) * s
    b_node1 = jnp.zeros((D,), dtype=jnp.float32)
    W_node2 = jax.random.normal(ks[6], (2 * D + DU, D), dtype=jnp.float32) * s
    b_node2 = jnp.zeros((D,), dtype=jnp.float32)
    W_glob = jax.random.normal(ks[7], (DU + D, DU), dtype=jnp.float32) * s
    b_glob = jnp.zeros((DU,), dtype=jnp.float32)
    return {"x": x, "edge_index": edge_index, "edge_attr": edge_attr, "u": u,
            "W_edge": W_edge, "b_edge": b_edge,
            "W_node1": W_node1, "b_node1": b_node1,
            "W_node2": W_node2, "b_node2": b_node2,
            "W_glob": W_glob, "b_glob": b_glob}

def reference(x, edge_index, edge_attr, u, W_edge, b_edge, W_node1, b_node1, W_node2, b_node2, W_glob, b_glob):
    # MetaLayer(edge_model, node_model, global_model) with canonical MLP models
    # (PyG MetaLayer docs example), batch=None -> single graph, u has shape [1, DU].
    row = edge_index[0]
    col = edge_index[1]
    n = x.shape[0]
    # ---- edge model: e' = MLP([x_src, x_dst, e, u]) ----
    src = jnp.take(x, row, axis=0)
    dst = jnp.take(x, col, axis=0)
    u_e = jnp.broadcast_to(u, (src.shape[0], u.shape[1]))
    e_in = jnp.concatenate([src, dst, edge_attr, u_e], axis=1)
    new_edge_attr = jax.nn.relu(e_in @ W_edge + b_edge)
    # ---- node model: x' = MLP2([x, scatter_mean(MLP1([x_src, e']), dst), u]) ----
    m_in = jnp.concatenate([src, new_edge_attr], axis=1)
    m = jax.nn.relu(m_in @ W_node1 + b_node1)
    agg = jax.ops.segment_sum(m, col, num_segments=n)
    cnt = jax.ops.segment_sum(jnp.ones((m.shape[0], 1), dtype=m.dtype), col, num_segments=n)
    agg = agg / jnp.maximum(cnt, 1.0)
    u_n = jnp.broadcast_to(u, (n, u.shape[1]))
    n_in = jnp.concatenate([x, agg, u_n], axis=1)
    new_x = jax.nn.relu(n_in @ W_node2 + b_node2)
    # ---- global model: u' = MLP([u, mean(x')]) ----
    g_in = jnp.concatenate([u, jnp.mean(new_x, axis=0, keepdims=True)], axis=1)
    new_u = jax.nn.relu(g_in @ W_glob + b_glob)
    return (new_x, edge_index, new_edge_attr, new_u)

if __name__ == "__main__":
    import jax
    _d = setup_inputs()
    print(jax.jit(kernel)(*tuple(_d.values())))

</pallas_src>

<mosaic_0001>
#map = affine_map<(d0, d1) -> (0, 0)>
#map1 = affine_map<(d0, d1) -> (0)>
module attributes {stable_mosaic.version = 14 : i64} {
  func.func @_edge_sc(%arg0: i32, %arg1: i32, %arg2: memref<10000x128xf32, #tpu.memory_space<hbm>>, %arg3: memref<320000x16xf32, #tpu.memory_space<hbm>>, %arg4: memref<320000xi32, #tpu.memory_space<hbm>>, %arg5: memref<320000xi32, #tpu.memory_space<hbm>>, %arg6: memref<320000x16xf32, #tpu.memory_space<hbm>>, %arg7: memref<320000xf32, #tpu.memory_space<hbm>>, %arg8: memref<10000xi32, #tpu.memory_space<vmem>>, %arg9: memref<10000xi32, #tpu.memory_space<vmem>>, %arg10: memref<80x128xf32, #tpu.memory_space<vmem>>, %arg11: memref<80x128xf32, #tpu.memory_space<vmem>>, %arg12: memref<80x128xf32, #tpu.memory_space<vmem>>, %arg13: memref<80x128xf32, #tpu.memory_space<vmem>>, %arg14: memref<80x16xf32, #tpu.memory_space<vmem>>, %arg15: memref<80x16xf32, #tpu.memory_space<vmem>>, %arg16: memref<80x16xf32, #tpu.memory_space<vmem>>, %arg17: memref<80x16xf32, #tpu.memory_space<vmem>>, %arg18: memref<10000xf32, #tpu.memory_space<vmem>>, %arg19: memref<!tpu.dma_semaphore, #tpu.memory_space<semaphore_mem>>, %arg20: memref<!tpu.dma_semaphore, #tpu.memory_space<semaphore_mem>>, %arg21: memref<!tpu.dma_semaphore, #tpu.memory_space<semaphore_mem>>, %arg22: memref<!tpu.dma_semaphore, #tpu.memory_space<semaphore_mem>>) attributes {dimension_semantics = [#tpu.dimension_semantics<core_parallel>, #tpu.dimension_semantics<subcore_parallel>], iteration_bounds = array<i64: 2, 16>, scalar_prefetch = 0 : i64, scratch_operands = 15 : i64, tpu.core_type = #tpu.core_type<sc_vector_subcore>, window_params = [{transform_indices = #map}, {transform_indices = #map}, {transform_indices = #map1}, {transform_indices = #map1}, {transform_indices = #map}, {transform_indices = #map1}]} {
    %mul3A = arith.constant 16 : i32
    %mul3A_0 = arith.muli %arg0, %mul3A : i32
    %add3A = arith.addi %mul3A_0, %arg1 : i32
    %mul3A_1 = arith.constant 10000 : i32
    %mul3A_2 = arith.muli %add3A, %mul3A_1 : i32
    %scan3A = arith.constant 0 : i32
    %scan3A_3 = arith.constant 0 : i32
    %scan3A_4 = arith.constant 625 : i32
    %scan3A_5 = arith.addi %scan3A_3, %scan3A_4 : i32
    %scan3A_6 = arith.constant 1 : i32
    scf.for %scan3A_82 = %scan3A_3 to %scan3A_5 step %scan3A_6  : i32 {
      %broadcast_in_dim3A_83 = arith.constant 0.000000e+00 : f32
      %broadcast_in_dim3A_84 = vector.broadcast %broadcast_in_dim3A_83 : f32 to vector<16xf32>
      %mul3A_85 = arith.constant 16 : i32
      %mul3A_86 = arith.muli %mul3A_85, %scan3A_82 : i32
      %swap3A = arith.index_cast %mul3A_86 : i32 to index
      %swap3A_87 = tpu.vector_load %arg18[%swap3A] {strides = array<i32>} : memref<10000xf32, #tpu.memory_space<vmem>>, vector<16xf32>,
      tpu.vector_store %arg18[%swap3A], %broadcast_in_dim3A_84 {strides = array<i32>} : memref<10000xf32, #tpu.memory_space<vmem>>, vector<16xf32>,
    }
    %scan3A_7 = arith.constant 625 : i32
    "tpu.region"() ({
      %run_scoped3A = tpu.sem_alloc : memref<!tpu.dma_semaphore, #tpu.memory_space<semaphore_mem>>
      %dma_start3A_82 = tpu.memref_slice %arg4[%mul3A_2] : memref<320000xi32, #tpu.memory_space<hbm>> -> memref<10000xi32, #tpu.memory_space<hbm>>
      %dma_start3A_83 = tpu.memref_slice %arg4[%mul3A_2] : memref<320000xi32, #tpu.memory_space<hbm>> -> memref<10000xi32, #tpu.memory_space<hbm>>
      tpu.enqueue_dma source(%dma_start3A_83 : memref<10000xi32, #tpu.memory_space<hbm>>) target(%arg8 : memref<10000xi32, #tpu.memory_space<vmem>>) target_semaphore(%run_scoped3A : memref<!tpu.dma_semaphore, #tpu.memory_space<semaphore_mem>>)
      %dma_wait3A_84 = tpu.memref_slice %arg4[%mul3A_2] : memref<320000xi32, #tpu.memory_space<hbm>> -> memref<10000xi32, #tpu.memory_space<hbm>>
      %dma_wait3A_85 = tpu.memref_slice %arg4[%mul3A_2] : memref<320000xi32, #tpu.memory_space<hbm>> -> memref<10000xi32, #tpu.memory_space<hbm>>
      tpu.wait_dma2 semaphore(%run_scoped3A : memref<!tpu.dma_semaphore, #tpu.memory_space<semaphore_mem>>) src(%dma_wait3A_85 : memref<10000xi32, #tpu.memory_space<hbm>>) dst(%arg8 : memref<10000xi32, #tpu.memory_space<vmem>>)
      tpu.yield
    }) : () -> ()
    "tpu.region"() ({
      %run_scoped3A = tpu.sem_alloc : memref<!tpu.dma_semaphore, #tpu.memory_space<semaphore_mem>>
      %dma_start3A_82 = tpu.memref_slice %arg5[%mul3A_2] : memref<320000xi32, #tpu.memory_space<hbm>> -> memref<10000xi32, #tpu.memory_space<hbm>>
      %dma_start3A_83 = tpu.memref_slice %arg5[%mul3A_2] : memref<320000xi32, #tpu.memory_space<hbm>> -> memref<10000xi32, #tpu.memory_space<hbm>>
      tpu.enqueue_dma source(%dma_start3A_83 : memref<10000xi32, #tpu.memory_space<hbm>>) target(%arg9 : memref<10000xi32, #tpu.memory_space<vmem>>) target_semaphore(%run_scoped3A : memref<!tpu.dma_semaphore, #tpu.memory_space<semaphore_mem>>)
      %dma_wait3A_84 = tpu.memref_slice %arg5[%mul3A_2] : memref<320000xi32, #tpu.memory_space<hbm>> -> memref<10000xi32, #tpu.memory_space<hbm>>
      %dma_wait3A_85 = tpu.memref_slice %arg5[%mul3A_2] : memref<320000xi32, #tpu.memory_space<hbm>> -> memref<10000xi32, #tpu.memory_space<hbm>>
      tpu.wait_dma2 semaphore(%run_scoped3A : memref<!tpu.dma_semaphore, #tpu.memory_space<semaphore_mem>>) src(%dma_wait3A_85 : memref<10000xi32, #tpu.memory_space<hbm>>) dst(%arg9 : memref<10000xi32, #tpu.memory_space<vmem>>)
      tpu.yield
    }) : () -> ()
    %add3A_8 = arith.constant 0 : i32
    %add3A_9 = arith.addi %mul3A_2, %add3A_8 : i32
    %dma_start3A = arith.constant 0 : i32
    %dma_start3A_10 = tpu.memref_slice %arg8[%dma_start3A] : memref<10000xi32, #tpu.memory_space<vmem>> -> memref<80xi32, #tpu.memory_space<vmem>>
    %dma_start3A_11 = arith.constant 0 : i32
    %dma_start3A_12 = arith.constant 0 : i32
    %dma_start3A_13 = tpu.memref_slice %arg2[%dma_start3A_11, %dma_start3A_12] : memref<10000x128xf32, #tpu.memory_space<hbm>> -> memref<10000x128xf32, #tpu.memory_space<hbm>>
    tpu.enqueue_indirect_dma source(%dma_start3A_13 : memref<10000x128xf32, #tpu.memory_space<hbm>>) target(%arg10 : memref<80x128xf32, #tpu.memory_space<vmem>>) offsets(%dma_start3A_10 : memref<80xi32, #tpu.memory_space<vmem>>) semaphore(%arg19 : memref<!tpu.dma_semaphore, #tpu.memory_space<semaphore_mem>>)
    %dma_start3A_14 = arith.constant 0 : i32
    %dma_start3A_15 = tpu.memref_slice %arg9[%dma_start3A_14] : memref<10000xi32, #tpu.memory_space<vmem>> -> memref<80xi32, #tpu.memory_space<vmem>>
    %dma_start3A_16 = arith.constant 0 : i32
    %dma_start3A_17 = arith.constant 0 : i32
    %dma_start3A_18 = tpu.memref_slice %arg2[%dma_start3A_16, %dma_start3A_17] : memref<10000x128xf32, #tpu.memory_space<hbm>> -> memref<10000x128xf32, #tpu.memory_space<hbm>>
    tpu.enqueue_indirect_dma source(%dma_start3A_18 : memref<10000x128xf32, #tpu.memory_space<hbm>>) target(%arg12 : memref<80x128xf32, #tpu.memory_space<vmem>>) offsets(%dma_start3A_15 : memref<80xi32, #tpu.memory_space<vmem>>) semaphore(%arg19 : memref<!tpu.dma_semaphore, #tpu.memory_space<semaphore_mem>>)
    %dma_start3A_19 = arith.constant 0 : i32
    %dma_start3A_20 = tpu.memref_slice %arg3[%add3A_9, %dma_start3A_19] : memref<320000x16xf32, #tpu.memory_space<hbm>> -> memref<80x16xf32, #tpu.memory_space<hbm>>
    %dma_start3A_21 = arith.constant 0 : i32
    %dma_start3A_22 = tpu.memref_slice %arg3[%add3A_9, %dma_start3A_21] : memref<320000x16xf32, #tpu.memory_space<hbm>> -> memref<80x16xf32, #tpu.memory_space<hbm>>
    tpu.enqueue_dma source(%dma_start3A_22 : memref<80x16xf32, #tpu.memory_space<hbm>>) target(%arg14 : memref<80x16xf32, #tpu.memory_space<vmem>>) target_semaphore(%arg19 : memref<!tpu.dma_semaphore, #tpu.memory_space<semaphore_mem>>)
    %scan3A_23 = arith.constant 0 : i32
    %scan3A_24 = arith.constant 62 : i32
    %scan3A_25 = arith.addi %scan3A_23, %scan3A_24 : i32
    %scan3A_26 = arith.constant 1 : i32
    scf.for %scan3A_82 = %scan3A_23 to %scan3A_25 step %scan3A_26  : i32 {
      %mul3A_83 = arith.constant 2 : i32
      %mul3A_84 = arith.muli %scan3A_82, %mul3A_83 : i32
      %add3A_85 = arith.constant 0 : i32
      %add3A_86 = arith.addi %add3A_85, %mul3A_84 : i32
      %add3A_87 = arith.constant 0 : i32
      %add3A_88 = arith.addi %add3A_86, %add3A_87 : i32
      %add3A_89 = arith.constant 1 : i32
      %add3A_90 = arith.addi %add3A_88, %add3A_89 : i32
      %mul3A_91 = arith.constant 80 : i32
      %mul3A_92 = arith.muli %add3A_90, %mul3A_91 : i32
      %add3A_93 = arith.addi %mul3A_2, %mul3A_92 : i32
      %dma_start3A_94 = tpu.memref_slice %arg8[%mul3A_92] : memref<10000xi32, #tpu.memory_space<vmem>> -> memref<80xi32, #tpu.memory_space<vmem>>
      %dma_start3A_95 = arith.constant 0 : i32
      %dma_start3A_96 = arith.constant 0 : i32
      %dma_start3A_97 = tpu.memref_slice %arg2[%dma_start3A_95, %dma_start3A_96] : memref<10000x128xf32, #tpu.memory_space<hbm>> -> memref<10000x128xf32, #tpu.memory_space<hbm>>
      tpu.enqueue_indirect_dma source(%dma_start3A_97 : memref<10000x128xf32, #tpu.memory_space<hbm>>) target(%arg11 : memref<80x128xf32, #tpu.memory_space<vmem>>) offsets(%dma_start3A_94 : memref<80xi32, #tpu.memory_space<vmem>>) semaphore(%arg20 : memref<!tpu.dma_semaphore, #tpu.memory_space<semaphore_mem>>)
      %dma_start3A_98 = tpu.memref_slice %arg9[%mul3A_92] : memref<10000xi32, #tpu.memory_space<vmem>> -> memref<80xi32, #tpu.memory_space<vmem>>
      %dma_start3A_99 = arith.constant 0 : i32
      %dma_start3A_100 = arith.constant 0 : i32
      %dma_start3A_101 = tpu.memref_slice %arg2[%dma_start3A_99, %dma_start3A_100] : memref<10000x128xf32, #tpu.memory_space<hbm>> -> memref<10000x128xf32, #tpu.memory_space<hbm>>
      tpu.enqueue_indirect_dma source(%dma_start3A_101 : memref<10000x128xf32, #tpu.memory_space<hbm>>) target(%arg13 : memref<80x128xf32, #tpu.memory_space<vmem>>) offsets(%dma_start3A_98 : memref<80xi32, #tpu.memory_space<vmem>>) semaphore(%arg20 : memref<!tpu.dma_semaphore, #tpu.memory_space<semaphore_mem>>)
      %dma_start3A_102 = arith.constant 0 : i32
      %dma_start3A_103 = tpu.memref_slice %arg3[%add3A_93, %dma_start3A_102] : memref<320000x16xf32, #tpu.memory_space<hbm>> -> memref<80x16xf32, #tpu.memory_space<hbm>>
      %dma_start3A_104 = arith.constant 0 : i32
      %dma_start3A_105 = tpu.memref_slice %arg3[%add3A_93, %dma_start3A_104] : memref<320000x16xf32, #tpu.memory_space<hbm>> -> memref<80x16xf32, #tpu.memory_space<hbm>>
      tpu.enqueue_dma source(%dma_start3A_105 : memref<80x16xf32, #tpu.memory_space<hbm>>) target(%arg15 : memref<80x16xf32, #tpu.memory_space<vmem>>) target_semaphore(%arg20 : memref<!tpu.dma_semaphore, #tpu.memory_space<semaphore_mem>>)
      %ge3A = arith.constant 2 : i32
      %ge3A_106 = arith.cmpi sge, %add3A_88, %ge3A : i32
      %convert_element_type3A = arith.extui %ge3A_106 : i1 to i32
      %cond3A = arith.constant 0 : i32
      %cond3A_107 = arith.cmpi ne, %convert_element_type3A, %cond3A : i32
      scf.if %cond3A_107 {
        %mul3A_188 = arith.constant 80 : i32
        %mul3A_189 = arith.muli %add3A_88, %mul3A_188 : i32
        %add3A_190 = arith.addi %mul3A_2, %mul3A_189 : i32
        %dma_wait3A_191 = arith.constant 0 : i32
        %dma_wait3A_192 = tpu.memref_slice %arg6[%add3A_190, %dma_wait3A_191] : memref<320000x16xf32, #tpu.memory_space<hbm>> -> memref<80x16xf32, #tpu.memory_space<hbm>>
        %dma_wait3A_193 = arith.constant 0 : i32
        %dma_wait3A_194 = tpu.memref_slice %arg6[%add3A_190, %dma_wait3A_193] : memref<320000x16xf32, #tpu.memory_space<hbm>> -> memref<80x16xf32, #tpu.memory_space<hbm>>
        tpu.wait_dma2 semaphore(%arg21 : memref<!tpu.dma_semaphore, #tpu.memory_space<semaphore_mem>>) src(%arg16 : memref<80x16xf32, #tpu.memory_space<vmem>>) dst(%dma_wait3A_194 : memref<80x16xf32, #tpu.memory_space<hbm>>)
      } else {
      }
      %mul3A_108 = arith.constant 80 : i32
      %mul3A_109 = arith.muli %add3A_88, %mul3A_108 : i32
      %add3A_110 = arith.addi %mul3A_2, %mul3A_109 : i32
      %dma_wait3A_111 = tpu.memref_slice %arg8[%mul3A_109] : memref<10000xi32, #tpu.memory_space<vmem>> -> memref<80xi32, #tpu.memory_space<vmem>>
      %dma_wait3A_112 = arith.constant 0 : i32
      %dma_wait3A_113 = arith.constant 0 : i32
      %dma_wait3A_114 = tpu.memref_slice %arg2[%dma_wait3A_112, %dma_wait3A_113] : memref<10000x128xf32, #tpu.memory_space<hbm>> -> memref<10000x128xf32, #tpu.memory_space<hbm>>
      tpu.wait_indirect_dma semaphore(%arg19 : memref<!tpu.dma_semaphore, #tpu.memory_space<semaphore_mem>>) src(%dma_wait3A_114 : memref<10000x128xf32, #tpu.memory_space<hbm>>) dst(%arg10 : memref<80x128xf32, #tpu.memory_space<vmem>>)
      %dma_wait3A_115 = tpu.memref_slice %arg9[%mul3A_109] : memref<10000xi32, #tpu.memory_space<vmem>> -> memref<80xi32, #tpu.memory_space<vmem>>
      %dma_wait3A_116 = arith.constant 0 : i32
      %dma_wait3A_117 = arith.constant 0 : i32
      %dma_wait3A_118 = tpu.memref_slice %arg2[%dma_wait3A_116, %dma_wait3A_117] : memref<10000x128xf32, #tpu.memory_space<hbm>> -> memref<10000x128xf32, #tpu.memory_space<hbm>>
      tpu.wait_indirect_dma semaphore(%arg19 : memref<!tpu.dma_semaphore, #tpu.memory_space<semaphore_mem>>) src(%dma_wait3A_118 : memref<10000x128xf32, #tpu.memory_space<hbm>>) dst(%arg12 : memref<80x128xf32, #tpu.memory_space<vmem>>)
      %dma_wait3A_119 = arith.constant 0 : i32
      %dma_wait3A_120 = tpu.memref_slice %arg3[%add3A_110, %dma_wait3A_119] : memref<320000x16xf32, #tpu.memory_space<hbm>> -> memref<80x16xf32, #tpu.memory_space<hbm>>
      %dma_wait3A_121 = arith.constant 0 : i32
      %dma_wait3A_122 = tpu.memref_slice %arg3[%add3A_110, %dma_wait3A_121] : memref<320000x16xf32, #tpu.memory_space<hbm>> -> memref<80x16xf32, #tpu.memory_space<hbm>>
      tpu.wait_dma2 semaphore(%arg19 : memref<!tpu.dma_semaphore, #tpu.memory_space<semaphore_mem>>) src(%dma_wait3A_122 : memref<80x16xf32, #tpu.memory_space<hbm>>) dst(%arg14 : memref<80x16xf32, #tpu.memory_space<vmem>>)
      %scan3A_123 = arith.constant 0 : i32
      %scan3A_124 = arith.constant 0 : i32
      %scan3A_125 = arith.constant 80 : i32
      %scan3A_126 = arith.addi %scan3A_124, %scan3A_125 : i32
      %scan3A_127 = arith.constant 1 : i32
      scf.for %scan3A_188 = %scan3A_124 to %scan3A_126 step %scan3A_127  : i32 {
        %get3A = arith.index_cast %scan3A_188 : i32 to index
        %get3A_189 = arith.constant 0 : index
        %get3A_190 = tpu.vector_load %arg10[%get3A, %get3A_189] {strides = array<i32>} : memref<80x128xf32, #tpu.memory_space<vmem>>, vector<16xf32>,
        %get3A_191 = arith.index_cast %scan3A_188 : i32 to index
        %get3A_192 = arith.constant 16 : index
        %get3A_193 = tpu.vector_load %arg12[%get3A_191, %get3A_192] {strides = array<i32>} : memref<80x128xf32, #tpu.memory_space<vmem>>, vector<16xf32>,
        %add3A_194 = arith.addf %get3A_190, %get3A_193 : vector<16xf32>
        %get3A_195 = arith.index_cast %scan3A_188 : i32 to index
        %get3A_196 = arith.constant 0 : index
        %get3A_197 = tpu.vector_load %arg14[%get3A_195, %get3A_196] {strides = array<i32>} : memref<80x16xf32, #tpu.memory_space<vmem>>, vector<16xf32>,
        %add3A_198 = arith.addf %add3A_194, %get3A_197 : vector<16xf32>
        %max3A = arith.constant 0.000000e+00 : f32
        %max3A_199 = vector.broadcast %max3A : f32 to vector<16xf32>
        %max3A_200 = arith.maximumf %add3A_198, %max3A_199 : vector<16xf32>
        %swap3A = arith.index_cast %scan3A_188 : i32 to index
        %swap3A_201 = arith.constant 0 : index
        %swap3A_202 = tpu.vector_load %arg16[%swap3A, %swap3A_201] {strides = array<i32>} : memref<80x16xf32, #tpu.memory_space<vmem>>, vector<16xf32>,
        tpu.vector_store %arg16[%swap3A, %swap3A_201], %max3A_200 {strides = array<i32>} : memref<80x16xf32, #tpu.memory_space<vmem>>, vector<16xf32>,
      }
      %scan3A_128 = arith.constant 80 : i32
      %mul3A_129 = arith.constant 80 : i32
      %mul3A_130 = arith.muli %add3A_88, %mul3A_129 : i32
      %add3A_131 = arith.addi %mul3A_2, %mul3A_130 : i32
      %dma_start3A_132 = arith.constant 0 : i32
      %dma_start3A_133 = tpu.memref_slice %arg6[%add3A_131, %dma_start3A_132] : memref<320000x16xf32, #tpu.memory_space<hbm>> -> memref<80x16xf32, #tpu.memory_space<hbm>>
      %dma_start3A_134 = arith.constant 0 : i32
      %dma_start3A_135 = tpu.memref_slice %arg6[%add3A_131, %dma_start3A_134] : memref<320000x16xf32, #tpu.memory_space<hbm>> -> memref<80x16xf32, #tpu.memory_space<hbm>>
      tpu.enqueue_dma source(%arg16 : memref<80x16xf32, #tpu.memory_space<vmem>>) target(%dma_start3A_135 : memref<80x16xf32, #tpu.memory_space<hbm>>) target_semaphore(%arg21 : memref<!tpu.dma_semaphore, #tpu.memory_space<semaphore_mem>>)
      %add3A_136 = arith.constant 1 : i32
      %add3A_137 = arith.addi %add3A_86, %add3A_136 : i32
      %add3A_138 = arith.constant 1 : i32
      %add3A_139 = arith.addi %add3A_137, %add3A_138 : i32
      %mul3A_140 = arith.constant 80 : i32
      %mul3A_141 = arith.muli %add3A_139, %mul3A_140 : i32
      %add3A_142 = arith.addi %mul3A_2, %mul3A_141 : i32
      %dma_start3A_143 = tpu.memref_slice %arg8[%mul3A_141] : memref<10000xi32, #tpu.memory_space<vmem>> -> memref<80xi32, #tpu.memory_space<vmem>>
      %dma_start3A_144 = arith.constant 0 : i32
      %dma_start3A_145 = arith.constant 0 : i32
      %dma_start3A_146 = tpu.memref_slice %arg2[%dma_start3A_144, %dma_start3A_145] : memref<10000x128xf32, #tpu.memory_space<hbm>> -> memref<10000x128xf32, #tpu.memory_space<hbm>>
      tpu.enqueue_indirect_dma source(%dma_start3A_146 : memref<10000x128xf32, #tpu.memory_space<hbm>>) target(%arg10 : memref<80x128xf32, #tpu.memory_space<vmem>>) offsets(%dma_start3A_143 : memref<80xi32, #tpu.memory_space<vmem>>) semaphore(%arg19 : memref<!tpu.dma_semaphore, #tpu.memory_space<semaphore_mem>>)
      %dma_start3A_147 = tpu.memref_slice %arg9[%mul3A_141] : memref<10000xi32, #tpu.memory_space<vmem>> -> memref<80xi32, #tpu.memory_space<vmem>>
      %dma_start3A_148 = arith.constant 0 : i32
      %dma_start3A_149 = arith.constant 0 : i32
      %dma_start3A_150 = tpu.memref_slice %arg2[%dma_start3A_148, %dma_start3A_149] : memref<10000x128xf32, #tpu.memory_space<hbm>> -> memref<10000x128xf32, #tpu.memory_space<hbm>>
      tpu.enqueue_indirect_dma source(%dma_start3A_150 : memref<10000x128xf32, #tpu.memory_space<hbm>>) target(%arg12 : memref<80x128xf32, #tpu.memory_space<vmem>>) offsets(%dma_start3A_147 : memref<80xi32, #tpu.memory_space<vmem>>) semaphore(%arg19 : memref<!tpu.dma_semaphore, #tpu.memory_space<semaphore_mem>>)
      %dma_start3A_151 = arith.constant 0 : i32
      %dma_start3A_152 = tpu.memref_slice %arg3[%add3A_142, %dma_start3A_151] : memref<320000x16xf32, #tpu.memory_space<hbm>> -> memref<80x16xf32, #tpu.memory_space<hbm>>
      %dma_start3A_153 = arith.constant 0 : i32
      %dma_start3A_154 = tpu.memref_slice %arg3[%add3A_142, %dma_start3A_153] : memref<320000x16xf32, #tpu.memory_space<hbm>> -> memref<80x16xf32, #tpu.memory_space<hbm>>
      tpu.enqueue_dma source(%dma_start3A_154 : memref<80x16xf32, #tpu.memory_space<hbm>>) target(%arg14 : memref<80x16xf32, #tpu.memory_space<vmem>>) target_semaphore(%arg19 : memref<!tpu.dma_semaphore, #tpu.memory_space<semaphore_mem>>)
      %ge3A_155 = arith.constant 2 : i32
      %ge3A_156 = arith.cmpi sge, %add3A_137, %ge3A_155 : i32
      %convert_element_type3A_157 = arith.extui %ge3A_156 : i1 to i32
      %cond3A_158 = arith.constant 0 : i32
      %cond3A_159 = arith.cmpi ne, %convert_element_type3A_157, %cond3A_158 : i32
      scf.if %cond3A_159 {
        %mul3A_188 = arith.constant 80 : i32
        %mul3A_189 = arith.muli %add3A_137, %mul3A_188 : i32
        %add3A_190 = arith.addi %mul3A_2, %mul3A_189 : i32
        %dma_wait3A_191 = arith.constant 0 : i32
        %dma_wait3A_192 = tpu.memref_slice %arg6[%add3A_190, %dma_wait3A_191] : memref<320000x16xf32, #tpu.memory_space<hbm>> -> memref<80x16xf32, #tpu.memory_space<hbm>>
        %dma_wait3A_193 = arith.constant 0 : i32
        %dma_wait3A_194 = tpu.memref_slice %arg6[%add3A_190, %dma_wait3A_193] : memref<320000x16xf32, #tpu.memory_space<hbm>> -> memref<80x16xf32, #tpu.memory_space<hbm>>
        tpu.wait_dma2 semaphore(%arg22 : memref<!tpu.dma_semaphore, #tpu.memory_space<semaphore_mem>>) src(%arg17 : memref<80x16xf32, #tpu.memory_space<vmem>>) dst(%dma_wait3A_194 : memref<80x16xf32, #tpu.memory_space<hbm>>)
      } else {
      }
      %mul3A_160 = arith.constant 80 : i32
      %mul3A_161 = arith.muli %add3A_137, %mul3A_160 : i32
      %add3A_162 = arith.addi %mul3A_2, %mul3A_161 : i32
      %dma_wait3A_163 = tpu.memref_slice %arg8[%mul3A_161] : memref<10000xi32, #tpu.memory_space<vmem>> -> memref<80xi32, #tpu.memory_space<vmem>>
      %dma_wait3A_164 = arith.constant 0 : i32
      %dma_wait3A_165 = arith.constant 0 : i32
      %dma_wait3A_166 = tpu.memref_slice %arg2[%dma_wait3A_164, %dma_wait3A_165] : memref<10000x128xf32, #tpu.memory_space<hbm>> -> memref<10000x128xf32, #tpu.memory_space<hbm>>
      tpu.wait_indirect_dma semaphore(%arg20 : memref<!tpu.dma_semaphore, #tpu.memory_space<semaphore_mem>>) src(%dma_wait3A_166 : memref<10000x128xf32, #tpu.memory_space<hbm>>) dst(%arg11 : memref<80x128xf32, #tpu.memory_space<vmem>>)
      %dma_wait3A_167 = tpu.memref_slice %arg9[%mul3A_161] : memref<10000xi32, #tpu.memory_space<vmem>> -> memref<80xi32, #tpu.memory_space<vmem>>
      %dma_wait3A_168 = arith.constant 0 : i32
      %dma_wait3A_169 = arith.constant 0 : i32
      %dma_wait3A_170 = tpu.memref_slice %arg2[%dma_wait3A_168, %dma_wait3A_169] : memref<10000x128xf32, #tpu.memory_space<hbm>> -> memref<10000x128xf32, #tpu.memory_space<hbm>>
      tpu.wait_indirect_dma semaphore(%arg20 : memref<!tpu.dma_semaphore, #tpu.memory_space<semaphore_mem>>) src(%dma_wait3A_170 : memref<10000x128xf32, #tpu.memory_space<hbm>>) dst(%arg13 : memref<80x128xf32, #tpu.memory_space<vmem>>)
      %dma_wait3A_171 = arith.constant 0 : i32
      %dma_wait3A_172 = tpu.memref_slice %arg3[%add3A_162, %dma_wait3A_171] : memref<320000x16xf32, #tpu.memory_space<hbm>> -> memref<80x16xf32, #tpu.memory_space<hbm>>
      %dma_wait3A_173 = arith.constant 0 : i32
      %dma_wait3A_174 = tpu.memref_slice %arg3[%add3A_162, %dma_wait3A_173] : memref<320000x16xf32, #tpu.memory_space<hbm>> -> memref<80x16xf32, #tpu.memory_space<hbm>>
      tpu.wait_dma2 semaphore(%arg20 : memref<!tpu.dma_semaphore, #tpu.memory_space<semaphore_mem>>) src(%dma_wait3A_174 : memref<80x16xf32, #tpu.memory_space<hbm>>) dst(%arg15 : memref<80x16xf32, #tpu.memory_space<vmem>>)
      %scan3A_175 = arith.constant 0 : i32
      %scan3A_176 = arith.constant 0 : i32
      %scan3A_177 = arith.constant 80 : i32
      %scan3A_178 = arith.addi %scan3A_176, %scan3A_177 : i32
      %scan3A_179 = arith.constant 1 : i32
      scf.for %scan3A_188 = %scan3A_176 to %scan3A_178 step %scan3A_179  : i32 {
        %get3A = arith.index_cast %scan3A_188 : i32 to index
        %get3A_189 = arith.constant 0 : index
        %get3A_190 = tpu.vector_load %arg11[%get3A, %get3A_189] {strides = array<i32>} : memref<80x128xf32, #tpu.memory_space<vmem>>, vector<16xf32>,
        %get3A_191 = arith.index_cast %scan3A_188 : i32 to index
        %get3A_192 = arith.constant 16 : index
        %get3A_193 = tpu.vector_load %arg13[%get3A_191, %get3A_192] {strides = array<i32>} : memref<80x128xf32, #tpu.memory_space<vmem>>, vector<16xf32>,
        %add3A_194 = arith.addf %get3A_190, %get3A_193 : vector<16xf32>
        %get3A_195 = arith.index_cast %scan3A_188 : i32 to index
        %get3A_196 = arith.constant 0 : index
        %get3A_197 = tpu.vector_load %arg15[%get3A_195, %get3A_196] {strides = array<i32>} : memref<80x16xf32, #tpu.memory_space<vmem>>, vector<16xf32>,
        %add3A_198 = arith.addf %add3A_194, %get3A_197 : vector<16xf32>
        %max3A = arith.constant 0.000000e+00 : f32
        %max3A_199 = vector.broadcast %max3A : f32 to vector<16xf32>
        %max3A_200 = arith.maximumf %add3A_198, %max3A_199 : vector<16xf32>
        %swap3A = arith.index_cast %scan3A_188 : i32 to index
        %swap3A_201 = arith.constant 0 : index
        %swap3A_202 = tpu.vector_load %arg17[%swap3A, %swap3A_201] {strides = array<i32>} : memref<80x16xf32, #tpu.memory_space<vmem>>, vector<16xf32>,
        tpu.vector_store %arg17[%swap3A, %swap3A_201], %max3A_200 {strides = array<i32>} : memref<80x16xf32, #tpu.memory_space<vmem>>, vector<16xf32>,
      }
      %scan3A_180 = arith.constant 80 : i32
      %mul3A_181 = arith.constant 80 : i32
      %mul3A_182 = arith.muli %add3A_137, %mul3A_181 : i32
      %add3A_183 = arith.addi %mul3A_2, %mul3A_182 : i32
      %dma_start3A_184 = arith.constant 0 : i32
      %dma_start3A_185 = tpu.memref_slice %arg6[%add3A_183, %dma_start3A_184] : memref<320000x16xf32, #tpu.memory_space<hbm>> -> memref<80x16xf32, #tpu.memory_space<hbm>>
      %dma_start3A_186 = arith.constant 0 : i32
      %dma_start3A_187 = tpu.memref_slice %arg6[%add3A_183, %dma_start3A_186] : memref<320000x16xf32, #tpu.memory_space<hbm>> -> memref<80x16xf32, #tpu.memory_space<hbm>>
      tpu.enqueue_dma source(%arg17 : memref<80x16xf32, #tpu.memory_space<vmem>>) target(%dma_start3A_187 : memref<80x16xf32, #tpu.memory_space<hbm>>) target_semaphore(%arg22 : memref<!tpu.dma_semaphore, #tpu.memory_space<semaphore_mem>>)
    }
    %scan3A_27 = arith.constant 62 : i32
    %add3A_28 = arith.constant 9920 : i32
    %add3A_29 = arith.addi %mul3A_2, %add3A_28 : i32
    %dma_wait3A = arith.constant 0 : i32
    %dma_wait3A_30 = tpu.memref_slice %arg6[%add3A_29, %dma_wait3A] : memref<320000x16xf32, #tpu.memory_space<hbm>> -> memref<80x16xf32, #tpu.memory_space<hbm>>
    %dma_wait3A_31 = arith.constant 0 : i32
    %dma_wait3A_32 = tpu.memref_slice %arg6[%add3A_29, %dma_wait3A_31] : memref<320000x16xf32, #tpu.memory_space<hbm>> -> memref<80x16xf32, #tpu.memory_space<hbm>>
    tpu.wait_dma2 semaphore(%arg21 : memref<!tpu.dma_semaphore, #tpu.memory_space<semaphore_mem>>) src(%arg16 : memref<80x16xf32, #tpu.memory_space<vmem>>) dst(%dma_wait3A_32 : memref<80x16xf32, #tpu.memory_space<hbm>>)
    %add3A_33 = arith.constant 9920 : i32
    %add3A_34 = arith.addi %mul3A_2, %add3A_33 : i32
    %dma_wait3A_35 = arith.constant 9920 : i32
    %dma_wait3A_36 = tpu.memref_slice %arg8[%dma_wait3A_35] : memref<10000xi32, #tpu.memory_space<vmem>> -> memref<80xi32, #tpu.memory_space<vmem>>
    %dma_wait3A_37 = arith.constant 0 : i32
    %dma_wait3A_38 = arith.constant 0 : i32
    %dma_wait3A_39 = tpu.memref_slice %arg2[%dma_wait3A_37, %dma_wait3A_38] : memref<10000x128xf32, #tpu.memory_space<hbm>> -> memref<10000x128xf32, #tpu.memory_space<hbm>>
    tpu.wait_indirect_dma semaphore(%arg19 : memref<!tpu.dma_semaphore, #tpu.memory_space<semaphore_mem>>) src(%dma_wait3A_39 : memref<10000x128xf32, #tpu.memory_space<hbm>>) dst(%arg10 : memref<80x128xf32, #tpu.memory_space<vmem>>)
    %dma_wait3A_40 = arith.constant 9920 : i32
    %dma_wait3A_41 = tpu.memref_slice %arg9[%dma_wait3A_40] : memref<10000xi32, #tpu.memory_space<vmem>> -> memref<80xi32, #tpu.memory_space<vmem>>
    %dma_wait3A_42 = arith.constant 0 : i32
    %dma_wait3A_43 = arith.constant 0 : i32
    %dma_wait3A_44 = tpu.memref_slice %arg2[%dma_wait3A_42, %dma_wait3A_43] : memref<10000x128xf32, #tpu.memory_space<hbm>> -> memref<10000x128xf32, #tpu.memory_space<hbm>>
    tpu.wait_indirect_dma semaphore(%arg19 : memref<!tpu.dma_semaphore, #tpu.memory_space<semaphore_mem>>) src(%dma_wait3A_44 : memref<10000x128xf32, #tpu.memory_space<hbm>>) dst(%arg12 : memref<80x128xf32, #tpu.memory_space<vmem>>)
    %dma_wait3A_45 = arith.constant 0 : i32
    %dma_wait3A_46 = tpu.memref_slice %arg3[%add3A_34, %dma_wait3A_45] : memref<320000x16xf32, #tpu.memory_space<hbm>> -> memref<80x16xf32, #tpu.memory_space<hbm>>
    %dma_wait3A_47 = arith.constant 0 : i32
    %dma_wait3A_48 = tpu.memref_slice %arg3[%add3A_34, %dma_wait3A_47] : memref<320000x16xf32, #tpu.memory_space<hbm>> -> memref<80x16xf32, #tpu.memory_space<hbm>>
    tpu.wait_dma2 semaphore(%arg19 : memref<!tpu.dma_semaphore, #tpu.memory_space<semaphore_mem>>) src(%dma_wait3A_48 : memref<80x16xf32, #tpu.memory_space<hbm>>) dst(%arg14 : memref<80x16xf32, #tpu.memory_space<vmem>>)
    %scan3A_49 = arith.constant 0 : i32
    %scan3A_50 = arith.constant 0 : i32
    %scan3A_51 = arith.constant 80 : i32
    %scan3A_52 = arith.addi %scan3A_50, %scan3A_51 : i32
    %scan3A_53 = arith.constant 1 : i32
    scf.for %scan3A_82 = %scan3A_50 to %scan3A_52 step %scan3A_53  : i32 {
      %get3A = arith.index_cast %scan3A_82 : i32 to index
      %get3A_83 = arith.constant 0 : index
      %get3A_84 = tpu.vector_load %arg10[%get3A, %get3A_83] {strides = array<i32>} : memref<80x128xf32, #tpu.memory_space<vmem>>, vector<16xf32>,
      %get3A_85 = arith.index_cast %scan3A_82 : i32 to index
      %get3A_86 = arith.constant 16 : index
      %get3A_87 = tpu.vector_load %arg12[%get3A_85, %get3A_86] {strides = array<i32>} : memref<80x128xf32, #tpu.memory_space<vmem>>, vector<16xf32>,
      %add3A_88 = arith.addf %get3A_84, %get3A_87 : vector<16xf32>
      %get3A_89 = arith.index_cast %scan3A_82 : i32 to index
      %get3A_90 = arith.constant 0 : index
      %get3A_91 = tpu.vector_load %arg14[%get3A_89, %get3A_90] {strides = array<i32>} : memref<80x16xf32, #tpu.memory_space<vmem>>, vector<16xf32>,
      %add3A_92 = arith.addf %add3A_88, %get3A_91 : vector<16xf32>
      %max3A = arith.constant 0.000000e+00 : f32
      %max3A_93 = vector.broadcast %max3A : f32 to vector<16xf32>
      %max3A_94 = arith.maximumf %add3A_92, %max3A_93 : vector<16xf32>
      %swap3A = arith.index_cast %scan3A_82 : i32 to index
      %swap3A_95 = arith.constant 0 : index
      %swap3A_96 = tpu.vector_load %arg16[%swap3A, %swap3A_95] {strides = array<i32>} : memref<80x16xf32, #tpu.memory_space<vmem>>, vector<16xf32>,
      tpu.vector_store %arg16[%swap3A, %swap3A_95], %max3A_94 {strides = array<i32>} : memref<80x16xf32, #tpu.memory_space<vmem>>, vector<16xf32>,
    }
    %scan3A_54 = arith.constant 80 : i32
    %add3A_55 = arith.constant 9920 : i32
    %add3A_56 = arith.addi %mul3A_2, %add3A_55 : i32
    %dma_start3A_57 = arith.constant 0 : i32
    %dma_start3A_58 = tpu.memref_slice %arg6[%add3A_56, %dma_start3A_57] : memref<320000x16xf32, #tpu.memory_space<hbm>> -> memref<80x16xf32, #tpu.memory_space<hbm>>
    %dma_start3A_59 = arith.constant 0 : i32
    %dma_start3A_60 = tpu.memref_slice %arg6[%add3A_56, %dma_start3A_59] : memref<320000x16xf32, #tpu.memory_space<hbm>> -> memref<80x16xf32, #tpu.memory_space<hbm>>
    tpu.enqueue_dma source(%arg16 : memref<80x16xf32, #tpu.memory_space<vmem>>) target(%dma_start3A_60 : memref<80x16xf32, #tpu.memory_space<hbm>>) target_semaphore(%arg21 : memref<!tpu.dma_semaphore, #tpu.memory_space<semaphore_mem>>)
    %add3A_61 = arith.constant 9840 : i32
    %add3A_62 = arith.addi %mul3A_2, %add3A_61 : i32
    %dma_wait3A_63 = arith.constant 0 : i32
    %dma_wait3A_64 = tpu.memref_slice %arg6[%add3A_62, %dma_wait3A_63] : memref<320000x16xf32, #tpu.memory_space<hbm>> -> memref<80x16xf32, #tpu.memory_space<hbm>>
    %dma_wait3A_65 = arith.constant 0 : i32
    %dma_wait3A_66 = tpu.memref_slice %arg6[%add3A_62, %dma_wait3A_65] : memref<320000x16xf32, #tpu.memory_space<hbm>> -> memref<80x16xf32, #tpu.memory_space<hbm>>
    tpu.wait_dma2 semaphore(%arg22 : memref<!tpu.dma_semaphore, #tpu.memory_space<semaphore_mem>>) src(%arg17 : memref<80x16xf32, #tpu.memory_space<vmem>>) dst(%dma_wait3A_66 : memref<80x16xf32, #tpu.memory_space<hbm>>)
    %add3A_67 = arith.constant 9920 : i32
    %add3A_68 = arith.addi %mul3A_2, %add3A_67 : i32
    %dma_wait3A_69 = arith.constant 0 : i32
    %dma_wait3A_70 = tpu.memref_slice %arg6[%add3A_68, %dma_wait3A_69] : memref<320000x16xf32, #tpu.memory_space<hbm>> -> memref<80x16xf32, #tpu.memory_space<hbm>>
    %dma_wait3A_71 = arith.constant 0 : i32
    %dma_wait3A_72 = tpu.memref_slice %arg6[%add3A_68, %dma_wait3A_71] : memref<320000x16xf32, #tpu.memory_space<hbm>> -> memref<80x16xf32, #tpu.memory_space<hbm>>
    tpu.wait_dma2 semaphore(%arg21 : memref<!tpu.dma_semaphore, #tpu.memory_space<semaphore_mem>>) src(%arg16 : memref<80x16xf32, #tpu.memory_space<vmem>>) dst(%dma_wait3A_72 : memref<80x16xf32, #tpu.memory_space<hbm>>)
    %iota3A = tpu.iota {dimensions = array<i32: 0>} : vector<16xi32>
    %broadcast_in_dim3A = arith.constant 1.000000e+00 : f32
    %broadcast_in_dim3A_73 = vector.broadcast %broadcast_in_dim3A : f32 to vector<16xf32>
    %scan3A_74 = arith.constant 0 : i32
    %scan3A_75 = arith.constant 0 : i32
    %scan3A_76 = arith.constant 625 : i32
    %scan3A_77 = arith.addi %scan3A_75, %scan3A_76 : i32
    %scan3A_78 = arith.constant 1 : i32
    scf.for %scan3A_82 = %scan3A_75 to %scan3A_77 step %scan3A_78  : i32 {
      %mul3A_83 = arith.constant 16 : i32
      %mul3A_84 = arith.muli %mul3A_83, %scan3A_82 : i32
      %get3A = arith.index_cast %mul3A_84 : i32 to index
      %get3A_85 = tpu.vector_load %arg9[%get3A] {strides = array<i32>} : memref<10000xi32, #tpu.memory_space<vmem>>, vector<16xi32>,
      %eq3A = arith.constant 0 : i32
      %eq3A_86 = vector.broadcast %eq3A : i32 to vector<16xi32>
      %eq3A_87 = arith.cmpi eq, %iota3A, %eq3A_86 : vector<16xi32>
      tpu.vector_store_idx %arg18[%get3A_85], %broadcast_in_dim3A_73 masked %eq3A_87 {add = true} : memref<10000xf32, #tpu.memory_space<vmem>>[vector<16xi32>], vector<16xf32>, vector<16xi1>
      %eq3A_88 = arith.constant 1 : i32
      %eq3A_89 = vector.broadcast %eq3A_88 : i32 to vector<16xi32>
      %eq3A_90 = arith.cmpi eq, %iota3A, %eq3A_89 : vector<16xi32>
      tpu.vector_store_idx %arg18[%get3A_85], %broadcast_in_dim3A_73 masked %eq3A_90 {add = true} : memref<10000xf32, #tpu.memory_space<vmem>>[vector<16xi32>], vector<16xf32>, vector<16xi1>
      %eq3A_91 = arith.constant 2 : i32
      %eq3A_92 = vector.broadcast %eq3A_91 : i32 to vector<16xi32>
      %eq3A_93 = arith.cmpi eq, %iota3A, %eq3A_92 : vector<16xi32>
      tpu.vector_store_idx %arg18[%get3A_85], %broadcast_in_dim3A_73 masked %eq3A_93 {add = true} : memref<10000xf32, #tpu.memory_space<vmem>>[vector<16xi32>], vector<16xf32>, vector<16xi1>
      %eq3A_94 = arith.constant 3 : i32
      %eq3A_95 = vector.broadcast %eq3A_94 : i32 to vector<16xi32>
      %eq3A_96 = arith.cmpi eq, %iota3A, %eq3A_95 : vector<16xi32>
      tpu.vector_store_idx %arg18[%get3A_85], %broadcast_in_dim3A_73 masked %eq3A_96 {add = true} : memref<10000xf32, #tpu.memory_space<vmem>>[vector<16xi32>], vector<16xf32>, vector<16xi1>
      %eq3A_97 = arith.constant 4 : i32
      %eq3A_98 = vector.broadcast %eq3A_97 : i32 to vector<16xi32>
      %eq3A_99 = arith.cmpi eq, %iota3A, %eq3A_98 : vector<16xi32>
      tpu.vector_store_idx %arg18[%get3A_85], %broadcast_in_dim3A_73 masked %eq3A_99 {add = true} : memref<10000xf32, #tpu.memory_space<vmem>>[vector<16xi32>], vector<16xf32>, vector<16xi1>
      %eq3A_100 = arith.constant 5 : i32
      %eq3A_101 = vector.broadcast %eq3A_100 : i32 to vector<16xi32>
      %eq3A_102 = arith.cmpi eq, %iota3A, %eq3A_101 : vector<16xi32>
      tpu.vector_store_idx %arg18[%get3A_85], %broadcast_in_dim3A_73 masked %eq3A_102 {add = true} : memref<10000xf32, #tpu.memory_space<vmem>>[vector<16xi32>], vector<16xf32>, vector<16xi1>
      %eq3A_103 = arith.constant 6 : i32
      %eq3A_104 = vector.broadcast %eq3A_103 : i32 to vector<16xi32>
      %eq3A_105 = arith.cmpi eq, %iota3A, %eq3A_104 : vector<16xi32>
      tpu.vector_store_idx %arg18[%get3A_85], %broadcast_in_dim3A_73 masked %eq3A_105 {add = true} : memref<10000xf32, #tpu.memory_space<vmem>>[vector<16xi32>], vector<16xf32>, vector<16xi1>
      %eq3A_106 = arith.constant 7 : i32
      %eq3A_107 = vector.broadcast %eq3A_106 : i32 to vector<16xi32>
      %eq3A_108 = arith.cmpi eq, %iota3A, %eq3A_107 : vector<16xi32>
      tpu.vector_store_idx %arg18[%get3A_85], %broadcast_in_dim3A_73 masked %eq3A_108 {add = true} : memref<10000xf32, #tpu.memory_space<vmem>>[vector<16xi32>], vector<16xf32>, vector<16xi1>
      %eq3A_109 = arith.constant 8 : i32
      %eq3A_110 = vector.broadcast %eq3A_109 : i32 to vector<16xi32>
      %eq3A_111 = arith.cmpi eq, %iota3A, %eq3A_110 : vector<16xi32>
      tpu.vector_store_idx %arg18[%get3A_85], %broadcast_in_dim3A_73 masked %eq3A_111 {add = true} : memref<10000xf32, #tpu.memory_space<vmem>>[vector<16xi32>], vector<16xf32>, vector<16xi1>
      %eq3A_112 = arith.constant 9 : i32
      %eq3A_113 = vector.broadcast %eq3A_112 : i32 to vector<16xi32>
      %eq3A_114 = arith.cmpi eq, %iota3A, %eq3A_113 : vector<16xi32>
      tpu.vector_store_idx %arg18[%get3A_85], %broadcast_in_dim3A_73 masked %eq3A_114 {add = true} : memref<10000xf32, #tpu.memory_space<vmem>>[vector<16xi32>], vector<16xf32>, vector<16xi1>
      %eq3A_115 = arith.constant 10 : i32
      %eq3A_116 = vector.broadcast %eq3A_115 : i32 to vector<16xi32>
      %eq3A_117 = arith.cmpi eq, %iota3A, %eq3A_116 : vector<16xi32>
      tpu.vector_store_idx %arg18[%get3A_85], %broadcast_in_dim3A_73 masked %eq3A_117 {add = true} : memref<10000xf32, #tpu.memory_space<vmem>>[vector<16xi32>], vector<16xf32>, vector<16xi1>
      %eq3A_118 = arith.constant 11 : i32
      %eq3A_119 = vector.broadcast %eq3A_118 : i32 to vector<16xi32>
      %eq3A_120 = arith.cmpi eq, %iota3A, %eq3A_119 : vector<16xi32>
      tpu.vector_store_idx %arg18[%get3A_85], %broadcast_in_dim3A_73 masked %eq3A_120 {add = true} : memref<10000xf32, #tpu.memory_space<vmem>>[vector<16xi32>], vector<16xf32>, vector<16xi1>
      %eq3A_121 = arith.constant 12 : i32
      %eq3A_122 = vector.broadcast %eq3A_121 : i32 to vector<16xi32>
      %eq3A_123 = arith.cmpi eq, %iota3A, %eq3A_122 : vector<16xi32>
      tpu.vector_store_idx %arg18[%get3A_85], %broadcast_in_dim3A_73 masked %eq3A_123 {add = true} : memref<10000xf32, #tpu.memory_space<vmem>>[vector<16xi32>], vector<16xf32>, vector<16xi1>
      %eq3A_124 = arith.constant 13 : i32
      %eq3A_125 = vector.broadcast %eq3A_124 : i32 to vector<16xi32>
      %eq3A_126 = arith.cmpi eq, %iota3A, %eq3A_125 : vector<16xi32>
      tpu.vector_store_idx %arg18[%get3A_85], %broadcast_in_dim3A_73 masked %eq3A_126 {add = true} : memref<10000xf32, #tpu.memory_space<vmem>>[vector<16xi32>], vector<16xf32>, vector<16xi1>
      %eq3A_127 = arith.constant 14 : i32
      %eq3A_128 = vector.broadcast %eq3A_127 : i32 to vector<16xi32>
      %eq3A_129 = arith.cmpi eq, %iota3A, %eq3A_128 : vector<16xi32>
      tpu.vector_store_idx %arg18[%get3A_85], %broadcast_in_dim3A_73 masked %eq3A_129 {add = true} : memref<10000xf32, #tpu.memory_space<vmem>>[vector<16xi32>], vector<16xf32>, vector<16xi1>
      %eq3A_130 = arith.constant 15 : i32
      %eq3A_131 = vector.broadcast %eq3A_130 : i32 to vector<16xi32>
      %eq3A_132 = arith.cmpi eq, %iota3A, %eq3A_131 : vector<16xi32>
      tpu.vector_store_idx %arg18[%get3A_85], %broadcast_in_dim3A_73 masked %eq3A_132 {add = true} : memref<10000xf32, #tpu.memory_space<vmem>>[vector<16xi32>], vector<16xf32>, vector<16xi1>
    }
    %scan3A_79 = arith.constant 625 : i32
    %mul3A_80 = arith.constant 10000 : i32
    %mul3A_81 = arith.muli %add3A, %mul3A_80 : i32
    "tpu.region"() ({
      %run_scoped3A = tpu.sem_alloc : memref<!tpu.dma_semaphore, #tpu.memory_space<semaphore_mem>>
      %dma_start3A_82 = tpu.memref_slice %arg7[%mul3A_81] : memref<320000xf32, #tpu.memory_space<hbm>> -> memref<10000xf32, #tpu.memory_space<hbm>>
      %dma_start3A_83 = tpu.memref_slice %arg7[%mul3A_81] : memref<320000xf32, #tpu.memory_space<hbm>> -> memref<10000xf32, #tpu.memory_space<hbm>>
      tpu.enqueue_dma source(%arg18 : memref<10000xf32, #tpu.memory_space<vmem>>) target(%dma_start3A_83 : memref<10000xf32, #tpu.memory_space<hbm>>) target_semaphore(%run_scoped3A : memref<!tpu.dma_semaphore, #tpu.memory_space<semaphore_mem>>)
      %dma_wait3A_84 = tpu.memref_slice %arg7[%mul3A_81] : memref<320000xf32, #tpu.memory_space<hbm>> -> memref<10000xf32, #tpu.memory_space<hbm>>
      %dma_wait3A_85 = tpu.memref_slice %arg7[%mul3A_81] : memref<320000xf32, #tpu.memory_space<hbm>> -> memref<10000xf32, #tpu.memory_space<hbm>>
      tpu.wait_dma2 semaphore(%run_scoped3A : memref<!tpu.dma_semaphore, #tpu.memory_space<semaphore_mem>>) src(%arg18 : memref<10000xf32, #tpu.memory_space<vmem>>) dst(%dma_wait3A_85 : memref<10000xf32, #tpu.memory_space<hbm>>)
      tpu.yield
    }) : () -> ()
    return
  }
}

#map = affine_map<(d0, d1) -> (0, 0)>
#map1 = affine_map<(d0, d1) -> (0)>
#map2 = affine_map<(d0, d1) -> (0, 0, 0)>
module attributes {stable_mosaic.version = 14 : i64} {
  func.func @_agg_sc(%arg0: i32, %arg1: i32, %arg2: memref<10000x128xf32, #tpu.memory_space<hbm>>, %arg3: memref<320000x128xf32, #tpu.memory_space<hbm>>, %arg4: memref<320000xi32, #tpu.memory_space<hbm>>, %arg5: memref<320000xi32, #tpu.memory_space<hbm>>, %arg6: memref<2x10000x128xf32, #tpu.memory_space<hbm>>, %arg7: memref<80x128xf32, #tpu.memory_space<vmem>>, %arg8: memref<80x128xf32, #tpu.memory_space<vmem>>, %arg9: memref<80x128xf32, #tpu.memory_space<vmem>>, %arg10: memref<80x128xf32, #tpu.memory_space<vmem>>, %arg11: memref<80xi32, #tpu.memory_space<vmem>>, %arg12: memref<80xi32, #tpu.memory_space<vmem>>, %arg13: memref<80xi32, #tpu.memory_space<vmem>>, %arg14: memref<80xi32, #tpu.memory_space<vmem>>, %arg15: memref<80xi32, #tpu.memory_space<vmem>>, %arg16: memref<80xi32, #tpu.memory_space<vmem>>, %arg17: memref<80xi32, #tpu.memory_space<vmem>>, %arg18: memref<80xi32, #tpu.memory_space<vmem>>, %arg19: memref<10000x128xf32, #tpu.memory_space<vmem_shared>>, %arg20: memref<!tpu.dma_semaphore, #tpu.memory_space<semaphore_mem>>, %arg21: memref<!tpu.dma_semaphore, #tpu.memory_space<semaphore_mem>>, %arg22: memref<!tpu.dma_semaphore, #tpu.memory_space<semaphore_mem>>, %arg23: memref<!tpu.dma_semaphore, #tpu.memory_space<semaphore_mem>>, %arg24: memref<!tpu.dma_semaphore, #tpu.memory_space<semaphore_mem>>, %arg25: memref<!tpu.dma_semaphore, #tpu.memory_space<semaphore_mem>>, %arg26: memref<!tpu.dma_semaphore, #tpu.memory_space<semaphore_mem>>, %arg27: memref<!tpu.dma_semaphore, #tpu.memory_space<semaphore_mem>>) attributes {dimension_semantics = [#tpu.dimension_semantics<core_parallel>, #tpu.dimension_semantics<subcore_parallel>], iteration_bounds = array<i64: 2, 16>, scalar_prefetch = 0 : i64, scratch_operands = 21 : i64, tpu.core_type = #tpu.core_type<sc_vector_subcore>, window_params = [{transform_indices = #map}, {transform_indices = #map}, {transform_indices = #map1}, {transform_indices = #map1}, {transform_indices = #map2}]} {
    %mul3A = arith.constant 16 : i32
    %mul3A_0 = arith.muli %arg0, %mul3A : i32
    %add3A = arith.addi %mul3A_0, %arg1 : i32
    %mul3A_1 = arith.constant 10000 : i32
    %mul3A_2 = arith.muli %add3A, %mul3A_1 : i32
    %scan3A = arith.constant 0 : i32
    %scan3A_3 = arith.constant 0 : i32
    %scan3A_4 = arith.constant 80 : i32
    %scan3A_5 = arith.addi %scan3A_3, %scan3A_4 : i32
    %scan3A_6 = arith.constant 1 : i32
    scf.for %scan3A_106 = %scan3A_3 to %scan3A_5 step %scan3A_6  : i32 {
      %broadcast_in_dim3A = arith.constant 0.000000e+00 : f32
      %broadcast_in_dim3A_107 = vector.broadcast %broadcast_in_dim3A : f32 to vector<16xf32>
      %swap3A = arith.index_cast %scan3A_106 : i32 to index
      %swap3A_108 = arith.constant 0 : index
      %swap3A_109 = tpu.vector_load %arg7[%swap3A, %swap3A_108] {strides = array<i32>} : memref<80x128xf32, #tpu.memory_space<vmem>>, vector<16xf32>,
      tpu.vector_store %arg7[%swap3A, %swap3A_108], %broadcast_in_dim3A_107 {strides = array<i32>} : memref<80x128xf32, #tpu.memory_space<vmem>>, vector<16xf32>,
      %broadcast_in_dim3A_110 = arith.constant 0.000000e+00 : f32
      %broadcast_in_dim3A_111 = vector.broadcast %broadcast_in_dim3A_110 : f32 to vector<16xf32>
      %swap3A_112 = arith.index_cast %scan3A_106 : i32 to index
      %swap3A_113 = arith.constant 16 : index
      %swap3A_114 = tpu.vector_load %arg7[%swap3A_112, %swap3A_113] {strides = array<i32>} : memref<80x128xf32, #tpu.memory_space<vmem>>, vector<16xf32>,
      tpu.vector_store %arg7[%swap3A_112, %swap3A_113], %broadcast_in_dim3A_111 {strides = array<i32>} : memref<80x128xf32, #tpu.memory_space<vmem>>, vector<16xf32>,
      %broadcast_in_dim3A_115 = arith.constant 0.000000e+00 : f32
      %broadcast_in_dim3A_116 = vector.broadcast %broadcast_in_dim3A_115 : f32 to vector<16xf32>
      %swap3A_117 = arith.index_cast %scan3A_106 : i32 to index
      %swap3A_118 = arith.constant 32 : index
      %swap3A_119 = tpu.vector_load %arg7[%swap3A_117, %swap3A_118] {strides = array<i32>} : memref<80x128xf32, #tpu.memory_space<vmem>>, vector<16xf32>,
      tpu.vector_store %arg7[%swap3A_117, %swap3A_118], %broadcast_in_dim3A_116 {strides = array<i32>} : memref<80x128xf32, #tpu.memory_space<vmem>>, vector<16xf32>,
      %broadcast_in_dim3A_120 = arith.constant 0.000000e+00 : f32
      %broadcast_in_dim3A_121 = vector.broadcast %broadcast_in_dim3A_120 : f32 to vector<16xf32>
      %swap3A_122 = arith.index_cast %scan3A_106 : i32 to index
      %swap3A_123 = arith.constant 48 : index
      %swap3A_124 = tpu.vector_load %arg7[%swap3A_122, %swap3A_123] {strides = array<i32>} : memref<80x128xf32, #tpu.memory_space<vmem>>, vector<16xf32>,
      tpu.vector_store %arg7[%swap3A_122, %swap3A_123], %broadcast_in_dim3A_121 {strides = array<i32>} : memref<80x128xf32, #tpu.memory_space<vmem>>, vector<16xf32>,
      %broadcast_in_dim3A_125 = arith.constant 0.000000e+00 : f32
      %broadcast_in_dim3A_126 = vector.broadcast %broadcast_in_dim3A_125 : f32 to vector<16xf32>
      %swap3A_127 = arith.index_cast %scan3A_106 : i32 to index
      %swap3A_128 = arith.constant 64 : index
      %swap3A_129 = tpu.vector_load %arg7[%swap3A_127, %swap3A_128] {strides = array<i32>} : memref<80x128xf32, #tpu.memory_space<vmem>>, vector<16xf32>,
      tpu.vector_store %arg7[%swap3A_127, %swap3A_128], %broadcast_in_dim3A_126 {strides = array<i32>} : memref<80x128xf32, #tpu.memory_space<vmem>>, vector<16xf32>,
      %broadcast_in_dim3A_130 = arith.constant 0.000000e+00 : f32
      %broadcast_in_dim3A_131 = vector.broadcast %broadcast_in_dim3A_130 : f32 to vector<16xf32>
      %swap3A_132 = arith.index_cast %scan3A_106 : i32 to index
      %swap3A_133 = arith.constant 80 : index
      %swap3A_134 = tpu.vector_load %arg7[%swap3A_132, %swap3A_133] {strides = array<i32>} : memref<80x128xf32, #tpu.memory_space<vmem>>, vector<16xf32>,
      tpu.vector_store %arg7[%swap3A_132, %swap3A_133], %broadcast_in_dim3A_131 {strides = array<i32>} : memref<80x128xf32, #tpu.memory_space<vmem>>, vector<16xf32>,
      %broadcast_in_dim3A_135 = arith.constant 0.000000e+00 : f32
      %broadcast_in_dim3A_136 = vector.broadcast %broadcast_in_dim3A_135 : f32 to vector<16xf32>
      %swap3A_137 = arith.index_cast %scan3A_106 : i32 to index
      %swap3A_138 = arith.constant 96 : index
      %swap3A_139 = tpu.vector_load %arg7[%swap3A_137, %swap3A_138] {strides = array<i32>} : memref<80x128xf32, #tpu.memory_space<vmem>>, vector<16xf32>,
      tpu.vector_store %arg7[%swap3A_137, %swap3A_138], %broadcast_in_dim3A_136 {strides = array<i32>} : memref<80x128xf32, #tpu.memory_space<vmem>>, vector<16xf32>,
      %broadcast_in_dim3A_140 = arith.constant 0.000000e+00 : f32
      %broadcast_in_dim3A_141 = vector.broadcast %broadcast_in_dim3A_140 : f32 to vector<16xf32>
      %swap3A_142 = arith.index_cast %scan3A_106 : i32 to index
      %swap3A_143 = arith.constant 112 : index
      %swap3A_144 = tpu.vector_load %arg7[%swap3A_142, %swap3A_143] {strides = array<i32>} : memref<80x128xf32, #tpu.memory_space<vmem>>, vector<16xf32>,
      tpu.vector_store %arg7[%swap3A_142, %swap3A_143], %broadcast_in_dim3A_141 {strides = array<i32>} : memref<80x128xf32, #tpu.memory_space<vmem>>, vector<16xf32>,
    }
    %scan3A_7 = arith.constant 80 : i32
    %mul3A_8 = arith.constant 624 : i32
    %mul3A_9 = arith.muli %arg1, %mul3A_8 : i32
    %add3A_10 = arith.constant 0 : i32
    %add3A_11 = arith.addi %mul3A_9, %add3A_10 : i32
    "tpu.region"() ({
      %run_scoped3A = tpu.sem_alloc : memref<!tpu.dma_semaphore, #tpu.memory_space<semaphore_mem>>
      %dma_start3A_106 = arith.constant 0 : i32
      %dma_start3A_107 = tpu.memref_slice %arg19[%add3A_11, %dma_start3A_106] : memref<10000x128xf32, #tpu.memory_space<vmem_shared>> -> memref<80x128xf32, #tpu.memory_space<vmem_shared>>
      %dma_start3A_108 = arith.constant 0 : i32
      %dma_start3A_109 = tpu.memref_slice %arg19[%add3A_11, %dma_start3A_108] : memref<10000x128xf32, #tpu.memory_space<vmem_shared>> -> memref<80x128xf32, #tpu.memory_space<vmem_shared>>
      tpu.enqueue_dma source(%arg7 : memref<80x128xf32, #tpu.memory_space<vmem>>) target(%dma_start3A_109 : memref<80x128xf32, #tpu.memory_space<vmem_shared>>) target_semaphore(%run_scoped3A : memref<!tpu.dma_semaphore, #tpu.memory_space<semaphore_mem>>)
      %dma_wait3A_110 = arith.constant 0 : i32
      %dma_wait3A_111 = tpu.memref_slice %arg19[%add3A_11, %dma_wait3A_110] : memref<10000x128xf32, #tpu.memory_space<vmem_shared>> -> memref<80x128xf32, #tpu.memory_space<vmem_shared>>
      %dma_wait3A_112 = arith.constant 0 : i32
      %dma_wait3A_113 = tpu.memref_slice %arg19[%add3A_11, %dma_wait3A_112] : memref<10000x128xf32, #tpu.memory_space<vmem_shared>> -> memref<80x128xf32, #tpu.memory_space<vmem_shared>>
      tpu.wait_dma2 semaphore(%run_scoped3A : memref<!tpu.dma_semaphore, #tpu.memory_space<semaphore_mem>>) src(%arg7 : memref<80x128xf32, #tpu.memory_space<vmem>>) dst(%dma_wait3A_113 : memref<80x128xf32, #tpu.memory_space<vmem_shared>>)
      tpu.yield
    }) : () -> ()
    %mul3A_12 = arith.constant 624 : i32
    %mul3A_13 = arith.muli %arg1, %mul3A_12 : i32
    %add3A_14 = arith.constant 80 : i32
    %add3A_15 = arith.addi %mul3A_13, %add3A_14 : i32
    "tpu.region"() ({
      %run_scoped3A = tpu.sem_alloc : memref<!tpu.dma_semaphore, #tpu.memory_space<semaphore_mem>>
      %dma_start3A_106 = arith.constant 0 : i32
      %dma_start3A_107 = tpu.memref_slice %arg19[%add3A_15, %dma_start3A_106] : memref<10000x128xf32, #tpu.memory_space<vmem_shared>> -> memref<80x128xf32, #tpu.memory_space<vmem_shared>>
      %dma_start3A_108 = arith.constant 0 : i32
      %dma_start3A_109 = tpu.memref_slice %arg19[%add3A_15, %dma_start3A_108] : memref<10000x128xf32, #tpu.memory_space<vmem_shared>> -> memref<80x128xf32, #tpu.memory_space<vmem_shared>>
      tpu.enqueue_dma source(%arg7 : memref<80x128xf32, #tpu.memory_space<vmem>>) target(%dma_start3A_109 : memref<80x128xf32, #tpu.memory_space<vmem_shared>>) target_semaphore(%run_scoped3A : memref<!tpu.dma_semaphore, #tpu.memory_space<semaphore_mem>>)
      %dma_wait3A_110 = arith.constant 0 : i32
      %dma_wait3A_111 = tpu.memref_slice %arg19[%add3A_15, %dma_wait3A_110] : memref<10000x128xf32, #tpu.memory_space<vmem_shared>> -> memref<80x128xf32, #tpu.memory_space<vmem_shared>>
      %dma_wait3A_112 = arith.constant 0 : i32
      %dma_wait3A_113 = tpu.memref_slice %arg19[%add3A_15, %dma_wait3A_112] : memref<10000x128xf32, #tpu.memory_space<vmem_shared>> -> memref<80x128xf32, #tpu.memory_space<vmem_shared>>
      tpu.wait_dma2 semaphore(%run_scoped3A : memref<!tpu.dma_semaphore, #tpu.memory_space<semaphore_mem>>) src(%arg7 : memref<80x128xf32, #tpu.memory_space<vmem>>) dst(%dma_wait3A_113 : memref<80x128xf32, #tpu.memory_space<vmem_shared>>)
      tpu.yield
    }) : () -> ()
    %mul3A_16 = arith.constant 624 : i32
    %mul3A_17 = arith.muli %arg1, %mul3A_16 : i32
    %add3A_18 = arith.constant 160 : i32
    %add3A_19 = arith.addi %mul3A_17, %add3A_18 : i32
    "tpu.region"() ({
      %run_scoped3A = tpu.sem_alloc : memref<!tpu.dma_semaphore, #tpu.memory_space<semaphore_mem>>
      %dma_start3A_106 = arith.constant 0 : i32
      %dma_start3A_107 = tpu.memref_slice %arg19[%add3A_19, %dma_start3A_106] : memref<10000x128xf32, #tpu.memory_space<vmem_shared>> -> memref<80x128xf32, #tpu.memory_space<vmem_shared>>
      %dma_start3A_108 = arith.constant 0 : i32
      %dma_start3A_109 = tpu.memref_slice %arg19[%add3A_19, %dma_start3A_108] : memref<10000x128xf32, #tpu.memory_space<vmem_shared>> -> memref<80x128xf32, #tpu.memory_space<vmem_shared>>
      tpu.enqueue_dma source(%arg7 : memref<80x128xf32, #tpu.memory_space<vmem>>) target(%dma_start3A_109 : memref<80x128xf32, #tpu.memory_space<vmem_shared>>) target_semaphore(%run_scoped3A : memref<!tpu.dma_semaphore, #tpu.memory_space<semaphore_mem>>)
      %dma_wait3A_110 = arith.constant 0 : i32
      %dma_wait3A_111 = tpu.memref_slice %arg19[%add3A_19, %dma_wait3A_110] : memref<10000x128xf32, #tpu.memory_space<vmem_shared>> -> memref<80x128xf32, #tpu.memory_space<vmem_shared>>
      %dma_wait3A_112 = arith.constant 0 : i32
      %dma_wait3A_113 = tpu.memref_slice %arg19[%add3A_19, %dma_wait3A_112] : memref<10000x128xf32, #tpu.memory_space<vmem_shared>> -> memref<80x128xf32, #tpu.memory_space<vmem_shared>>
      tpu.wait_dma2 semaphore(%run_scoped3A : memref<!tpu.dma_semaphore, #tpu.memory_space<semaphore_mem>>) src(%arg7 : memref<80x128xf32, #tpu.memory_space<vmem>>) dst(%dma_wait3A_113 : memref<80x128xf32, #tpu.memory_space<vmem_shared>>)
      tpu.yield
    }) : () -> ()
    %mul3A_20 = arith.constant 624 : i32
    %mul3A_21 = arith.muli %arg1, %mul3A_20 : i32
    %add3A_22 = arith.constant 240 : i32
    %add3A_23 = arith.addi %mul3A_21, %add3A_22 : i32
    "tpu.region"() ({
      %run_scoped3A = tpu.sem_alloc : memref<!tpu.dma_semaphore, #tpu.memory_space<semaphore_mem>>
      %dma_start3A_106 = arith.constant 0 : i32
      %dma_start3A_107 = tpu.memref_slice %arg19[%add3A_23, %dma_start3A_106] : memref<10000x128xf32, #tpu.memory_space<vmem_shared>> -> memref<80x128xf32, #tpu.memory_space<vmem_shared>>
      %dma_start3A_108 = arith.constant 0 : i32
      %dma_start3A_109 = tpu.memref_slice %arg19[%add3A_23, %dma_start3A_108] : memref<10000x128xf32, #tpu.memory_space<vmem_shared>> -> memref<80x128xf32, #tpu.memory_space<vmem_shared>>
      tpu.enqueue_dma source(%arg7 : memref<80x128xf32, #tpu.memory_space<vmem>>) target(%dma_start3A_109 : memref<80x128xf32, #tpu.memory_space<vmem_shared>>) target_semaphore(%run_scoped3A : memref<!tpu.dma_semaphore, #tpu.memory_space<semaphore_mem>>)
      %dma_wait3A_110 = arith.constant 0 : i32
      %dma_wait3A_111 = tpu.memref_slice %arg19[%add3A_23, %dma_wait3A_110] : memref<10000x128xf32, #tpu.memory_space<vmem_shared>> -> memref<80x128xf32, #tpu.memory_space<vmem_shared>>
      %dma_wait3A_112 = arith.constant 0 : i32
      %dma_wait3A_113 = tpu.memref_slice %arg19[%add3A_23, %dma_wait3A_112] : memref<10000x128xf32, #tpu.memory_space<vmem_shared>> -> memref<80x128xf32, #tpu.memory_space<vmem_shared>>
      tpu.wait_dma2 semaphore(%run_scoped3A : memref<!tpu.dma_semaphore, #tpu.memory_space<semaphore_mem>>) src(%arg7 : memref<80x128xf32, #tpu.memory_space<vmem>>) dst(%dma_wait3A_113 : memref<80x128xf32, #tpu.memory_space<vmem_shared>>)
      tpu.yield
    }) : () -> ()
    %mul3A_24 = arith.constant 624 : i32
    %mul3A_25 = arith.muli %arg1, %mul3A_24 : i32
    %add3A_26 = arith.constant 320 : i32
    %add3A_27 = arith.addi %mul3A_25, %add3A_26 : i32
    "tpu.region"() ({
      %run_scoped3A = tpu.sem_alloc : memref<!tpu.dma_semaphore, #tpu.memory_space<semaphore_mem>>
      %dma_start3A_106 = arith.constant 0 : i32
      %dma_start3A_107 = tpu.memref_slice %arg19[%add3A_27, %dma_start3A_106] : memref<10000x128xf32, #tpu.memory_space<vmem_shared>> -> memref<80x128xf32, #tpu.memory_space<vmem_shared>>
      %dma_start3A_108 = arith.constant 0 : i32
      %dma_start3A_109 = tpu.memref_slice %arg19[%add3A_27, %dma_start3A_108] : memref<10000x128xf32, #tpu.memory_space<vmem_shared>> -> memref<80x128xf32, #tpu.memory_space<vmem_shared>>
      tpu.enqueue_dma source(%arg7 : memref<80x128xf32, #tpu.memory_space<vmem>>) target(%dma_start3A_109 : memref<80x128xf32, #tpu.memory_space<vmem_shared>>) target_semaphore(%run_scoped3A : memref<!tpu.dma_semaphore, #tpu.memory_space<semaphore_mem>>)
      %dma_wait3A_110 = arith.constant 0 : i32
      %dma_wait3A_111 = tpu.memref_slice %arg19[%add3A_27, %dma_wait3A_110] : memref<10000x128xf32, #tpu.memory_space<vmem_shared>> -> memref<80x128xf32, #tpu.memory_space<vmem_shared>>
      %dma_wait3A_112 = arith.constant 0 : i32
      %dma_wait3A_113 = tpu.memref_slice %arg19[%add3A_27, %dma_wait3A_112] : memref<10000x128xf32, #tpu.memory_space<vmem_shared>> -> memref<80x128xf32, #tpu.memory_space<vmem_shared>>
      tpu.wait_dma2 semaphore(%run_scoped3A : memref<!tpu.dma_semaphore, #tpu.memory_space<semaphore_mem>>) src(%arg7 : memref<80x128xf32, #tpu.memory_space<vmem>>) dst(%dma_wait3A_113 : memref<80x128xf32, #tpu.memory_space<vmem_shared>>)
      tpu.yield
    }) : () -> ()
    %mul3A_28 = arith.constant 624 : i32
    %mul3A_29 = arith.muli %arg1, %mul3A_28 : i32
    %add3A_30 = arith.constant 400 : i32
    %add3A_31 = arith.addi %mul3A_29, %add3A_30 : i32
    "tpu.region"() ({
      %run_scoped3A = tpu.sem_alloc : memref<!tpu.dma_semaphore, #tpu.memory_space<semaphore_mem>>
      %dma_start3A_106 = arith.constant 0 : i32
      %dma_start3A_107 = tpu.memref_slice %arg19[%add3A_31, %dma_start3A_106] : memref<10000x128xf32, #tpu.memory_space<vmem_shared>> -> memref<80x128xf32, #tpu.memory_space<vmem_shared>>
      %dma_start3A_108 = arith.constant 0 : i32
      %dma_start3A_109 = tpu.memref_slice %arg19[%add3A_31, %dma_start3A_108] : memref<10000x128xf32, #tpu.memory_space<vmem_shared>> -> memref<80x128xf32, #tpu.memory_space<vmem_shared>>
      tpu.enqueue_dma source(%arg7 : memref<80x128xf32, #tpu.memory_space<vmem>>) target(%dma_start3A_109 : memref<80x128xf32, #tpu.memory_space<vmem_shared>>) target_semaphore(%run_scoped3A : memref<!tpu.dma_semaphore, #tpu.memory_space<semaphore_mem>>)
      %dma_wait3A_110 = arith.constant 0 : i32
      %dma_wait3A_111 = tpu.memref_slice %arg19[%add3A_31, %dma_wait3A_110] : memref<10000x128xf32, #tpu.memory_space<vmem_shared>> -> memref<80x128xf32, #tpu.memory_space<vmem_shared>>
      %dma_wait3A_112 = arith.constant 0 : i32
      %dma_wait3A_113 = tpu.memref_slice %arg19[%add3A_31, %dma_wait3A_112] : memref<10000x128xf32, #tpu.memory_space<vmem_shared>> -> memref<80x128xf32, #tpu.memory_space<vmem_shared>>
      tpu.wait_dma2 semaphore(%run_scoped3A : memref<!tpu.dma_semaphore, #tpu.memory_space<semaphore_mem>>) src(%arg7 : memref<80x128xf32, #tpu.memory_space<vmem>>) dst(%dma_wait3A_113 : memref<80x128xf32, #tpu.memory_space<vmem_shared>>)
      tpu.yield
    }) : () -> ()
    %mul3A_32 = arith.constant 624 : i32
    %mul3A_33 = arith.muli %arg1, %mul3A_32 : i32
    %add3A_34 = arith.constant 480 : i32
    %add3A_35 = arith.addi %mul3A_33, %add3A_34 : i32
    "tpu.region"() ({
      %run_scoped3A = tpu.sem_alloc : memref<!tpu.dma_semaphore, #tpu.memory_space<semaphore_mem>>
      %dma_start3A_106 = arith.constant 0 : i32
      %dma_start3A_107 = tpu.memref_slice %arg19[%add3A_35, %dma_start3A_106] : memref<10000x128xf32, #tpu.memory_space<vmem_shared>> -> memref<80x128xf32, #tpu.memory_space<vmem_shared>>
      %dma_start3A_108 = arith.constant 0 : i32
      %dma_start3A_109 = tpu.memref_slice %arg19[%add3A_35, %dma_start3A_108] : memref<10000x128xf32, #tpu.memory_space<vmem_shared>> -> memref<80x128xf32, #tpu.memory_space<vmem_shared>>
      tpu.enqueue_dma source(%arg7 : memref<80x128xf32, #tpu.memory_space<vmem>>) target(%dma_start3A_109 : memref<80x128xf32, #tpu.memory_space<vmem_shared>>) target_semaphore(%run_scoped3A : memref<!tpu.dma_semaphore, #tpu.memory_space<semaphore_mem>>)
      %dma_wait3A_110 = arith.constant 0 : i32
      %dma_wait3A_111 = tpu.memref_slice %arg19[%add3A_35, %dma_wait3A_110] : memref<10000x128xf32, #tpu.memory_space<vmem_shared>> -> memref<80x128xf32, #tpu.memory_space<vmem_shared>>
      %dma_wait3A_112 = arith.constant 0 : i32
      %dma_wait3A_113 = tpu.memref_slice %arg19[%add3A_35, %dma_wait3A_112] : memref<10000x128xf32, #tpu.memory_space<vmem_shared>> -> memref<80x128xf32, #tpu.memory_space<vmem_shared>>
      tpu.wait_dma2 semaphore(%run_scoped3A : memref<!tpu.dma_semaphore, #tpu.memory_space<semaphore_mem>>) src(%arg7 : memref<80x128xf32, #tpu.memory_space<vmem>>) dst(%dma_wait3A_113 : memref<80x128xf32, #tpu.memory_space<vmem_shared>>)
      tpu.yield
    }) : () -> ()
    %mul3A_36 = arith.constant 624 : i32
    %mul3A_37 = arith.muli %arg1, %mul3A_36 : i32
    %add3A_38 = arith.constant 560 : i32
    %add3A_39 = arith.addi %mul3A_37, %add3A_38 : i32
    "tpu.region"() ({
      %run_scoped3A = tpu.sem_alloc : memref<!tpu.dma_semaphore, #tpu.memory_space<semaphore_mem>>
      %dma_start3A_106 = arith.constant 0 : i32
      %dma_start3A_107 = arith.constant 0 : i32
      %dma_start3A_108 = tpu.memref_slice %arg7[%dma_start3A_106, %dma_start3A_107] : memref<80x128xf32, #tpu.memory_space<vmem>> -> memref<64x128xf32, #tpu.memory_space<vmem>>
      %dma_start3A_109 = arith.constant 0 : i32
      %dma_start3A_110 = tpu.memref_slice %arg19[%add3A_39, %dma_start3A_109] : memref<10000x128xf32, #tpu.memory_space<vmem_shared>> -> memref<64x128xf32, #tpu.memory_space<vmem_shared>>
      %dma_start3A_111 = arith.constant 0 : i32
      %dma_start3A_112 = tpu.memref_slice %arg19[%add3A_39, %dma_start3A_111] : memref<10000x128xf32, #tpu.memory_space<vmem_shared>> -> memref<64x128xf32, #tpu.memory_space<vmem_shared>>
      %dma_start3A_113 = arith.constant 0 : i32
      %dma_start3A_114 = arith.constant 0 : i32
      %dma_start3A_115 = tpu.memref_slice %arg7[%dma_start3A_113, %dma_start3A_114] : memref<80x128xf32, #tpu.memory_space<vmem>> -> memref<64x128xf32, #tpu.memory_space<vmem>>
      tpu.enqueue_dma source(%dma_start3A_115 : memref<64x128xf32, #tpu.memory_space<vmem>>) target(%dma_start3A_112 : memref<64x128xf32, #tpu.memory_space<vmem_shared>>) target_semaphore(%run_scoped3A : memref<!tpu.dma_semaphore, #tpu.memory_space<semaphore_mem>>)
      %dma_wait3A_116 = arith.constant 0 : i32
      %dma_wait3A_117 = arith.constant 0 : i32
      %dma_wait3A_118 = tpu.memref_slice %arg7[%dma_wait3A_116, %dma_wait3A_117] : memref<80x128xf32, #tpu.memory_space<vmem>> -> memref<64x128xf32, #tpu.memory_space<vmem>>
      %dma_wait3A_119 = arith.constant 0 : i32
      %dma_wait3A_120 = tpu.memref_slice %arg19[%add3A_39, %dma_wait3A_119] : memref<10000x128xf32, #tpu.memory_space<vmem_shared>> -> memref<64x128xf32, #tpu.memory_space<vmem_shared>>
      %dma_wait3A_121 = arith.constant 0 : i32
      %dma_wait3A_122 = tpu.memref_slice %arg19[%add3A_39, %dma_wait3A_121] : memref<10000x128xf32, #tpu.memory_space<vmem_shared>> -> memref<64x128xf32, #tpu.memory_space<vmem_shared>>
      %dma_wait3A_123 = arith.constant 0 : i32
      %dma_wait3A_124 = arith.constant 0 : i32
      %dma_wait3A_125 = tpu.memref_slice %arg7[%dma_wait3A_123, %dma_wait3A_124] : memref<80x128xf32, #tpu.memory_space<vmem>> -> memref<64x128xf32, #tpu.memory_space<vmem>>
      tpu.wait_dma2 semaphore(%run_scoped3A : memref<!tpu.dma_semaphore, #tpu.memory_space<semaphore_mem>>) src(%dma_wait3A_125 : memref<64x128xf32, #tpu.memory_space<vmem>>) dst(%dma_wait3A_122 : memref<64x128xf32, #tpu.memory_space<vmem_shared>>)
      tpu.yield
    }) : () -> ()
    %eq3A = arith.constant 15 : i32
    %eq3A_40 = arith.cmpi eq, %arg1, %eq3A : i32
    %convert_element_type3A = arith.extui %eq3A_40 : i1 to i32
    %cond3A = arith.constant 0 : i32
    %cond3A_41 = arith.cmpi ne, %convert_element_type3A, %cond3A : i32
    scf.if %cond3A_41 {
      "tpu.region"() ({
        %run_scoped3A = tpu.sem_alloc : memref<!tpu.dma_semaphore, #tpu.memory_space<semaphore_mem>>
        %dma_start3A_106 = arith.constant 0 : i32
        %dma_start3A_107 = arith.constant 0 : i32
        %dma_start3A_108 = tpu.memref_slice %arg7[%dma_start3A_106, %dma_start3A_107] : memref<80x128xf32, #tpu.memory_space<vmem>> -> memref<16x128xf32, #tpu.memory_space<vmem>>
        %dma_start3A_109 = arith.constant 9984 : i32
        %dma_start3A_110 = arith.constant 0 : i32
        %dma_start3A_111 = tpu.memref_slice %arg19[%dma_start3A_109, %dma_start3A_110] : memref<10000x128xf32, #tpu.memory_space<vmem_shared>> -> memref<16x128xf32, #tpu.memory_space<vmem_shared>>
        %dma_start3A_112 = arith.constant 9984 : i32
        %dma_start3A_113 = arith.constant 0 : i32
        %dma_start3A_114 = tpu.memref_slice %arg19[%dma_start3A_112, %dma_start3A_113] : memref<10000x128xf32, #tpu.memory_space<vmem_shared>> -> memref<16x128xf32, #tpu.memory_space<vmem_shared>>
        %dma_start3A_115 = arith.constant 0 : i32
        %dma_start3A_116 = arith.constant 0 : i32
        %dma_start3A_117 = tpu.memref_slice %arg7[%dma_start3A_115, %dma_start3A_116] : memref<80x128xf32, #tpu.memory_space<vmem>> -> memref<16x128xf32, #tpu.memory_space<vmem>>
        tpu.enqueue_dma source(%dma_start3A_117 : memref<16x128xf32, #tpu.memory_space<vmem>>) target(%dma_start3A_114 : memref<16x128xf32, #tpu.memory_space<vmem_shared>>) target_semaphore(%run_scoped3A : memref<!tpu.dma_semaphore, #tpu.memory_space<semaphore_mem>>)
        %dma_wait3A_118 = arith.constant 0 : i32
        %dma_wait3A_119 = arith.constant 0 : i32
        %dma_wait3A_120 = tpu.memref_slice %arg7[%dma_wait3A_118, %dma_wait3A_119] : memref<80x128xf32, #tpu.memory_space<vmem>> -> memref<16x128xf32, #tpu.memory_space<vmem>>
        %dma_wait3A_121 = arith.constant 9984 : i32
        %dma_wait3A_122 = arith.constant 0 : i32
        %dma_wait3A_123 = tpu.memref_slice %arg19[%dma_wait3A_121, %dma_wait3A_122] : memref<10000x128xf32, #tpu.memory_space<vmem_shared>> -> memref<16x128xf32, #tpu.memory_space<vmem_shared>>
        %dma_wait3A_124 = arith.constant 9984 : i32
        %dma_wait3A_125 = arith.constant 0 : i32
        %dma_wait3A_126 = tpu.memref_slice %arg19[%dma_wait3A_124, %dma_wait3A_125] : memref<10000x128xf32, #tpu.memory_space<vmem_shared>> -> memref<16x128xf32, #tpu.memory_space<vmem_shared>>
        %dma_wait3A_127 = arith.constant 0 : i32
        %dma_wait3A_128 = arith.constant 0 : i32
        %dma_wait3A_129 = tpu.memref_slice %arg7[%dma_wait3A_127, %dma_wait3A_128] : memref<80x128xf32, #tpu.memory_space<vmem>> -> memref<16x128xf32, #tpu.memory_space<vmem>>
        tpu.wait_dma2 semaphore(%run_scoped3A : memref<!tpu.dma_semaphore, #tpu.memory_space<semaphore_mem>>) src(%dma_wait3A_129 : memref<16x128xf32, #tpu.memory_space<vmem>>) dst(%dma_wait3A_126 : memref<16x128xf32, #tpu.memory_space<vmem_shared>>)
        tpu.yield
      }) : () -> ()
    } else {
    }
    %barrier3A = arith.constant 0 : index
    tpu.barrier barrier_id(%barrier3A)
    %add3A_42 = arith.constant 0 : i32
    %add3A_43 = arith.addi %mul3A_2, %add3A_42 : i32
    %dma_start3A = tpu.memref_slice %arg4[%add3A_43] : memref<320000xi32, #tpu.memory_space<hbm>> -> memref<80xi32, #tpu.memory_space<hbm>>
    %dma_start3A_44 = tpu.memref_slice %arg4[%add3A_43] : memref<320000xi32, #tpu.memory_space<hbm>> -> memref<80xi32, #tpu.memory_space<hbm>>
    tpu.enqueue_dma source(%dma_start3A_44 : memref<80xi32, #tpu.memory_space<hbm>>) target(%arg11 : memref<80xi32, #tpu.memory_space<vmem>>) target_semaphore(%arg22 : memref<!tpu.dma_semaphore, #tpu.memory_space<semaphore_mem>>)
    %dma_start3A_45 = tpu.memref_slice %arg5[%add3A_43] : memref<320000xi32, #tpu.memory_space<hbm>> -> memref<80xi32, #tpu.memory_space<hbm>>
    %dma_start3A_46 = tpu.memref_slice %arg5[%add3A_43] : memref<320000xi32, #tpu.memory_space<hbm>> -> memref<80xi32, #tpu.memory_space<hbm>>
    tpu.enqueue_dma source(%dma_start3A_46 : memref<80xi32, #tpu.memory_space<hbm>>) target(%arg15 : memref<80xi32, #tpu.memory_space<vmem>>) target_semaphore(%arg22 : memref<!tpu.dma_semaphore, #tpu.memory_space<semaphore_mem>>)
    %add3A_47 = arith.constant 80 : i32
    %add3A_48 = arith.addi %mul3A_2, %add3A_47 : i32
    %dma_start3A_49 = tpu.memref_slice %arg4[%add3A_48] : memref<320000xi32, #tpu.memory_space<hbm>> -> memref<80xi32, #tpu.memory_space<hbm>>
    %dma_start3A_50 = tpu.memref_slice %arg4[%add3A_48] : memref<320000xi32, #tpu.memory_space<hbm>> -> memref<80xi32, #tpu.memory_space<hbm>>
    tpu.enqueue_dma source(%dma_start3A_50 : memref<80xi32, #tpu.memory_space<hbm>>) target(%arg12 : memref<80xi32, #tpu.memory_space<vmem>>) target_semaphore(%arg23 : memref<!tpu.dma_semaphore, #tpu.memory_space<semaphore_mem>>)
    %dma_start3A_51 = tpu.memref_slice %arg5[%add3A_48] : memref<320000xi32, #tpu.memory_space<hbm>> -> memref<80xi32, #tpu.memory_space<hbm>>
    %dma_start3A_52 = tpu.memref_slice %arg5[%add3A_48] : memref<320000xi32, #tpu.memory_space<hbm>> -> memref<80xi32, #tpu.memory_space<hbm>>
    tpu.enqueue_dma source(%dma_start3A_52 : memref<80xi32, #tpu.memory_space<hbm>>) target(%arg16 : memref<80xi32, #tpu.memory_space<vmem>>) target_semaphore(%arg23 : memref<!tpu.dma_semaphore, #tpu.memory_space<semaphore_mem>>)
    %add3A_53 = arith.constant 0 : i32
    %add3A_54 = arith.addi %mul3A_2, %add3A_53 : i32
    %dma_wait3A = tpu.memref_slice %arg4[%add3A_54] : memref<320000xi32, #tpu.memory_space<hbm>> -> memref<80xi32, #tpu.memory_space<hbm>>
    %dma_wait3A_55 = tpu.memref_slice %arg4[%add3A_54] : memref<320000xi32, #tpu.memory_space<hbm>> -> memref<80xi32, #tpu.memory_space<hbm>>
    tpu.wait_dma2 semaphore(%arg22 : memref<!tpu.dma_semaphore, #tpu.memory_space<semaphore_mem>>) src(%dma_wait3A_55 : memref<80xi32, #tpu.memory_space<hbm>>) dst(%arg11 : memref<80xi32, #tpu.memory_space<vmem>>)
    %dma_wait3A_56 = tpu.memref_slice %arg5[%add3A_54] : memref<320000xi32, #tpu.memory_space<hbm>> -> memref<80xi32, #tpu.memory_space<hbm>>
    %dma_wait3A_57 = tpu.memref_slice %arg5[%add3A_54] : memref<320000xi32, #tpu.memory_space<hbm>> -> memref<80xi32, #tpu.memory_space<hbm>>
    tpu.wait_dma2 semaphore(%arg22 : memref<!tpu.dma_semaphore, #tpu.memory_space<semaphore_mem>>) src(%dma_wait3A_57 : memref<80xi32, #tpu.memory_space<hbm>>) dst(%arg15 : memref<80xi32, #tpu.memory_space<vmem>>)
    %add3A_58 = arith.constant 0 : i32
    %add3A_59 = arith.addi %mul3A_2, %add3A_58 : i32
    %dma_start3A_60 = arith.constant 0 : i32
    %dma_start3A_61 = arith.constant 0 : i32
    %dma_start3A_62 = tpu.memref_slice %arg2[%dma_start3A_60, %dma_start3A_61] : memref<10000x128xf32, #tpu.memory_space<hbm>> -> memref<10000x128xf32, #tpu.memory_space<hbm>>
    tpu.enqueue_indirect_dma source(%dma_start3A_62 : memref<10000x128xf32, #tpu.memory_space<hbm>>) target(%arg7 : memref<80x128xf32, #tpu.memory_space<vmem>>) offsets(%arg11 : memref<80xi32, #tpu.memory_space<vmem>>) semaphore(%arg20 : memref<!tpu.dma_semaphore, #tpu.memory_space<semaphore_mem>>)
    %dma_start3A_63 = arith.constant 0 : i32
    %dma_start3A_64 = tpu.memref_slice %arg3[%add3A_59, %dma_start3A_63] : memref<320000x128xf32, #tpu.memory_space<hbm>> -> memref<80x128xf32, #tpu.memory_space<hbm>>
    %dma_start3A_65 = arith.constant 0 : i32
    %dma_start3A_66 = tpu.memref_slice %arg3[%add3A_59, %dma_start3A_65] : memref<320000x128xf32, #tpu.memory_space<hbm>> -> memref<80x128xf32, #tpu.memory_space<hbm>>
    tpu.enqueue_dma source(%dma_start3A_66 : memref<80x128xf32, #tpu.memory_space<hbm>>) target(%arg9 : memref<80x128xf32, #tpu.memory_space<vmem>>) target_semaphore(%arg20 : memref<!tpu.dma_semaphore, #tpu.memory_space<semaphore_mem>>)
    %scan3A_67 = arith.constant 0 : i32
    %scan3A_68 = arith.constant 31 : i32
    %scan3A_69 = arith.addi %scan3A_67, %scan3A_68 : i32
    %scan3A_70 = arith.constant 1 : i32
    scf.for %scan3A_106 = %scan3A_67 to %scan3A_69 step %scan3A_70  : i32 {
      %mul3A_107 = arith.constant 4 : i32
      %mul3A_108 = arith.muli %scan3A_106, %mul3A_107 : i32
      %add3A_109 = arith.constant 0 : i32
      %add3A_110 = arith.addi %add3A_109, %mul3A_108 : i32
      %add3A_111 = arith.constant 0 : i32
      %add3A_112 = arith.addi %add3A_110, %add3A_111 : i32
      %ge3A = arith.constant 1 : i32
      %ge3A_113 = arith.cmpi sge, %add3A_112, %ge3A : i32
      %convert_element_type3A_114 = arith.extui %ge3A_113 : i1 to i32
      %cond3A_115 = arith.constant 0 : i32
      %cond3A_116 = arith.cmpi ne, %convert_element_type3A_114, %cond3A_115 : i32
      scf.if %cond3A_116 {
        %dma_wait3A_317 = arith.constant 0 : i32
        %dma_wait3A_318 = arith.constant 0 : i32
        %dma_wait3A_319 = tpu.memref_slice %arg19[%dma_wait3A_317, %dma_wait3A_318] : memref<10000x128xf32, #tpu.memory_space<vmem_shared>> -> memref<10000x128xf32, #tpu.memory_space<vmem_shared>>
        tpu.wait_indirect_dma semaphore(%arg27 : memref<!tpu.dma_semaphore, #tpu.memory_space<semaphore_mem>>) src(%arg8 : memref<80x128xf32, #tpu.memory_space<vmem>>) dst(%dma_wait3A_319 : memref<10000x128xf32, #tpu.memory_space<vmem_shared>>)
      } else {
      }
      %le3A = arith.constant 122 : i32
      %le3A_117 = arith.cmpi sle, %add3A_112, %le3A : i32
      %convert_element_type3A_118 = arith.extui %le3A_117 : i1 to i32
      %cond3A_119 = arith.constant 0 : i32
      %cond3A_120 = arith.cmpi ne, %convert_element_type3A_118, %cond3A_119 : i32
      scf.if %cond3A_120 {
        %add3A_317 = arith.constant 2 : i32
        %add3A_318 = arith.addi %add3A_112, %add3A_317 : i32
        %mul3A_319 = arith.constant 80 : i32
        %mul3A_320 = arith.muli %add3A_318, %mul3A_319 : i32
        %add3A_321 = arith.addi %mul3A_2, %mul3A_320 : i32
        %dma_start3A_322 = tpu.memref_slice %arg4[%add3A_321] : memref<320000xi32, #tpu.memory_space<hbm>> -> memref<80xi32, #tpu.memory_space<hbm>>
        %dma_start3A_323 = tpu.memref_slice %arg4[%add3A_321] : memref<320000xi32, #tpu.memory_space<hbm>> -> memref<80xi32, #tpu.memory_space<hbm>>
        tpu.enqueue_dma source(%dma_start3A_323 : memref<80xi32, #tpu.memory_space<hbm>>) target(%arg13 : memref<80xi32, #tpu.memory_space<vmem>>) target_semaphore(%arg24 : memref<!tpu.dma_semaphore, #tpu.memory_space<semaphore_mem>>)
        %dma_start3A_324 = tpu.memref_slice %arg5[%add3A_321] : memref<320000xi32, #tpu.memory_space<hbm>> -> memref<80xi32, #tpu.memory_space<hbm>>
        %dma_start3A_325 = tpu.memref_slice %arg5[%add3A_321] : memref<320000xi32, #tpu.memory_space<hbm>> -> memref<80xi32, #tpu.memory_space<hbm>>
        tpu.enqueue_dma source(%dma_start3A_325 : memref<80xi32, #tpu.memory_space<hbm>>) target(%arg17 : memref<80xi32, #tpu.memory_space<vmem>>) target_semaphore(%arg24 : memref<!tpu.dma_semaphore, #tpu.memory_space<semaphore_mem>>)
      } else {
      }
      %add3A_121 = arith.constant 1 : i32
      %add3A_122 = arith.addi %add3A_112, %add3A_121 : i32
      %mul3A_123 = arith.constant 80 : i32
      %mul3A_124 = arith.muli %add3A_122, %mul3A_123 : i32
      %add3A_125 = arith.addi %mul3A_2, %mul3A_124 : i32
      %dma_wait3A_126 = tpu.memref_slice %arg4[%add3A_125] : memref<320000xi32, #tpu.memory_space<hbm>> -> memref<80xi32, #tpu.memory_space<hbm>>
      %dma_wait3A_127 = tpu.memref_slice %arg4[%add3A_125] : memref<320000xi32, #tpu.memory_space<hbm>> -> memref<80xi32, #tpu.memory_space<hbm>>
      tpu.wait_dma2 semaphore(%arg23 : memref<!tpu.dma_semaphore, #tpu.memory_space<semaphore_mem>>) src(%dma_wait3A_127 : memref<80xi32, #tpu.memory_space<hbm>>) dst(%arg12 : memref<80xi32, #tpu.memory_space<vmem>>)
      %dma_wait3A_128 = tpu.memref_slice %arg5[%add3A_125] : memref<320000xi32, #tpu.memory_space<hbm>> -> memref<80xi32, #tpu.memory_space<hbm>>
      %dma_wait3A_129 = tpu.memref_slice %arg5[%add3A_125] : memref<320000xi32, #tpu.memory_space<hbm>> -> memref<80xi32, #tpu.memory_space<hbm>>
      tpu.wait_dma2 semaphore(%arg23 : memref<!tpu.dma_semaphore, #tpu.memory_space<semaphore_mem>>) src(%dma_wait3A_129 : memref<80xi32, #tpu.memory_space<hbm>>) dst(%arg16 : memref<80xi32, #tpu.memory_space<vmem>>)
      %add3A_130 = arith.constant 1 : i32
      %add3A_131 = arith.addi %add3A_112, %add3A_130 : i32
      %mul3A_132 = arith.constant 80 : i32
      %mul3A_133 = arith.muli %add3A_131, %mul3A_132 : i32
      %add3A_134 = arith.addi %mul3A_2, %mul3A_133 : i32
      %dma_start3A_135 = arith.constant 0 : i32
      %dma_start3A_136 = arith.constant 0 : i32
      %dma_start3A_137 = tpu.memref_slice %arg2[%dma_start3A_135, %dma_start3A_136] : memref<10000x128xf32, #tpu.memory_space<hbm>> -> memref<10000x128xf32, #tpu.memory_space<hbm>>
      tpu.enqueue_indirect_dma source(%dma_start3A_137 : memref<10000x128xf32, #tpu.memory_space<hbm>>) target(%arg8 : memref<80x128xf32, #tpu.memory_space<vmem>>) offsets(%arg12 : memref<80xi32, #tpu.memory_space<vmem>>) semaphore(%arg21 : memref<!tpu.dma_semaphore, #tpu.memory_space<semaphore_mem>>)
      %dma_start3A_138 = arith.constant 0 : i32
      %dma_start3A_139 = tpu.memref_slice %arg3[%add3A_134, %dma_start3A_138] : memref<320000x128xf32, #tpu.memory_space<hbm>> -> memref<80x128xf32, #tpu.memory_space<hbm>>
      %dma_start3A_140 = arith.constant 0 : i32
      %dma_start3A_141 = tpu.memref_slice %arg3[%add3A_134, %dma_start3A_140] : memref<320000x128xf32, #tpu.memory_space<hbm>> -> memref<80x128xf32, #tpu.memory_space<hbm>>
      tpu.enqueue_dma source(%dma_start3A_141 : memref<80x128xf32, #tpu.memory_space<hbm>>) target(%arg10 : memref<80x128xf32, #tpu.memory_space<vmem>>) target_semaphore(%arg21 : memref<!tpu.dma_semaphore, #tpu.memory_space<semaphore_mem>>)
      %mul3A_142 = arith.constant 80 : i32
      %mul3A_143 = arith.muli %add3A_112, %mul3A_142 : i32
      %add3A_144 = arith.addi %mul3A_2, %mul3A_143 : i32
      %dma_wait3A_145 = arith.constant 0 : i32
      %dma_wait3A_146 = arith.constant 0 : i32
      %dma_wait3A_147 = tpu.memref_slice %arg2[%dma_wait3A_145, %dma_wait3A_146] : memref<10000x128xf32, #tpu.memory_space<hbm>> -> memref<10000x128xf32, #tpu.memory_space<hbm>>
      tpu.wait_indirect_dma semaphore(%arg20 : memref<!tpu.dma_semaphore, #tpu.memory_space<semaphore_mem>>) src(%dma_wait3A_147 : memref<10000x128xf32, #tpu.memory_space<hbm>>) dst(%arg7 : memref<80x128xf32, #tpu.memory_space<vmem>>)
      %dma_wait3A_148 = arith.constant 0 : i32
      %dma_wait3A_149 = tpu.memref_slice %arg3[%add3A_144, %dma_wait3A_148] : memref<320000x128xf32, #tpu.memory_space<hbm>> -> memref<80x128xf32, #tpu.memory_space<hbm>>
      %dma_wait3A_150 = arith.constant 0 : i32
      %dma_wait3A_151 = tpu.memref_slice %arg3[%add3A_144, %dma_wait3A_150] : memref<320000x128xf32, #tpu.memory_space<hbm>> -> memref<80x128xf32, #tpu.memory_space<hbm>>
      tpu.wait_dma2 semaphore(%arg20 : memref<!tpu.dma_semaphore, #tpu.memory_space<semaphore_mem>>) src(%dma_wait3A_151 : memref<80x128xf32, #tpu.memory_space<hbm>>) dst(%arg9 : memref<80x128xf32, #tpu.memory_space<vmem>>)
      %scan3A_152 = arith.constant 0 : i32
      %scan3A_153 = arith.constant 0 : i32
      %scan3A_154 = arith.constant 80 : i32
      %scan3A_155 = arith.addi %scan3A_153, %scan3A_154 : i32
      %scan3A_156 = arith.constant 1 : i32
      scf.for %scan3A_317 = %scan3A_153 to %scan3A_155 step %scan3A_156  : i32 {
        %get3A = arith.index_cast %scan3A_317 : i32 to index
        %get3A_318 = arith.constant 0 : index
        %get3A_319 = tpu.vector_load %arg7[%get3A, %get3A_318] {strides = array<i32>} : memref<80x128xf32, #tpu.memory_space<vmem>>, vector<16xf32>,
        %get3A_320 = arith.index_cast %scan3A_317 : i32 to index
        %get3A_321 = arith.constant 0 : index
        %get3A_322 = tpu.vector_load %arg9[%get3A_320, %get3A_321] {strides = array<i32>} : memref<80x128xf32, #tpu.memory_space<vmem>>, vector<16xf32>,
        %add3A_323 = arith.addf %get3A_319, %get3A_322 : vector<16xf32>
        %max3A = arith.constant 0.000000e+00 : f32
        %max3A_324 = vector.broadcast %max3A : f32 to vector<16xf32>
        %max3A_325 = arith.maximumf %add3A_323, %max3A_324 : vector<16xf32>
        %swap3A = arith.index_cast %scan3A_317 : i32 to index
        %swap3A_326 = arith.constant 0 : index
        %swap3A_327 = tpu.vector_load %arg7[%swap3A, %swap3A_326] {strides = array<i32>} : memref<80x128xf32, #tpu.memory_space<vmem>>, vector<16xf32>,
        tpu.vector_store %arg7[%swap3A, %swap3A_326], %max3A_325 {strides = array<i32>} : memref<80x128xf32, #tpu.memory_space<vmem>>, vector<16xf32>,
        %get3A_328 = arith.index_cast %scan3A_317 : i32 to index
        %get3A_329 = arith.constant 16 : index
        %get3A_330 = tpu.vector_load %arg7[%get3A_328, %get3A_329] {strides = array<i32>} : memref<80x128xf32, #tpu.memory_space<vmem>>, vector<16xf32>,
        %get3A_331 = arith.index_cast %scan3A_317 : i32 to index
        %get3A_332 = arith.constant 16 : index
        %get3A_333 = tpu.vector_load %arg9[%get3A_331, %get3A_332] {strides = array<i32>} : memref<80x128xf32, #tpu.memory_space<vmem>>, vector<16xf32>,
        %add3A_334 = arith.addf %get3A_330, %get3A_333 : vector<16xf32>
        %max3A_335 = arith.constant 0.000000e+00 : f32
        %max3A_336 = vector.broadcast %max3A_335 : f32 to vector<16xf32>
        %max3A_337 = arith.maximumf %add3A_334, %max3A_336 : vector<16xf32>
        %swap3A_338 = arith.index_cast %scan3A_317 : i32 to index
        %swap3A_339 = arith.constant 16 : index
        %swap3A_340 = tpu.vector_load %arg7[%swap3A_338, %swap3A_339] {strides = array<i32>} : memref<80x128xf32, #tpu.memory_space<vmem>>, vector<16xf32>,
        tpu.vector_store %arg7[%swap3A_338, %swap3A_339], %max3A_337 {strides = array<i32>} : memref<80x128xf32, #tpu.memory_space<vmem>>, vector<16xf32>,
        %get3A_341 = arith.index_cast %scan3A_317 : i32 to index
        %get3A_342 = arith.constant 32 : index
        %get3A_343 = tpu.vector_load %arg7[%get3A_341, %get3A_342] {strides = array<i32>} : memref<80x128xf32, #tpu.memory_space<vmem>>, vector<16xf32>,
        %get3A_344 = arith.index_cast %scan3A_317 : i32 to index
        %get3A_345 = arith.constant 32 : index
        %get3A_346 = tpu.vector_load %arg9[%get3A_344, %get3A_345] {strides = array<i32>} : memref<80x128xf32, #tpu.memory_space<vmem>>, vector<16xf32>,
        %add3A_347 = arith.addf %get3A_343, %get3A_346 : vector<16xf32>
        %max3A_348 = arith.constant 0.000000e+00 : f32
        %max3A_349 = vector.broadcast %max3A_348 : f32 to vector<16xf32>
        %max3A_350 = arith.maximumf %add3A_347, %max3A_349 : vector<16xf32>
        %swap3A_351 = arith.index_cast %scan3A_317 : i32 to index
        %swap3A_352 = arith.constant 32 : index
        %swap3A_353 = tpu.vector_load %arg7[%swap3A_351, %swap3A_352] {strides = array<i32>} : memref<80x128xf32, #tpu.memory_space<vmem>>, vector<16xf32>,
        tpu.vector_store %arg7[%swap3A_351, %swap3A_352], %max3A_350 {strides = array<i32>} : memref<80x128xf32, #tpu.memory_space<vmem>>, vector<16xf32>,
        %get3A_354 = arith.index_cast %scan3A_317 : i32 to index
        %get3A_355 = arith.constant 48 : index
        %get3A_356 = tpu.vector_load %arg7[%get3A_354, %get3A_355] {strides = array<i32>} : memref<80x128xf32, #tpu.memory_space<vmem>>, vector<16xf32>,
        %get3A_357 = arith.index_cast %scan3A_317 : i32 to index
        %get3A_358 = arith.constant 48 : index
        %get3A_359 = tpu.vector_load %arg9[%get3A_357, %get3A_358] {strides = array<i32>} : memref<80x128xf32, #tpu.memory_space<vmem>>, vector<16xf32>,
        %add3A_360 = arith.addf %get3A_356, %get3A_359 : vector<16xf32>
        %max3A_361 = arith.constant 0.000000e+00 : f32
        %max3A_362 = vector.broadcast %max3A_361 : f32 to vector<16xf32>
        %max3A_363 = arith.maximumf %add3A_360, %max3A_362 : vector<16xf32>
        %swap3A_364 = arith.index_cast %scan3A_317 : i32 to index
        %swap3A_365 = arith.constant 48 : index
        %swap3A_366 = tpu.vector_load %arg7[%swap3A_364, %swap3A_365] {strides = array<i32>} : memref<80x128xf32, #tpu.memory_space<vmem>>, vector<16xf32>,
        tpu.vector_store %arg7[%swap3A_364, %swap3A_365], %max3A_363 {strides = array<i32>} : memref<80x128xf32, #tpu.memory_space<vmem>>, vector<16xf32>,
        %get3A_367 = arith.index_cast %scan3A_317 : i32 to index
        %get3A_368 = arith.constant 64 : index
        %get3A_369 = tpu.vector_load %arg7[%get3A_367, %get3A_368] {strides = array<i32>} : memref<80x128xf32, #tpu.memory_space<vmem>>, vector<16xf32>,
        %get3A_370 = arith.index_cast %scan3A_317 : i32 to index
        %get3A_371 = arith.constant 64 : index
        %get3A_372 = tpu.vector_load %arg9[%get3A_370, %get3A_371] {strides = array<i32>} : memref<80x128xf32, #tpu.memory_space<vmem>>, vector<16xf32>,
        %add3A_373 = arith.addf %get3A_369, %get3A_372 : vector<16xf32>
        %max3A_374 = arith.constant 0.000000e+00 : f32
        %max3A_375 = vector.broadcast %max3A_374 : f32 to vector<16xf32>
        %max3A_376 = arith.maximumf %add3A_373, %max3A_375 : vector<16xf32>
        %swap3A_377 = arith.index_cast %scan3A_317 : i32 to index
        %swap3A_378 = arith.constant 64 : index
        %swap3A_379 = tpu.vector_load %arg7[%swap3A_377, %swap3A_378] {strides = array<i32>} : memref<80x128xf32, #tpu.memory_space<vmem>>, vector<16xf32>,
        tpu.vector_store %arg7[%swap3A_377, %swap3A_378], %max3A_376 {strides = array<i32>} : memref<80x128xf32, #tpu.memory_space<vmem>>, vector<16xf32>,
        %get3A_380 = arith.index_cast %scan3A_317 : i32 to index
        %get3A_381 = arith.constant 80 : index
        %get3A_382 = tpu.vector_load %arg7[%get3A_380, %get3A_381] {strides = array<i32>} : memref<80x128xf32, #tpu.memory_space<vmem>>, vector<16xf32>,
        %get3A_383 = arith.index_cast %scan3A_317 : i32 to index
        %get3A_384 = arith.constant 80 : index
        %get3A_385 = tpu.vector_load %arg9[%get3A_383, %get3A_384] {strides = array<i32>} : memref<80x128xf32, #tpu.memory_space<vmem>>, vector<16xf32>,
        %add3A_386 = arith.addf %get3A_382, %get3A_385 : vector<16xf32>
        %max3A_387 = arith.constant 0.000000e+00 : f32
        %max3A_388 = vector.broadcast %max3A_387 : f32 to vector<16xf32>
        %max3A_389 = arith.maximumf %add3A_386, %max3A_388 : vector<16xf32>
        %swap3A_390 = arith.index_cast %scan3A_317 : i32 to index
        %swap3A_391 = arith.constant 80 : index
        %swap3A_392 = tpu.vector_load %arg7[%swap3A_390, %swap3A_391] {strides = array<i32>} : memref<80x128xf32, #tpu.memory_space<vmem>>, vector<16xf32>,
        tpu.vector_store %arg7[%swap3A_390, %swap3A_391], %max3A_389 {strides = array<i32>} : memref<80x128xf32, #tpu.memory_space<vmem>>, vector<16xf32>,
        %get3A_393 = arith.index_cast %scan3A_317 : i32 to index
        %get3A_394 = arith.constant 96 : index
        %get3A_395 = tpu.vector_load %arg7[%get3A_393, %get3A_394] {strides = array<i32>} : memref<80x128xf32, #tpu.memory_space<vmem>>, vector<16xf32>,
        %get3A_396 = arith.index_cast %scan3A_317 : i32 to index
        %get3A_397 = arith.constant 96 : index
        %get3A_398 = tpu.vector_load %arg9[%get3A_396, %get3A_397] {strides = array<i32>} : memref<80x128xf32, #tpu.memory_space<vmem>>, vector<16xf32>,
        %add3A_399 = arith.addf %get3A_395, %get3A_398 : vector<16xf32>
        %max3A_400 = arith.constant 0.000000e+00 : f32
        %max3A_401 = vector.broadcast %max3A_400 : f32 to vector<16xf32>
        %max3A_402 = arith.maximumf %add3A_399, %max3A_401 : vector<16xf32>
        %swap3A_403 = arith.index_cast %scan3A_317 : i32 to index
        %swap3A_404 = arith.constant 96 : index
        %swap3A_405 = tpu.vector_load %arg7[%swap3A_403, %swap3A_404] {strides = array<i32>} : memref<80x128xf32, #tpu.memory_space<vmem>>, vector<16xf32>,
        tpu.vector_store %arg7[%swap3A_403, %swap3A_404], %max3A_402 {strides = array<i32>} : memref<80x128xf32, #tpu.memory_space<vmem>>, vector<16xf32>,
        %get3A_406 = arith.index_cast %scan3A_317 : i32 to index
        %get3A_407 = arith.constant 112 : index
        %get3A_408 = tpu.vector_load %arg7[%get3A_406, %get3A_407] {strides = array<i32>} : memref<80x128xf32, #tpu.memory_space<vmem>>, vector<16xf32>,
        %get3A_409 = arith.index_cast %scan3A_317 : i32 to index
        %get3A_410 = arith.constant 112 : index
        %get3A_411 = tpu.vector_load %arg9[%get3A_409, %get3A_410] {strides = array<i32>} : memref<80x128xf32, #tpu.memory_space<vmem>>, vector<16xf32>,
        %add3A_412 = arith.addf %get3A_408, %get3A_411 : vector<16xf32>
        %max3A_413 = arith.constant 0.000000e+00 : f32
        %max3A_414 = vector.broadcast %max3A_413 : f32 to vector<16xf32>
        %max3A_415 = arith.maximumf %add3A_412, %max3A_414 : vector<16xf32>
        %swap3A_416 = arith.index_cast %scan3A_317 : i32 to index
        %swap3A_417 = arith.constant 112 : index
        %swap3A_418 = tpu.vector_load %arg7[%swap3A_416, %swap3A_417] {strides = array<i32>} : memref<80x128xf32, #tpu.memory_space<vmem>>, vector<16xf32>,
        tpu.vector_store %arg7[%swap3A_416, %swap3A_417], %max3A_415 {strides = array<i32>} : memref<80x128xf32, #tpu.memory_space<vmem>>, vector<16xf32>,
      }
      %scan3A_157 = arith.constant 80 : i32
      %dma_start3A_158 = arith.constant 0 : i32
      %dma_start3A_159 = arith.constant 0 : i32
      %dma_start3A_160 = tpu.memref_slice %arg19[%dma_start3A_158, %dma_start3A_159] : memref<10000x128xf32, #tpu.memory_space<vmem_shared>> -> memref<10000x128xf32, #tpu.memory_space<vmem_shared>>
      tpu.enqueue_indirect_dma source(%arg7 : memref<80x128xf32, #tpu.memory_space<vmem>>) target(%dma_start3A_160 : memref<10000x128xf32, #tpu.memory_space<vmem_shared>>) offsets(%arg15 : memref<80xi32, #tpu.memory_space<vmem>>) semaphore(%arg26 : memref<!tpu.dma_semaphore, #tpu.memory_space<semaphore_mem>>) {add = true}
      %add3A_161 = arith.constant 1 : i32
      %add3A_162 = arith.addi %add3A_110, %add3A_161 : i32
      %ge3A_163 = arith.constant 1 : i32
      %ge3A_164 = arith.cmpi sge, %add3A_162, %ge3A_163 : i32
      %convert_element_type3A_165 = arith.extui %ge3A_164 : i1 to i32
      %cond3A_166 = arith.constant 0 : i32
      %cond3A_167 = arith.cmpi ne, %convert_element_type3A_165, %cond3A_166 : i32
      scf.if %cond3A_167 {
        %dma_wait3A_317 = arith.constant 0 : i32
        %dma_wait3A_318 = arith.constant 0 : i32
        %dma_wait3A_319 = tpu.memref_slice %arg19[%dma_wait3A_317, %dma_wait3A_318] : memref<10000x128xf32, #tpu.memory_space<vmem_shared>> -> memref<10000x128xf32, #tpu.memory_space<vmem_shared>>
        tpu.wait_indirect_dma semaphore(%arg26 : memref<!tpu.dma_semaphore, #tpu.memory_space<semaphore_mem>>) src(%arg7 : memref<80x128xf32, #tpu.memory_space<vmem>>) dst(%dma_wait3A_319 : memref<10000x128xf32, #tpu.memory_space<vmem_shared>>)
      } else {
      }
      %le3A_168 = arith.constant 122 : i32
      %le3A_169 = arith.cmpi sle, %add3A_162, %le3A_168 : i32
      %convert_element_type3A_170 = arith.extui %le3A_169 : i1 to i32
      %cond3A_171 = arith.constant 0 : i32
      %cond3A_172 = arith.cmpi ne, %convert_element_type3A_170, %cond3A_171 : i32
      scf.if %cond3A_172 {
        %add3A_317 = arith.constant 2 : i32
        %add3A_318 = arith.addi %add3A_162, %add3A_317 : i32
        %mul3A_319 = arith.constant 80 : i32
        %mul3A_320 = arith.muli %add3A_318, %mul3A_319 : i32
        %add3A_321 = arith.addi %mul3A_2, %mul3A_320 : i32
        %dma_start3A_322 = tpu.memref_slice %arg4[%add3A_321] : memref<320000xi32, #tpu.memory_space<hbm>> -> memref<80xi32, #tpu.memory_space<hbm>>
        %dma_start3A_323 = tpu.memref_slice %arg4[%add3A_321] : memref<320000xi32, #tpu.memory_space<hbm>> -> memref<80xi32, #tpu.memory_space<hbm>>
        tpu.enqueue_dma source(%dma_start3A_323 : memref<80xi32, #tpu.memory_space<hbm>>) target(%arg14 : memref<80xi32, #tpu.memory_space<vmem>>) target_semaphore(%arg25 : memref<!tpu.dma_semaphore, #tpu.memory_space<semaphore_mem>>)
        %dma_start3A_324 = tpu.memref_slice %arg5[%add3A_321] : memref<320000xi32, #tpu.memory_space<hbm>> -> memref<80xi32, #tpu.memory_space<hbm>>
        %dma_start3A_325 = tpu.memref_slice %arg5[%add3A_321] : memref<320000xi32, #tpu.memory_space<hbm>> -> memref<80xi32, #tpu.memory_space<hbm>>
        tpu.enqueue_dma source(%dma_start3A_325 : memref<80xi32, #tpu.memory_space<hbm>>) target(%arg18 : memref<80xi32, #tpu.memory_space<vmem>>) target_semaphore(%arg25 : memref<!tpu.dma_semaphore, #tpu.memory_space<semaphore_mem>>)
      } else {
      }
      %add3A_173 = arith.constant 1 : i32
      %add3A_174 = arith.addi %add3A_162, %add3A_173 : i32
      %mul3A_175 = arith.constant 80 : i32
      %mul3A_176 = arith.muli %add3A_174, %mul3A_175 : i32
      %add3A_177 = arith.addi %mul3A_2, %mul3A_176 : i32
      %dma_wait3A_178 = tpu.memref_slice %arg4[%add3A_177] : memref<320000xi32, #tpu.memory_space<hbm>> -> memref<80xi32, #tpu.memory_space<hbm>>
      %dma_wait3A_179 = tpu.memref_slice %arg4[%add3A_177] : memref<320000xi32, #tpu.memory_space<hbm>> -> memref<80xi32, #tpu.memory_space<hbm>>
      tpu.wait_dma2 semaphore(%arg24 : memref<!tpu.dma_semaphore, #tpu.memory_space<semaphore_mem>>) src(%dma_wait3A_179 : memref<80xi32, #tpu.memory_space<hbm>>) dst(%arg13 : memref<80xi32, #tpu.memory_space<vmem>>)
      %dma_wait3A_180 = tpu.memref_slice %arg5[%add3A_177] : memref<320000xi32, #tpu.memory_space<hbm>> -> memref<80xi32, #tpu.memory_space<hbm>>
      %dma_wait3A_181 = tpu.memref_slice %arg5[%add3A_177] : memref<320000xi32, #tpu.memory_space<hbm>> -> memref<80xi32, #tpu.memory_space<hbm>>
      tpu.wait_dma2 semaphore(%arg24 : memref<!tpu.dma_semaphore, #tpu.memory_space<semaphore_mem>>) src(%dma_wait3A_181 : memref<80xi32, #tpu.memory_space<hbm>>) dst(%arg17 : memref<80xi32, #tpu.memory_space<vmem>>)
      %add3A_182 = arith.constant 1 : i32
      %add3A_183 = arith.addi %add3A_162, %add3A_182 : i32
      %mul3A_184 = arith.constant 80 : i32
      %mul3A_185 = arith.muli %add3A_183, %mul3A_184 : i32
      %add3A_186 = arith.addi %mul3A_2, %mul3A_185 : i32
      %dma_start3A_187 = arith.constant 0 : i32
      %dma_start3A_188 = arith.constant 0 : i32
      %dma_start3A_189 = tpu.memref_slice %arg2[%dma_start3A_187, %dma_start3A_188] : memref<10000x128xf32, #tpu.memory_space<hbm>> -> memref<10000x128xf32, #tpu.memory_space<hbm>>
      tpu.enqueue_indirect_dma source(%dma_start3A_189 : memref<10000x128xf32, #tpu.memory_space<hbm>>) target(%arg7 : memref<80x128xf32, #tpu.memory_space<vmem>>) offsets(%arg13 : memref<80xi32, #tpu.memory_space<vmem>>) semaphore(%arg20 : memref<!tpu.dma_semaphore, #tpu.memory_space<semaphore_mem>>)
      %dma_start3A_190 = arith.constant 0 : i32
      %dma_start3A_191 = tpu.memref_slice %arg3[%add3A_186, %dma_start3A_190] : memref<320000x128xf32, #tpu.memory_space<hbm>> -> memref<80x128xf32, #tpu.memory_space<hbm>>
      %dma_start3A_192 = arith.constant 0 : i32
      %dma_start3A_193 = tpu.memref_slice %arg3[%add3A_186, %dma_start3A_192] : memref<320000x128xf32, #tpu.memory_space<hbm>> -> memref<80x128xf32, #tpu.memory_space<hbm>>
      tpu.enqueue_dma source(%dma_start3A_193 : memref<80x128xf32, #tpu.memory_space<hbm>>) target(%arg9 : memref<80x128xf32, #tpu.memory_space<vmem>>) target_semaphore(%arg20 : memref<!tpu.dma_semaphore, #tpu.memory_space<semaphore_mem>>)
      %mul3A_194 = arith.constant 80 : i32
      %mul3A_195 = arith.muli %add3A_162, %mul3A_194 : i32
      %add3A_196 = arith.addi %mul3A_2, %mul3A_195 : i32
      %dma_wait3A_197 = arith.constant 0 : i32
      %dma_wait3A_198 = arith.constant 0 : i32
      %dma_wait3A_199 = tpu.memref_slice %arg2[%dma_wait3A_197, %dma_wait3A_198] : memref<10000x128xf32, #tpu.memory_space<hbm>> -> memref<10000x128xf32, #tpu.memory_space<hbm>>
      tpu.wait_indirect_dma semaphore(%arg21 : memref<!tpu.dma_semaphore, #tpu.memory_space<semaphore_mem>>) src(%dma_wait3A_199 : memref<10000x128xf32, #tpu.memory_space<hbm>>) dst(%arg8 : memref<80x128xf32, #tpu.memory_space<vmem>>)
      %dma_wait3A_200 = arith.constant 0 : i32
      %dma_wait3A_201 = tpu.memref_slice %arg3[%add3A_196, %dma_wait3A_200] : memref<320000x128xf32, #tpu.memory_space<hbm>> -> memref<80x128xf32, #tpu.memory_space<hbm>>
      %dma_wait3A_202 = arith.constant 0 : i32
      %dma_wait3A_203 = tpu.memref_slice %arg3[%add3A_196, %dma_wait3A_202] : memref<320000x128xf32, #tpu.memory_space<hbm>> -> memref<80x128xf32, #tpu.memory_space<hbm>>
      tpu.wait_dma2 semaphore(%arg21 : memref<!tpu.dma_semaphore, #tpu.memory_space<semaphore_mem>>) src(%dma_wait3A_203 : memref<80x128xf32, #tpu.memory_space<hbm>>) dst(%arg10 : memref<80x128xf32, #tpu.memory_space<vmem>>)
      %scan3A_204 = arith.constant 0 : i32
      %scan3A_205 = arith.constant 0 : i32
      %scan3A_206 = arith.constant 80 : i32
      %scan3A_207 = arith.addi %scan3A_205, %scan3A_206 : i32
      %scan3A_208 = arith.constant 1 : i32
      scf.for %scan3A_317 = %scan3A_205 to %scan3A_207 step %scan3A_208  : i32 {
        %get3A = arith.index_cast %scan3A_317 : i32 to index
        %get3A_318 = arith.constant 0 : index
        %get3A_319 = tpu.vector_load %arg8[%get3A, %get3A_318] {strides = array<i32>} : memref<80x128xf32, #tpu.memory_space<vmem>>, vector<16xf32>,
        %get3A_320 = arith.index_cast %scan3A_317 : i32 to index
        %get3A_321 = arith.constant 0 : index
        %get3A_322 = tpu.vector_load %arg10[%get3A_320, %get3A_321] {strides = array<i32>} : memref<80x128xf32, #tpu.memory_space<vmem>>, vector<16xf32>,
        %add3A_323 = arith.addf %get3A_319, %get3A_322 : vector<16xf32>
        %max3A = arith.constant 0.000000e+00 : f32
        %max3A_324 = vector.broadcast %max3A : f32 to vector<16xf32>
        %max3A_325 = arith.maximumf %add3A_323, %max3A_324 : vector<16xf32>
        %swap3A = arith.index_cast %scan3A_317 : i32 to index
        %swap3A_326 = arith.constant 0 : index
        %swap3A_327 = tpu.vector_load %arg8[%swap3A, %swap3A_326] {strides = array<i32>} : memref<80x128xf32, #tpu.memory_space<vmem>>, vector<16xf32>,
        tpu.vector_store %arg8[%swap3A, %swap3A_326], %max3A_325 {strides = array<i32>} : memref<80x128xf32, #tpu.memory_space<vmem>>, vector<16xf32>,
        %get3A_328 = arith.index_cast %scan3A_317 : i32 to index
        %get3A_329 = arith.constant 16 : index
        %get3A_330 = tpu.vector_load %arg8[%get3A_328, %get3A_329] {strides = array<i32>} : memref<80x128xf32, #tpu.memory_space<vmem>>, vector<16xf32>,
        %get3A_331 = arith.index_cast %scan3A_317 : i32 to index
        %get3A_332 = arith.constant 16 : index
        %get3A_333 = tpu.vector_load %arg10[%get3A_331, %get3A_332] {strides = array<i32>} : memref<80x128xf32, #tpu.memory_space<vmem>>, vector<16xf32>,
        %add3A_334 = arith.addf %get3A_330, %get3A_333 : vector<16xf32>
        %max3A_335 = arith.constant 0.000000e+00 : f32
        %max3A_336 = vector.broadcast %max3A_335 : f32 to vector<16xf32>
        %max3A_337 = arith.maximumf %add3A_334, %max3A_336 : vector<16xf32>
        %swap3A_338 = arith.index_cast %scan3A_317 : i32 to index
        %swap3A_339 = arith.constant 16 : index
        %swap3A_340 = tpu.vector_load %arg8[%swap3A_338, %swap3A_339] {strides = array<i32>} : memref<80x128xf32, #tpu.memory_space<vmem>>, vector<16xf32>,
        tpu.vector_store %arg8[%swap3A_338, %swap3A_339], %max3A_337 {strides = array<i32>} : memref<80x128xf32, #tpu.memory_space<vmem>>, vector<16xf32>,
        %get3A_341 = arith.index_cast %scan3A_317 : i32 to index
        %get3A_342 = arith.constant 32 : index
        %get3A_343 = tpu.vector_load %arg8[%get3A_341, %get3A_342] {strides = array<i32>} : memref<80x128xf32, #tpu.memory_space<vmem>>, vector<16xf32>,
        %get3A_344 = arith.index_cast %scan3A_317 : i32 to index
        %get3A_345 = arith.constant 32 : index
        %get3A_346 = tpu.vector_load %arg10[%get3A_344, %get3A_345] {strides = array<i32>} : memref<80x128xf32, #tpu.memory_space<vmem>>, vector<16xf32>,
        %add3A_347 = arith.addf %get3A_343, %get3A_346 : vector<16xf32>
        %max3A_348 = arith.constant 0.000000e+00 : f32
        %max3A_349 = vector.broadcast %max3A_348 : f32 to vector<16xf32>
        %max3A_350 = arith.maximumf %add3A_347, %max3A_349 : vector<16xf32>
        %swap3A_351 = arith.index_cast %scan3A_317 : i32 to index
        %swap3A_352 = arith.constant 32 : index
        %swap3A_353 = tpu.vector_load %arg8[%swap3A_351, %swap3A_352] {strides = array<i32>} : memref<80x128xf32, #tpu.memory_space<vmem>>, vector<16xf32>,
        tpu.vector_store %arg8[%swap3A_351, %swap3A_352], %max3A_350 {strides = array<i32>} : memref<80x128xf32, #tpu.memory_space<vmem>>, vector<16xf32>,
        %get3A_354 = arith.index_cast %scan3A_317 : i32 to index
        %get3A_355 = arith.constant 48 : index
        %get3A_356 = tpu.vector_load %arg8[%get3A_354, %get3A_355] {strides = array<i32>} : memref<80x128xf32, #tpu.memory_space<vmem>>, vector<16xf32>,
        %get3A_357 = arith.index_cast %scan3A_317 : i32 to index
        %get3A_358 = arith.constant 48 : index
        %get3A_359 = tpu.vector_load %arg10[%get3A_357, %get3A_358] {strides = array<i32>} : memref<80x128xf32, #tpu.memory_space<vmem>>, vector<16xf32>,
        %add3A_360 = arith.addf %get3A_356, %get3A_359 : vector<16xf32>
        %max3A_361 = arith.constant 0.000000e+00 : f32
        %max3A_362 = vector.broadcast %max3A_361 : f32 to vector<16xf32>
        %max3A_363 = arith.maximumf %add3A_360, %max3A_362 : vector<16xf32>
        %swap3A_364 = arith.index_cast %scan3A_317 : i32 to index
        %swap3A_365 = arith.constant 48 : index
        %swap3A_366 = tpu.vector_load %arg8[%swap3A_364, %swap3A_365] {strides = array<i32>} : memref<80x128xf32, #tpu.memory_space<vmem>>, vector<16xf32>,
        tpu.vector_store %arg8[%swap3A_364, %swap3A_365], %max3A_363 {strides = array<i32>} : memref<80x128xf32, #tpu.memory_space<vmem>>, vector<16xf32>,
        %get3A_367 = arith.index_cast %scan3A_317 : i32 to index
        %get3A_368 = arith.constant 64 : index
        %get3A_369 = tpu.vector_load %arg8[%get3A_367, %get3A_368] {strides = array<i32>} : memref<80x128xf32, #tpu.memory_space<vmem>>, vector<16xf32>,
        %get3A_370 = arith.index_cast %scan3A_317 : i32 to index
        %get3A_371 = arith.constant 64 : index
        %get3A_372 = tpu.vector_load %arg10[%get3A_370, %get3A_371] {strides = array<i32>} : memref<80x128xf32, #tpu.memory_space<vmem>>, vector<16xf32>,
        %add3A_373 = arith.addf %get3A_369, %get3A_372 : vector<16xf32>
        %max3A_374 = arith.constant 0.000000e+00 : f32
        %max3A_375 = vector.broadcast %max3A_374 : f32 to vector<16xf32>
        %max3A_376 = arith.maximumf %add3A_373, %max3A_375 : vector<16xf32>
        %swap3A_377 = arith.index_cast %scan3A_317 : i32 to index
        %swap3A_378 = arith.constant 64 : index
        %swap3A_379 = tpu.vector_load %arg8[%swap3A_377, %swap3A_378] {strides = array<i32>} : memref<80x128xf32, #tpu.memory_space<vmem>>, vector<16xf32>,
        tpu.vector_store %arg8[%swap3A_377, %swap3A_378], %max3A_376 {strides = array<i32>} : memref<80x128xf32, #tpu.memory_space<vmem>>, vector<16xf32>,
        %get3A_380 = arith.index_cast %scan3A_317 : i32 to index
        %get3A_381 = arith.constant 80 : index
        %get3A_382 = tpu.vector_load %arg8[%get3A_380, %get3A_381] {strides = array<i32>} : memref<80x128xf32, #tpu.memory_space<vmem>>, vector<16xf32>,
        %get3A_383 = arith.index_cast %scan3A_317 : i32 to index
        %get3A_384 = arith.constant 80 : index
        %get3A_385 = tpu.vector_load %arg10[%get3A_383, %get3A_384] {strides = array<i32>} : memref<80x128xf32, #tpu.memory_space<vmem>>, vector<16xf32>,
        %add3A_386 = arith.addf %get3A_382, %get3A_385 : vector<16xf32>
        %max3A_387 = arith.constant 0.000000e+00 : f32
        %max3A_388 = vector.broadcast %max3A_387 : f32 to vector<16xf32>
        %max3A_389 = arith.maximumf %add3A_386, %max3A_388 : vector<16xf32>
        %swap3A_390 = arith.index_cast %scan3A_317 : i32 to index
        %swap3A_391 = arith.constant 80 : index
        %swap3A_392 = tpu.vector_load %arg8[%swap3A_390, %swap3A_391] {strides = array<i32>} : memref<80x128xf32, #tpu.memory_space<vmem>>, vector<16xf32>,
        tpu.vector_store %arg8[%swap3A_390, %swap3A_391], %max3A_389 {strides = array<i32>} : memref<80x128xf32, #tpu.memory_space<vmem>>, vector<16xf32>,
        %get3A_393 = arith.index_cast %scan3A_317 : i32 to index
        %get3A_394 = arith.constant 96 : index
        %get3A_395 = tpu.vector_load %arg8[%get3A_393, %get3A_394] {strides = array<i32>} : memref<80x128xf32, #tpu.memory_space<vmem>>, vector<16xf32>,
        %get3A_396 = arith.index_cast %scan3A_317 : i32 to index
        %get3A_397 = arith.constant 96 : index
        %get3A_398 = tpu.vector_load %arg10[%get3A_396, %get3A_397] {strides = array<i32>} : memref<80x128xf32, #tpu.memory_space<vmem>>, vector<16xf32>,
        %add3A_399 = arith.addf %get3A_395, %get3A_398 : vector<16xf32>
        %max3A_400 = arith.constant 0.000000e+00 : f32
        %max3A_401 = vector.broadcast %max3A_400 : f32 to vector<16xf32>
        %max3A_402 = arith.maximumf %add3A_399, %max3A_401 : vector<16xf32>
        %swap3A_403 = arith.index_cast %scan3A_317 : i32 to index
        %swap3A_404 = arith.constant 96 : index
        %swap3A_405 = tpu.vector_load %arg8[%swap3A_403, %swap3A_404] {strides = array<i32>} : memref<80x128xf32, #tpu.memory_space<vmem>>, vector<16xf32>,
        tpu.vector_store %arg8[%swap3A_403, %swap3A_404], %max3A_402 {strides = array<i32>} : memref<80x128xf32, #tpu.memory_space<vmem>>, vector<16xf32>,
        %get3A_406 = arith.index_cast %scan3A_317 : i32 to index
        %get3A_407 = arith.constant 112 : index
        %get3A_408 = tpu.vector_load %arg8[%get3A_406, %get3A_407] {strides = array<i32>} : memref<80x128xf32, #tpu.memory_space<vmem>>, vector<16xf32>,
        %get3A_409 = arith.index_cast %scan3A_317 : i32 to index
        %get3A_410 = arith.constant 112 : index
        %get3A_411 = tpu.vector_load %arg10[%get3A_409, %get3A_410] {strides = array<i32>} : memref<80x128xf32, #tpu.memory_space<vmem>>, vector<16xf32>,
        %add3A_412 = arith.addf %get3A_408, %get3A_411 : vector<16xf32>
        %max3A_413 = arith.constant 0.000000e+00 : f32
        %max3A_414 = vector.broadcast %max3A_413 : f32 to vector<16xf32>
        %max3A_415 = arith.maximumf %add3A_412, %max3A_414 : vector<16xf32>
        %swap3A_416 = arith.index_cast %scan3A_317 : i32 to index
        %swap3A_417 = arith.constant 112 : index
        %swap3A_418 = tpu.vector_load %arg8[%swap3A_416, %swap3A_417] {strides = array<i32>} : memref<80x128xf32, #tpu.memory_space<vmem>>, vector<16xf32>,
        tpu.vector_store %arg8[%swap3A_416, %swap3A_417], %max3A_415 {strides = array<i32>} : memref<80x128xf32, #tpu.memory_space<vmem>>, vector<16xf32>,
      }
      %scan3A_209 = arith.constant 80 : i32
      %dma_start3A_210 = arith.constant 0 : i32
      %dma_start3A_211 = arith.constant 0 : i32
      %dma_start3A_212 = tpu.memref_slice %arg19[%dma_start3A_210, %dma_start3A_211] : memref<10000x128xf32, #tpu.memory_space<vmem_shared>> -> memref<10000x128xf32, #tpu.memory_space<vmem_shared>>
      tpu.enqueue_indirect_dma source(%arg8 : memref<80x128xf32, #tpu.memory_space<vmem>>) target(%dma_start3A_212 : memref<10000x128xf32, #tpu.memory_space<vmem_shared>>) offsets(%arg16 : memref<80xi32, #tpu.memory_space<vmem>>) semaphore(%arg27 : memref<!tpu.dma_semaphore, #tpu.memory_space<semaphore_mem>>) {add = true}
      %add3A_213 = arith.constant 2 : i32
      %add3A_214 = arith.addi %add3A_110, %add3A_213 : i32
      %ge3A_215 = arith.constant 1 : i32
      %ge3A_216 = arith.cmpi sge, %add3A_214, %ge3A_215 : i32
      %convert_element_type3A_217 = arith.extui %ge3A_216 : i1 to i32
      %cond3A_218 = arith.constant 0 : i32
      %cond3A_219 = arith.cmpi ne, %convert_element_type3A_217, %cond3A_218 : i32
      scf.if %cond3A_219 {
        %dma_wait3A_317 = arith.constant 0 : i32
        %dma_wait3A_318 = arith.constant 0 : i32
        %dma_wait3A_319 = tpu.memref_slice %arg19[%dma_wait3A_317, %dma_wait3A_318] : memref<10000x128xf32, #tpu.memory_space<vmem_shared>> -> memref<10000x128xf32, #tpu.memory_space<vmem_shared>>
        tpu.wait_indirect_dma semaphore(%arg27 : memref<!tpu.dma_semaphore, #tpu.memory_space<semaphore_mem>>) src(%arg8 : memref<80x128xf32, #tpu.memory_space<vmem>>) dst(%dma_wait3A_319 : memref<10000x128xf32, #tpu.memory_space<vmem_shared>>)
      } else {
      }
      %le3A_220 = arith.constant 122 : i32
      %le3A_221 = arith.cmpi sle, %add3A_214, %le3A_220 : i32
      %convert_element_type3A_222 = arith.extui %le3A_221 : i1 to i32
      %cond3A_223 = arith.constant 0 : i32
      %cond3A_224 = arith.cmpi ne, %convert_element_type3A_222, %cond3A_223 : i32
      scf.if %cond3A_224 {
        %add3A_317 = arith.constant 2 : i32
        %add3A_318 = arith.addi %add3A_214, %add3A_317 : i32
        %mul3A_319 = arith.constant 80 : i32
        %mul3A_320 = arith.muli %add3A_318, %mul3A_319 : i32
        %add3A_321 = arith.addi %mul3A_2, %mul3A_320 : i32
        %dma_start3A_322 = tpu.memref_slice %arg4[%add3A_321] : memref<320000xi32, #tpu.memory_space<hbm>> -> memref<80xi32, #tpu.memory_space<hbm>>
        %dma_start3A_323 = tpu.memref_slice %arg4[%add3A_321] : memref<320000xi32, #tpu.memory_space<hbm>> -> memref<80xi32, #tpu.memory_space<hbm>>
        tpu.enqueue_dma source(%dma_start3A_323 : memref<80xi32, #tpu.memory_space<hbm>>) target(%arg11 : memref<80xi32, #tpu.memory_space<vmem>>) target_semaphore(%arg22 : memref<!tpu.dma_semaphore, #tpu.memory_space<semaphore_mem>>)
        %dma_start3A_324 = tpu.memref_slice %arg5[%add3A_321] : memref<320000xi32, #tpu.memory_space<hbm>> -> memref<80xi32, #tpu.memory_space<hbm>>
        %dma_start3A_325 = tpu.memref_slice %arg5[%add3A_321] : memref<320000xi32, #tpu.memory_space<hbm>> -> memref<80xi32, #tpu.memory_space<hbm>>
        tpu.enqueue_dma source(%dma_start3A_325 : memref<80xi32, #tpu.memory_space<hbm>>) target(%arg15 : memref<80xi32, #tpu.memory_space<vmem>>) target_semaphore(%arg22 : memref<!tpu.dma_semaphore, #tpu.memory_space<semaphore_mem>>)
      } else {
      }
      %add3A_225 = arith.constant 1 : i32
      %add3A_226 = arith.addi %add3A_214, %add3A_225 : i32
      %mul3A_227 = arith.constant 80 : i32
      %mul3A_228 = arith.muli %add3A_226, %mul3A_227 : i32
      %add3A_229 = arith.addi %mul3A_2, %mul3A_228 : i32
      %dma_wait3A_230 = tpu.memref_slice %arg4[%add3A_229] : memref<320000xi32, #tpu.memory_space<hbm>> -> memref<80xi32, #tpu.memory_space<hbm>>
      %dma_wait3A_231 = tpu.memref_slice %arg4[%add3A_229] : memref<320000xi32, #tpu.memory_space<hbm>> -> memref<80xi32, #tpu.memory_space<hbm>>
      tpu.wait_dma2 semaphore(%arg25 : memref<!tpu.dma_semaphore, #tpu.memory_space<semaphore_mem>>) src(%dma_wait3A_231 : memref<80xi32, #tpu.memory_space<hbm>>) dst(%arg14 : memref<80xi32, #tpu.memory_space<vmem>>)
      %dma_wait3A_232 = tpu.memref_slice %arg5[%add3A_229] : memref<320000xi32, #tpu.memory_space<hbm>> -> memref<80xi32, #tpu.memory_space<hbm>>
      %dma_wait3A_233 = tpu.memref_slice %arg5[%add3A_229] : memref<320000xi32, #tpu.memory_space<hbm>> -> memref<80xi32, #tpu.memory_space<hbm>>
      tpu.wait_dma2 semaphore(%arg25 : memref<!tpu.dma_semaphore, #tpu.memory_space<semaphore_mem>>) src(%dma_wait3A_233 : memref<80xi32, #tpu.memory_space<hbm>>) dst(%arg18 : memref<80xi32, #tpu.memory_space<vmem>>)
      %add3A_234 = arith.constant 1 : i32
      %add3A_235 = arith.addi %add3A_214, %add3A_234 : i32
      %mul3A_236 = arith.constant 80 : i32
      %mul3A_237 = arith.muli %add3A_235, %mul3A_236 : i32
      %add3A_238 = arith.addi %mul3A_2, %mul3A_237 : i32
      %dma_start3A_239 = arith.constant 0 : i32
      %dma_start3A_240 = arith.constant 0 : i32
      %dma_start3A_241 = tpu.memref_slice %arg2[%dma_start3A_239, %dma_start3A_240] : memref<10000x128xf32, #tpu.memory_space<hbm>> -> memref<10000x128xf32, #tpu.memory_space<hbm>>
      tpu.enqueue_indirect_dma source(%dma_start3A_241 : memref<10000x128xf32, #tpu.memory_space<hbm>>) target(%arg8 : memref<80x128xf32, #tpu.memory_space<vmem>>) offsets(%arg14 : memref<80xi32, #tpu.memory_space<vmem>>) semaphore(%arg21 : memref<!tpu.dma_semaphore, #tpu.memory_space<semaphore_mem>>)
      %dma_start3A_242 = arith.constant 0 : i32
      %dma_start3A_243 = tpu.memref_slice %arg3[%add3A_238, %dma_start3A_242] : memref<320000x128xf32, #tpu.memory_space<hbm>> -> memref<80x128xf32, #tpu.memory_space<hbm>>
      %dma_start3A_244 = arith.constant 0 : i32
      %dma_start3A_245 = tpu.memref_slice %arg3[%add3A_238, %dma_start3A_244] : memref<320000x128xf32, #tpu.memory_space<hbm>> -> memref<80x128xf32, #tpu.memory_space<hbm>>
      tpu.enqueue_dma source(%dma_start3A_245 : memref<80x128xf32, #tpu.memory_space<hbm>>) target(%arg10 : memref<80x128xf32, #tpu.memory_space<vmem>>) target_semaphore(%arg21 : memref<!tpu.dma_semaphore, #tpu.memory_space<semaphore_mem>>)
      %mul3A_246 = arith.constant 80 : i32
      %mul3A_247 = arith.muli %add3A_214, %mul3A_246 : i32
      %add3A_248 = arith.addi %mul3A_2, %mul3A_247 : i32
      %dma_wait3A_249 = arith.constant 0 : i32
      %dma_wait3A_250 = arith.constant 0 : i32
      %dma_wait3A_251 = tpu.memref_slice %arg2[%dma_wait3A_249, %dma_wait3A_250] : memref<10000x128xf32, #tpu.memory_space<hbm>> -> memref<10000x128xf32, #tpu.memory_space<hbm>>
      tpu.wait_indirect_dma semaphore(%arg20 : memref<!tpu.dma_semaphore, #tpu.memory_space<semaphore_mem>>) src(%dma_wait3A_251 : memref<10000x128xf32, #tpu.memory_space<hbm>>) dst(%arg7 : memref<80x128xf32, #tpu.memory_space<vmem>>)
      %dma_wait3A_252 = arith.constant 0 : i32
      %dma_wait3A_253 = tpu.memref_slice %arg3[%add3A_248, %dma_wait3A_252] : memref<320000x128xf32, #tpu.memory_space<hbm>> -> memref<80x128xf32, #tpu.memory_space<hbm>>
      %dma_wait3A_254 = arith.constant 0 : i32
      %dma_wait3A_255 = tpu.memref_slice %arg3[%add3A_248, %dma_wait3A_254] : memref<320000x128xf32, #tpu.memory_space<hbm>> -> memref<80x128xf32, #tpu.memory_space<hbm>>
      tpu.wait_dma2 semaphore(%arg20 : memref<!tpu.dma_semaphore, #tpu.memory_space<semaphore_mem>>) src(%dma_wait3A_255 : memref<80x128xf32, #tpu.memory_space<hbm>>) dst(%arg9 : memref<80x128xf32, #tpu.memory_space<vmem>>)
      %scan3A_256 = arith.constant 0 : i32
      %scan3A_257 = arith.constant 0 : i32
      %scan3A_258 = arith.constant 80 : i32
      %scan3A_259 = arith.addi %scan3A_257, %scan3A_258 : i32
      %scan3A_260 = arith.constant 1 : i32
      scf.for %scan3A_317 = %scan3A_257 to %scan3A_259 step %scan3A_260  : i32 {
        %get3A = arith.index_cast %scan3A_317 : i32 to index
        %get3A_318 = arith.constant 0 : index
        %get3A_319 = tpu.vector_load %arg7[%get3A, %get3A_318] {strides = array<i32>} : memref<80x128xf32, #tpu.memory_space<vmem>>, vector<16xf32>,
        %get3A_320 = arith.index_cast %scan3A_317 : i32 to index
        %get3A_321 = arith.constant 0 : index
        %get3A_322 = tpu.vector_load %arg9[%get3A_320, %get3A_321] {strides = array<i32>} : memref<80x128xf32, #tpu.memory_space<vmem>>, vector<16xf32>,
        %add3A_323 = arith.addf %get3A_319, %get3A_322 : vector<16xf32>
        %max3A = arith.constant 0.000000e+00 : f32
        %max3A_324 = vector.broadcast %max3A : f32 to vector<16xf32>
        %max3A_325 = arith.maximumf %add3A_323, %max3A_324 : vector<16xf32>
        %swap3A = arith.index_cast %scan3A_317 : i32 to index
        %swap3A_326 = arith.constant 0 : index
        %swap3A_327 = tpu.vector_load %arg7[%swap3A, %swap3A_326] {strides = array<i32>} : memref<80x128xf32, #tpu.memory_space<vmem>>, vector<16xf32>,
        tpu.vector_store %arg7[%swap3A, %swap3A_326], %max3A_325 {strides = array<i32>} : memref<80x128xf32, #tpu.memory_space<vmem>>, vector<16xf32>,
        %get3A_328 = arith.index_cast %scan3A_317 : i32 to index
        %get3A_329 = arith.constant 16 : index
        %get3A_330 = tpu.vector_load %arg7[%get3A_328, %get3A_329] {strides = array<i32>} : memref<80x128xf32, #tpu.memory_space<vmem>>, vector<16xf32>,
        %get3A_331 = arith.index_cast %scan3A_317 : i32 to index
        %get3A_332 = arith.constant 16 : index
        %get3A_333 = tpu.vector_load %arg9[%get3A_331, %get3A_332] {strides = array<i32>} : memref<80x128xf32, #tpu.memory_space<vmem>>, vector<16xf32>,
        %add3A_334 = arith.addf %get3A_330, %get3A_333 : vector<16xf32>
        %max3A_335 = arith.constant 0.000000e+00 : f32
        %max3A_336 = vector.broadcast %max3A_335 : f32 to vector<16xf32>
        %max3A_337 = arith.maximumf %add3A_334, %max3A_336 : vector<16xf32>
        %swap3A_338 = arith.index_cast %scan3A_317 : i32 to index
        %swap3A_339 = arith.constant 16 : index
        %swap3A_340 = tpu.vector_load %arg7[%swap3A_338, %swap3A_339] {strides = array<i32>} : memref<80x128xf32, #tpu.memory_space<vmem>>, vector<16xf32>,
        tpu.vector_store %arg7[%swap3A_338, %swap3A_339], %max3A_337 {strides = array<i32>} : memref<80x128xf32, #tpu.memory_space<vmem>>, vector<16xf32>,
        %get3A_341 = arith.index_cast %scan3A_317 : i32 to index
        %get3A_342 = arith.constant 32 : index
        %get3A_343 = tpu.vector_load %arg7[%get3A_341, %get3A_342] {strides = array<i32>} : memref<80x128xf32, #tpu.memory_space<vmem>>, vector<16xf32>,
        %get3A_344 = arith.index_cast %scan3A_317 : i32 to index
        %get3A_345 = arith.constant 32 : index
        %get3A_346 = tpu.vector_load %arg9[%get3A_344, %get3A_345] {strides = array<i32>} : memref<80x128xf32, #tpu.memory_space<vmem>>, vector<16xf32>,
        %add3A_347 = arith.addf %get3A_343, %get3A_346 : vector<16xf32>
        %max3A_348 = arith.constant 0.000000e+00 : f32
        %max3A_349 = vector.broadcast %max3A_348 : f32 to vector<16xf32>
        %max3A_350 = arith.maximumf %add3A_347, %max3A_349 : vector<16xf32>
        %swap3A_351 = arith.index_cast %scan3A_317 : i32 to index
        %swap3A_352 = arith.constant 32 : index
        %swap3A_353 = tpu.vector_load %arg7[%swap3A_351, %swap3A_352] {strides = array<i32>} : memref<80x128xf32, #tpu.memory_space<vmem>>, vector<16xf32>,
        tpu.vector_store %arg7[%swap3A_351, %swap3A_352], %max3A_350 {strides = array<i32>} : memref<80x128xf32, #tpu.memory_space<vmem>>, vector<16xf32>,
        %get3A_354 = arith.index_cast %scan3A_317 : i32 to index
        %get3A_355 = arith.constant 48 : index
        %get3A_356 = tpu.vector_load %arg7[%get3A_354, %get3A_355] {strides = array<i32>} : memref<80x128xf32, #tpu.memory_space<vmem>>, vector<16xf32>,
        %get3A_357 = arith.index_cast %scan3A_317 : i32 to index
        %get3A_358 = arith.constant 48 : index
        %get3A_359 = tpu.vector_load %arg9[%get3A_357, %get3A_358] {strides = array<i32>} : memref<80x128xf32, #tpu.memory_space<vmem>>, vector<16xf32>,
        %add3A_360 = arith.addf %get3A_356, %get3A_359 : vector<16xf32>
        %max3A_361 = arith.constant 0.000000e+00 : f32
        %max3A_362 = vector.broadcast %max3A_361 : f32 to vector<16xf32>
        %max3A_363 = arith.maximumf %add3A_360, %max3A_362 : vector<16xf32>
        %swap3A_364 = arith.index_cast %scan3A_317 : i32 to index
        %swap3A_365 = arith.constant 48 : index
        %swap3A_366 = tpu.vector_load %arg7[%swap3A_364, %swap3A_365] {strides = array<i32>} : memref<80x128xf32, #tpu.memory_space<vmem>>, vector<16xf32>,
        tpu.vector_store %arg7[%swap3A_364, %swap3A_365], %max3A_363 {strides = array<i32>} : memref<80x128xf32, #tpu.memory_space<vmem>>, vector<16xf32>,
        %get3A_367 = arith.index_cast %scan3A_317 : i32 to index
        %get3A_368 = arith.constant 64 : index
        %get3A_369 = tpu.vector_load %arg7[%get3A_367, %get3A_368] {strides = array<i32>} : memref<80x128xf32, #tpu.memory_space<vmem>>, vector<16xf32>,
        %get3A_370 = arith.index_cast %scan3A_317 : i32 to index
        %get3A_371 = arith.constant 64 : index
        %get3A_372 = tpu.vector_load %arg9[%get3A_370, %get3A_371] {strides = array<i32>} : memref<80x128xf32, #tpu.memory_space<vmem>>, vector<16xf32>,
        %add3A_373 = arith.addf %get3A_369, %get3A_372 : vector<16xf32>
        %max3A_374 = arith.constant 0.000000e+00 : f32
        %max3A_375 = vector.broadcast %max3A_374 : f32 to vector<16xf32>
        %max3A_376 = arith.maximumf %add3A_373, %max3A_375 : vector<16xf32>
        %swap3A_377 = arith.index_cast %scan3A_317 : i32 to index
        %swap3A_378 = arith.constant 64 : index
        %swap3A_379 = tpu.vector_load %arg7[%swap3A_377, %swap3A_378] {strides = array<i32>} : memref<80x128xf32, #tpu.memory_space<vmem>>, vector<16xf32>,
        tpu.vector_store %arg7[%swap3A_377, %swap3A_378], %max3A_376 {strides = array<i32>} : memref<80x128xf32, #tpu.memory_space<vmem>>, vector<16xf32>,
        %get3A_380 = arith.index_cast %scan3A_317 : i32 to index
        %get3A_381 = arith.constant 80 : index
        %get3A_382 = tpu.vector_load %arg7[%get3A_380, %get3A_381] {strides = array<i32>} : memref<80x128xf32, #tpu.memory_space<vmem>>, vector<16xf32>,
        %get3A_383 = arith.index_cast %scan3A_317 : i32 to index
        %get3A_384 = arith.constant 80 : index
        %get3A_385 = tpu.vector_load %arg9[%get3A_383, %get3A_384] {strides = array<i32>} : memref<80x128xf32, #tpu.memory_space<vmem>>, vector<16xf32>,
        %add3A_386 = arith.addf %get3A_382, %get3A_385 : vector<16xf32>
        %max3A_387 = arith.constant 0.000000e+00 : f32
        %max3A_388 = vector.broadcast %max3A_387 : f32 to vector<16xf32>
        %max3A_389 = arith.maximumf %add3A_386, %max3A_388 : vector<16xf32>
        %swap3A_390 = arith.index_cast %scan3A_317 : i32 to index
        %swap3A_391 = arith.constant 80 : index
        %swap3A_392 = tpu.vector_load %arg7[%swap3A_390, %swap3A_391] {strides = array<i32>} : memref<80x128xf32, #tpu.memory_space<vmem>>, vector<16xf32>,
        tpu.vector_store %arg7[%swap3A_390, %swap3A_391], %max3A_389 {strides = array<i32>} : memref<80x128xf32, #tpu.memory_space<vmem>>, vector<16xf32>,
        %get3A_393 = arith.index_cast %scan3A_317 : i32 to index
        %get3A_394 = arith.constant 96 : index
        %get3A_395 = tpu.vector_load %arg7[%get3A_393, %get3A_394] {strides = array<i32>} : memref<80x128xf32, #tpu.memory_space<vmem>>, vector<16xf32>,
        %get3A_396 = arith.index_cast %scan3A_317 : i32 to index
        %get3A_397 = arith.constant 96 : index
        %get3A_398 = tpu.vector_load %arg9[%get3A_396, %get3A_397] {strides = array<i32>} : memref<80x128xf32, #tpu.memory_space<vmem>>, vector<16xf32>,
        %add3A_399 = arith.addf %get3A_395, %get3A_398 : vector<16xf32>
        %max3A_400 = arith.constant 0.000000e+00 : f32
        %max3A_401 = vector.broadcast %max3A_400 : f32 to vector<16xf32>
        %max3A_402 = arith.maximumf %add3A_399, %max3A_401 : vector<16xf32>
        %swap3A_403 = arith.index_cast %scan3A_317 : i32 to index
        %swap3A_404 = arith.constant 96 : index
        %swap3A_405 = tpu.vector_load %arg7[%swap3A_403, %swap3A_404] {strides = array<i32>} : memref<80x128xf32, #tpu.memory_space<vmem>>, vector<16xf32>,
        tpu.vector_store %arg7[%swap3A_403, %swap3A_404], %max3A_402 {strides = array<i32>} : memref<80x128xf32, #tpu.memory_space<vmem>>, vector<16xf32>,
        %get3A_406 = arith.index_cast %scan3A_317 : i32 to index
        %get3A_407 = arith.constant 112 : index
        %get3A_408 = tpu.vector_load %arg7[%get3A_406, %get3A_407] {strides = array<i32>} : memref<80x128xf32, #tpu.memory_space<vmem>>, vector<16xf32>,
        %get3A_409 = arith.index_cast %scan3A_317 : i32 to index
        %get3A_410 = arith.constant 112 : index
        %get3A_411 = tpu.vector_load %arg9[%get3A_409, %get3A_410] {strides = array<i32>} : memref<80x128xf32, #tpu.memory_space<vmem>>, vector<16xf32>,
        %add3A_412 = arith.addf %get3A_408, %get3A_411 : vector<16xf32>
        %max3A_413 = arith.constant 0.000000e+00 : f32
        %max3A_414 = vector.broadcast %max3A_413 : f32 to vector<16xf32>
        %max3A_415 = arith.maximumf %add3A_412, %max3A_414 : vector<16xf32>
        %swap3A_416 = arith.index_cast %scan3A_317 : i32 to index
        %swap3A_417 = arith.constant 112 : index
        %swap3A_418 = tpu.vector_load %arg7[%swap3A_416, %swap3A_417] {strides = array<i32>} : memref<80x128xf32, #tpu.memory_space<vmem>>, vector<16xf32>,
        tpu.vector_store %arg7[%swap3A_416, %swap3A_417], %max3A_415 {strides = array<i32>} : memref<80x128xf32, #tpu.memory_space<vmem>>, vector<16xf32>,
      }
      %scan3A_261 = arith.constant 80 : i32
      %dma_start3A_262 = arith.constant 0 : i32
      %dma_start3A_263 = arith.constant 0 : i32
      %dma_start3A_264 = tpu.memref_slice %arg19[%dma_start3A_262, %dma_start3A_263] : memref<10000x128xf32, #tpu.memory_space<vmem_shared>> -> memref<10000x128xf32, #tpu.memory_space<vmem_shared>>
      tpu.enqueue_indirect_dma source(%arg7 : memref<80x128xf32, #tpu.memory_space<vmem>>) target(%dma_start3A_264 : memref<10000x128xf32, #tpu.memory_space<vmem_shared>>) offsets(%arg17 : memref<80xi32, #tpu.memory_space<vmem>>) semaphore(%arg26 : memref<!tpu.dma_semaphore, #tpu.memory_space<semaphore_mem>>) {add = true}
      %add3A_265 = arith.constant 3 : i32
      %add3A_266 = arith.addi %add3A_110, %add3A_265 : i32
      %ge3A_267 = arith.constant 1 : i32
      %ge3A_268 = arith.cmpi sge, %add3A_266, %ge3A_267 : i32
      %convert_element_type3A_269 = arith.extui %ge3A_268 : i1 to i32
      %cond3A_270 = arith.constant 0 : i32
      %cond3A_271 = arith.cmpi ne, %convert_element_type3A_269, %cond3A_270 : i32
      scf.if %cond3A_271 {
        %dma_wait3A_317 = arith.constant 0 : i32
        %dma_wait3A_318 = arith.constant 0 : i32
        %dma_wait3A_319 = tpu.memref_slice %arg19[%dma_wait3A_317, %dma_wait3A_318] : memref<10000x128xf32, #tpu.memory_space<vmem_shared>> -> memref<10000x128xf32, #tpu.memory_space<vmem_shared>>
        tpu.wait_indirect_dma semaphore(%arg26 : memref<!tpu.dma_semaphore, #tpu.memory_space<semaphore_mem>>) src(%arg7 : memref<80x128xf32, #tpu.memory_space<vmem>>) dst(%dma_wait3A_319 : memref<10000x128xf32, #tpu.memory_space<vmem_shared>>)
      } else {
      }
      %le3A_272 = arith.constant 122 : i32
      %le3A_273 = arith.cmpi sle, %add3A_266, %le3A_272 : i32
      %convert_element_type3A_274 = arith.extui %le3A_273 : i1 to i32
      %cond3A_275 = arith.constant 0 : i32
      %cond3A_276 = arith.cmpi ne, %convert_element_type3A_274, %cond3A_275 : i32
      scf.if %cond3A_276 {
        %add3A_317 = arith.constant 2 : i32
        %add3A_318 = arith.addi %add3A_266, %add3A_317 : i32
        %mul3A_319 = arith.constant 80 : i32
        %mul3A_320 = arith.muli %add3A_318, %mul3A_319 : i32
        %add3A_321 = arith.addi %mul3A_2, %mul3A_320 : i32
        %dma_start3A_322 = tpu.memref_slice %arg4[%add3A_321] : memref<320000xi32, #tpu.memory_space<hbm>> -> memref<80xi32, #tpu.memory_space<hbm>>
        %dma_start3A_323 = tpu.memref_slice %arg4[%add3A_321] : memref<320000xi32, #tpu.memory_space<hbm>> -> memref<80xi32, #tpu.memory_space<hbm>>
        tpu.enqueue_dma source(%dma_start3A_323 : memref<80xi32, #tpu.memory_space<hbm>>) target(%arg12 : memref<80xi32, #tpu.memory_space<vmem>>) target_semaphore(%arg23 : memref<!tpu.dma_semaphore, #tpu.memory_space<semaphore_mem>>)
        %dma_start3A_324 = tpu.memref_slice %arg5[%add3A_321] : memref<320000xi32, #tpu.memory_space<hbm>> -> memref<80xi32, #tpu.memory_space<hbm>>
        %dma_start3A_325 = tpu.memref_slice %arg5[%add3A_321] : memref<320000xi32, #tpu.memory_space<hbm>> -> memref<80xi32, #tpu.memory_space<hbm>>
        tpu.enqueue_dma source(%dma_start3A_325 : memref<80xi32, #tpu.memory_space<hbm>>) target(%arg16 : memref<80xi32, #tpu.memory_space<vmem>>) target_semaphore(%arg23 : memref<!tpu.dma_semaphore, #tpu.memory_space<semaphore_mem>>)
      } else {
      }
      %add3A_277 = arith.constant 1 : i32
      %add3A_278 = arith.addi %add3A_266, %add3A_277 : i32
      %mul3A_279 = arith.constant 80 : i32
      %mul3A_280 = arith.muli %add3A_278, %mul3A_279 : i32
      %add3A_281 = arith.addi %mul3A_2, %mul3A_280 : i32
      %dma_wait3A_282 = tpu.memref_slice %arg4[%add3A_281] : memref<320000xi32, #tpu.memory_space<hbm>> -> memref<80xi32, #tpu.memory_space<hbm>>
      %dma_wait3A_283 = tpu.memref_slice %arg4[%add3A_281] : memref<320000xi32, #tpu.memory_space<hbm>> -> memref<80xi32, #tpu.memory_space<hbm>>
      tpu.wait_dma2 semaphore(%arg22 : memref<!tpu.dma_semaphore, #tpu.memory_space<semaphore_mem>>) src(%dma_wait3A_283 : memref<80xi32, #tpu.memory_space<hbm>>) dst(%arg11 : memref<80xi32, #tpu.memory_space<vmem>>)
      %dma_wait3A_284 = tpu.memref_slice %arg5[%add3A_281] : memref<320000xi32, #tpu.memory_space<hbm>> -> memref<80xi32, #tpu.memory_space<hbm>>
      %dma_wait3A_285 = tpu.memref_slice %arg5[%add3A_281] : memref<320000xi32, #tpu.memory_space<hbm>> -> memref<80xi32, #tpu.memory_space<hbm>>
      tpu.wait_dma2 semaphore(%arg22 : memref<!tpu.dma_semaphore, #tpu.memory_space<semaphore_mem>>) src(%dma_wait3A_285 : memref<80xi32, #tpu.memory_space<hbm>>) dst(%arg15 : memref<80xi32, #tpu.memory_space<vmem>>)
      %add3A_286 = arith.constant 1 : i32
      %add3A_287 = arith.addi %add3A_266, %add3A_286 : i32
      %mul3A_288 = arith.constant 80 : i32
      %mul3A_289 = arith.muli %add3A_287, %mul3A_288 : i32
      %add3A_290 = arith.addi %mul3A_2, %mul3A_289 : i32
      %dma_start3A_291 = arith.constant 0 : i32
      %dma_start3A_292 = arith.constant 0 : i32
      %dma_start3A_293 = tpu.memref_slice %arg2[%dma_start3A_291, %dma_start3A_292] : memref<10000x128xf32, #tpu.memory_space<hbm>> -> memref<10000x128xf32, #tpu.memory_space<hbm>>
      tpu.enqueue_indirect_dma source(%dma_start3A_293 : memref<10000x128xf32, #tpu.memory_space<hbm>>) target(%arg7 : memref<80x128xf32, #tpu.memory_space<vmem>>) offsets(%arg11 : memref<80xi32, #tpu.memory_space<vmem>>) semaphore(%arg20 : memref<!tpu.dma_semaphore, #tpu.memory_space<semaphore_mem>>)
      %dma_start3A_294 = arith.constant 0 : i32
      %dma_start3A_295 = tpu.memref_slice %arg3[%add3A_290, %dma_start3A_294] : memref<320000x128xf32, #tpu.memory_space<hbm>> -> memref<80x128xf32, #tpu.memory_space<hbm>>
      %dma_start3A_296 = arith.constant 0 : i32
      %dma_start3A_297 = tpu.memref_slice %arg3[%add3A_290, %dma_start3A_296] : memref<320000x128xf32, #tpu.memory_space<hbm>> -> memref<80x128xf32, #tpu.memory_space<hbm>>
      tpu.enqueue_dma source(%dma_start3A_297 : memref<80x128xf32, #tpu.memory_space<hbm>>) target(%arg9 : memref<80x128xf32, #tpu.memory_space<vmem>>) target_semaphore(%arg20 : memref<!tpu.dma_semaphore, #tpu.memory_space<semaphore_mem>>)
      %mul3A_298 = arith.constant 80 : i32
      %mul3A_299 = arith.muli %add3A_266, %mul3A_298 : i32
      %add3A_300 = arith.addi %mul3A_2, %mul3A_299 : i32
      %dma_wait3A_301 = arith.constant 0 : i32
      %dma_wait3A_302 = arith.constant 0 : i32
      %dma_wait3A_303 = tpu.memref_slice %arg2[%dma_wait3A_301, %dma_wait3A_302] : memref<10000x128xf32, #tpu.memory_space<hbm>> -> memref<10000x128xf32, #tpu.memory_space<hbm>>
      tpu.wait_indirect_dma semaphore(%arg21 : memref<!tpu.dma_semaphore, #tpu.memory_space<semaphore_mem>>) src(%dma_wait3A_303 : memref<10000x128xf32, #tpu.memory_space<hbm>>) dst(%arg8 : memref<80x128xf32, #tpu.memory_space<vmem>>)
      %dma_wait3A_304 = arith.constant 0 : i32
      %dma_wait3A_305 = tpu.memref_slice %arg3[%add3A_300, %dma_wait3A_304] : memref<320000x128xf32, #tpu.memory_space<hbm>> -> memref<80x128xf32, #tpu.memory_space<hbm>>
      %dma_wait3A_306 = arith.constant 0 : i32
      %dma_wait3A_307 = tpu.memref_slice %arg3[%add3A_300, %dma_wait3A_306] : memref<320000x128xf32, #tpu.memory_space<hbm>> -> memref<80x128xf32, #tpu.memory_space<hbm>>
      tpu.wait_dma2 semaphore(%arg21 : memref<!tpu.dma_semaphore, #tpu.memory_space<semaphore_mem>>) src(%dma_wait3A_307 : memref<80x128xf32, #tpu.memory_space<hbm>>) dst(%arg10 : memref<80x128xf32, #tpu.memory_space<vmem>>)
      %scan3A_308 = arith.constant 0 : i32
      %scan3A_309 = arith.constant 0 : i32
      %scan3A_310 = arith.constant 80 : i32
      %scan3A_311 = arith.addi %scan3A_309, %scan3A_310 : i32
      %scan3A_312 = arith.constant 1 : i32
      scf.for %scan3A_317 = %scan3A_309 to %scan3A_311 step %scan3A_312  : i32 {
        %get3A = arith.index_cast %scan3A_317 : i32 to index
        %get3A_318 = arith.constant 0 : index
        %get3A_319 = tpu.vector_load %arg8[%get3A, %get3A_318] {strides = array<i32>} : memref<80x128xf32, #tpu.memory_space<vmem>>, vector<16xf32>,
        %get3A_320 = arith.index_cast %scan3A_317 : i32 to index
        %get3A_321 = arith.constant 0 : index
        %get3A_322 = tpu.vector_load %arg10[%get3A_320, %get3A_321] {strides = array<i32>} : memref<80x128xf32, #tpu.memory_space<vmem>>, vector<16xf32>,
        %add3A_323 = arith.addf %get3A_319, %get3A_322 : vector<16xf32>
        %max3A = arith.constant 0.000000e+00 : f32
        %max3A_324 = vector.broadcast %max3A : f32 to vector<16xf32>
        %max3A_325 = arith.maximumf %add3A_323, %max3A_324 : vector<16xf32>
        %swap3A = arith.index_cast %scan3A_317 : i32 to index
        %swap3A_326 = arith.constant 0 : index
        %swap3A_327 = tpu.vector_load %arg8[%swap3A, %swap3A_326] {strides = array<i32>} : memref<80x128xf32, #tpu.memory_space<vmem>>, vector<16xf32>,
        tpu.vector_store %arg8[%swap3A, %swap3A_326], %max3A_325 {strides = array<i32>} : memref<80x128xf32, #tpu.memory_space<vmem>>, vector<16xf32>,
        %get3A_328 = arith.index_cast %scan3A_317 : i32 to index
        %get3A_329 = arith.constant 16 : index
        %get3A_330 = tpu.vector_load %arg8[%get3A_328, %get3A_329] {strides = array<i32>} : memref<80x128xf32, #tpu.memory_space<vmem>>, vector<16xf32>,
        %get3A_331 = arith.index_cast %scan3A_317 : i32 to index
        %get3A_332 = arith.constant 16 : index
        %get3A_333 = tpu.vector_load %arg10[%get3A_331, %get3A_332] {strides = array<i32>} : memref<80x128xf32, #tpu.memory_space<vmem>>, vector<16xf32>,
        %add3A_334 = arith.addf %get3A_330, %get3A_333 : vector<16xf32>
        %max3A_335 = arith.constant 0.000000e+00 : f32
        %max3A_336 = vector.broadcast %max3A_335 : f32 to vector<16xf32>
        %max3A_337 = arith.maximumf %add3A_334, %max3A_336 : vector<16xf32>
        %swap3A_338 = arith.index_cast %scan3A_317 : i32 to index
        %swap3A_339 = arith.constant 16 : index
        %swap3A_340 = tpu.vector_load %arg8[%swap3A_338, %swap3A_339] {strides = array<i32>} : memref<80x128xf32, #tpu.memory_space<vmem>>, vector<16xf32>,
        tpu.vector_store %arg8[%swap3A_338, %swap3A_339], %max3A_337 {strides = array<i32>} : memref<80x128xf32, #tpu.memory_space<vmem>>, vector<16xf32>,
        %get3A_341 = arith.index_cast %scan3A_317 : i32 to index
        %get3A_342 = arith.constant 32 : index
        %get3A_343 = tpu.vector_load %arg8[%get3A_341, %get3A_342] {strides = array<i32>} : memref<80x128xf32, #tpu.memory_space<vmem>>, vector<16xf32>,
        %get3A_344 = arith.index_cast %scan3A_317 : i32 to index
        %get3A_345 = arith.constant 32 : index
        %get3A_346 = tpu.vector_load %arg10[%get3A_344, %get3A_345] {strides = array<i32>} : memref<80x128xf32, #tpu.memory_space<vmem>>, vector<16xf32>,
        %add3A_347 = arith.addf %get3A_343, %get3A_346 : vector<16xf32>
        %max3A_348 = arith.constant 0.000000e+00 : f32
        %max3A_349 = vector.broadcast %max3A_348 : f32 to vector<16xf32>
        %max3A_350 = arith.maximumf %add3A_347, %max3A_349 : vector<16xf32>
        %swap3A_351 = arith.index_cast %scan3A_317 : i32 to index
        %swap3A_352 = arith.constant 32 : index
        %swap3A_353 = tpu.vector_load %arg8[%swap3A_351, %swap3A_352] {strides = array<i32>} : memref<80x128xf32, #tpu.memory_space<vmem>>, vector<16xf32>,
        tpu.vector_store %arg8[%swap3A_351, %swap3A_352], %max3A_350 {strides = array<i32>} : memref<80x128xf32, #tpu.memory_space<vmem>>, vector<16xf32>,
        %get3A_354 = arith.index_cast %scan3A_317 : i32 to index
        %get3A_355 = arith.constant 48 : index
        %get3A_356 = tpu.vector_load %arg8[%get3A_354, %get3A_355] {strides = array<i32>} : memref<80x128xf32, #tpu.memory_space<vmem>>, vector<16xf32>,
        %get3A_357 = arith.index_cast %scan3A_317 : i32 to index
        %get3A_358 = arith.constant 48 : index
        %get3A_359 = tpu.vector_load %arg10[%get3A_357, %get3A_358] {strides = array<i32>} : memref<80x128xf32, #tpu.memory_space<vmem>>, vector<16xf32>,
        %add3A_360 = arith.addf %get3A_356, %get3A_359 : vector<16xf32>
        %max3A_361 = arith.constant 0.000000e+00 : f32
        %max3A_362 = vector.broadcast %max3A_361 : f32 to vector<16xf32>
        %max3A_363 = arith.maximumf %add3A_360, %max3A_362 : vector<16xf32>
        %swap3A_364 = arith.index_cast %scan3A_317 : i32 to index
        %swap3A_365 = arith.constant 48 : index
        %swap3A_366 = tpu.vector_load %arg8[%swap3A_364, %swap3A_365] {strides = array<i32>} : memref<80x128xf32, #tpu.memory_space<vmem>>, vector<16xf32>,
        tpu.vector_store %arg8[%swap3A_364, %swap3A_365], %max3A_363 {strides = array<i32>} : memref<80x128xf32, #tpu.memory_space<vmem>>, vector<16xf32>,
        %get3A_367 = arith.index_cast %scan3A_317 : i32 to index
        %get3A_368 = arith.constant 64 : index
        %get3A_369 = tpu.vector_load %arg8[%get3A_367, %get3A_368] {strides = array<i32>} : memref<80x128xf32, #tpu.memory_space<vmem>>, vector<16xf32>,
        %get3A_370 = arith.index_cast %scan3A_317 : i32 to index
        %get3A_371 = arith.constant 64 : index
        %get3A_372 = tpu.vector_load %arg10[%get3A_370, %get3A_371] {strides = array<i32>} : memref<80x128xf32, #tpu.memory_space<vmem>>, vector<16xf32>,
        %add3A_373 = arith.addf %get3A_369, %get3A_372 : vector<16xf32>
        %max3A_374 = arith.constant 0.000000e+00 : f32
        %max3A_375 = vector.broadcast %max3A_374 : f32 to vector<16xf32>
        %max3A_376 = arith.maximumf %add3A_373, %max3A_375 : vector<16xf32>
        %swap3A_377 = arith.index_cast %scan3A_317 : i32 to index
        %swap3A_378 = arith.constant 64 : index
        %swap3A_379 = tpu.vector_load %arg8[%swap3A_377, %swap3A_378] {strides = array<i32>} : memref<80x128xf32, #tpu.memory_space<vmem>>, vector<16xf32>,
        tpu.vector_store %arg8[%swap3A_377, %swap3A_378], %max3A_376 {strides = array<i32>} : memref<80x128xf32, #tpu.memory_space<vmem>>, vector<16xf32>,
        %get3A_380 = arith.index_cast %scan3A_317 : i32 to index
        %get3A_381 = arith.constant 80 : index
        %get3A_382 = tpu.vector_load %arg8[%get3A_380, %get3A_381] {strides = array<i32>} : memref<80x128xf32, #tpu.memory_space<vmem>>, vector<16xf32>,
        %get3A_383 = arith.index_cast %scan3A_317 : i32 to index
        %get3A_384 = arith.constant 80 : index
        %get3A_385 = tpu.vector_load %arg10[%get3A_383, %get3A_384] {strides = array<i32>} : memref<80x128xf32, #tpu.memory_space<vmem>>, vector<16xf32>,
        %add3A_386 = arith.addf %get3A_382, %get3A_385 : vector<16xf32>
        %max3A_387 = arith.constant 0.000000e+00 : f32
        %max3A_388 = vector.broadcast %max3A_387 : f32 to vector<16xf32>
        %max3A_389 = arith.maximumf %add3A_386, %max3A_388 : vector<16xf32>
        %swap3A_390 = arith.index_cast %scan3A_317 : i32 to index
        %swap3A_391 = arith.constant 80 : index
        %swap3A_392 = tpu.vector_load %arg8[%swap3A_390, %swap3A_391] {strides = array<i32>} : memref<80x128xf32, #tpu.memory_space<vmem>>, vector<16xf32>,
        tpu.vector_store %arg8[%swap3A_390, %swap3A_391], %max3A_389 {strides = array<i32>} : memref<80x128xf32, #tpu.memory_space<vmem>>, vector<16xf32>,
        %get3A_393 = arith.index_cast %scan3A_317 : i32 to index
        %get3A_394 = arith.constant 96 : index
        %get3A_395 = tpu.vector_load %arg8[%get3A_393, %get3A_394] {strides = array<i32>} : memref<80x128xf32, #tpu.memory_space<vmem>>, vector<16xf32>,
        %get3A_396 = arith.index_cast %scan3A_317 : i32 to index
        %get3A_397 = arith.constant 96 : index
        %get3A_398 = tpu.vector_load %arg10[%get3A_396, %get3A_397] {strides = array<i32>} : memref<80x128xf32, #tpu.memory_space<vmem>>, vector<16xf32>,
        %add3A_399 = arith.addf %get3A_395, %get3A_398 : vector<16xf32>
        %max3A_400 = arith.constant 0.000000e+00 : f32
        %max3A_401 = vector.broadcast %max3A_400 : f32 to vector<16xf32>
        %max3A_402 = arith.maximumf %add3A_399, %max3A_401 : vector<16xf32>
        %swap3A_403 = arith.index_cast %scan3A_317 : i32 to index
        %swap3A_404 = arith.constant 96 : index
        %swap3A_405 = tpu.vector_load %arg8[%swap3A_403, %swap3A_404] {strides = array<i32>} : memref<80x128xf32, #tpu.memory_space<vmem>>, vector<16xf32>,
        tpu.vector_store %arg8[%swap3A_403, %swap3A_404], %max3A_402 {strides = array<i32>} : memref<80x128xf32, #tpu.memory_space<vmem>>, vector<16xf32>,
        %get3A_406 = arith.index_cast %scan3A_317 : i32 to index
        %get3A_407 = arith.constant 112 : index
        %get3A_408 = tpu.vector_load %arg8[%get3A_406, %get3A_407] {strides = array<i32>} : memref<80x128xf32, #tpu.memory_space<vmem>>, vector<16xf32>,
        %get3A_409 = arith.index_cast %scan3A_317 : i32 to index
        %get3A_410 = arith.constant 112 : index
        %get3A_411 = tpu.vector_load %arg10[%get3A_409, %get3A_410] {strides = array<i32>} : memref<80x128xf32, #tpu.memory_space<vmem>>, vector<16xf32>,
        %add3A_412 = arith.addf %get3A_408, %get3A_411 : vector<16xf32>
        %max3A_413 = arith.constant 0.000000e+00 : f32
        %max3A_414 = vector.broadcast %max3A_413 : f32 to vector<16xf32>
        %max3A_415 = arith.maximumf %add3A_412, %max3A_414 : vector<16xf32>
        %swap3A_416 = arith.index_cast %scan3A_317 : i32 to index
        %swap3A_417 = arith.constant 112 : index
        %swap3A_418 = tpu.vector_load %arg8[%swap3A_416, %swap3A_417] {strides = array<i32>} : memref<80x128xf32, #tpu.memory_space<vmem>>, vector<16xf32>,
        tpu.vector_store %arg8[%swap3A_416, %swap3A_417], %max3A_415 {strides = array<i32>} : memref<80x128xf32, #tpu.memory_space<vmem>>, vector<16xf32>,
      }
      %scan3A_313 = arith.constant 80 : i32
      %dma_start3A_314 = arith.constant 0 : i32
      %dma_start3A_315 = arith.constant 0 : i32
      %dma_start3A_316 = tpu.memref_slice %arg19[%dma_start3A_314, %dma_start3A_315] : memref<10000x128xf32, #tpu.memory_space<vmem_shared>> -> memref<10000x128xf32, #tpu.memory_space<vmem_shared>>
      tpu.enqueue_indirect_dma source(%arg8 : memref<80x128xf32, #tpu.memory_space<vmem>>) target(%dma_start3A_316 : memref<10000x128xf32, #tpu.memory_space<vmem_shared>>) offsets(%arg18 : memref<80xi32, #tpu.memory_space<vmem>>) semaphore(%arg27 : memref<!tpu.dma_semaphore, #tpu.memory_space<semaphore_mem>>) {add = true}
    }
    %scan3A_71 = arith.constant 31 : i32
    %dma_wait3A_72 = arith.constant 0 : i32
    %dma_wait3A_73 = arith.constant 0 : i32
    %dma_wait3A_74 = tpu.memref_slice %arg19[%dma_wait3A_72, %dma_wait3A_73] : memref<10000x128xf32, #tpu.memory_space<vmem_shared>> -> memref<10000x128xf32, #tpu.memory_space<vmem_shared>>
    tpu.wait_indirect_dma semaphore(%arg27 : memref<!tpu.dma_semaphore, #tpu.memory_space<semaphore_mem>>) src(%arg8 : memref<80x128xf32, #tpu.memory_space<vmem>>) dst(%dma_wait3A_74 : memref<10000x128xf32, #tpu.memory_space<vmem_shared>>)
    %add3A_75 = arith.constant 9920 : i32
    %add3A_76 = arith.addi %mul3A_2, %add3A_75 : i32
    %dma_wait3A_77 = arith.constant 0 : i32
    %dma_wait3A_78 = arith.constant 0 : i32
    %dma_wait3A_79 = tpu.memref_slice %arg2[%dma_wait3A_77, %dma_wait3A_78] : memref<10000x128xf32, #tpu.memory_space<hbm>> -> memref<10000x128xf32, #tpu.memory_space<hbm>>
    tpu.wait_indirect_dma semaphore(%arg20 : memref<!tpu.dma_semaphore, #tpu.memory_space<semaphore_mem>>) src(%dma_wait3A_79 : memref<10000x128xf32, #tpu.memory_space<hbm>>) dst(%arg7 : memref<80x128xf32, #tpu.memory_space<vmem>>)
    %dma_wait3A_80 = arith.constant 0 : i32
    %dma_wait3A_81 = tpu.memref_slice %arg3[%add3A_76, %dma_wait3A_80] : memref<320000x128xf32, #tpu.memory_space<hbm>> -> memref<80x128xf32, #tpu.memory_space<hbm>>
    %dma_wait3A_82 = arith.constant 0 : i32
    %dma_wait3A_83 = tpu.memref_slice %arg3[%add3A_76, %dma_wait3A_82] : memref<320000x128xf32, #tpu.memory_space<hbm>> -> memref<80x128xf32, #tpu.memory_space<hbm>>
    tpu.wait_dma2 semaphore(%arg20 : memref<!tpu.dma_semaphore, #tpu.memory_space<semaphore_mem>>) src(%dma_wait3A_83 : memref<80x128xf32, #tpu.memory_space<hbm>>) dst(%arg9 : memref<80x128xf32, #tpu.memory_space<vmem>>)
    %scan3A_84 = arith.constant 0 : i32
    %scan3A_85 = arith.constant 0 : i32
    %scan3A_86 = arith.constant 80 : i32
    %scan3A_87 = arith.addi %scan3A_85, %scan3A_86 : i32
    %scan3A_88 = arith.constant 1 : i32
    scf.for %scan3A_106 = %scan3A_85 to %scan3A_87 step %scan3A_88  : i32 {
      %get3A = arith.index_cast %scan3A_106 : i32 to index
      %get3A_107 = arith.constant 0 : index
      %get3A_108 = tpu.vector_load %arg7[%get3A, %get3A_107] {strides = array<i32>} : memref<80x128xf32, #tpu.memory_space<vmem>>, vector<16xf32>,
      %get3A_109 = arith.index_cast %scan3A_106 : i32 to index
      %get3A_110 = arith.constant 0 : index
      %get3A_111 = tpu.vector_load %arg9[%get3A_109, %get3A_110] {strides = array<i32>} : memref<80x128xf32, #tpu.memory_space<vmem>>, vector<16xf32>,
      %add3A_112 = arith.addf %get3A_108, %get3A_111 : vector<16xf32>
      %max3A = arith.constant 0.000000e+00 : f32
      %max3A_113 = vector.broadcast %max3A : f32 to vector<16xf32>
      %max3A_114 = arith.maximumf %add3A_112, %max3A_113 : vector<16xf32>
      %swap3A = arith.index_cast %scan3A_106 : i32 to index
      %swap3A_115 = arith.constant 0 : index
      %swap3A_116 = tpu.vector_load %arg7[%swap3A, %swap3A_115] {strides = array<i32>} : memref<80x128xf32, #tpu.memory_space<vmem>>, vector<16xf32>,
      tpu.vector_store %arg7[%swap3A, %swap3A_115], %max3A_114 {strides = array<i32>} : memref<80x128xf32, #tpu.memory_space<vmem>>, vector<16xf32>,
      %get3A_117 = arith.index_cast %scan3A_106 : i32 to index
      %get3A_118 = arith.constant 16 : index
      %get3A_119 = tpu.vector_load %arg7[%get3A_117, %get3A_118] {strides = array<i32>} : memref<80x128xf32, #tpu.memory_space<vmem>>, vector<16xf32>,
      %get3A_120 = arith.index_cast %scan3A_106 : i32 to index
      %get3A_121 = arith.constant 16 : index
      %get3A_122 = tpu.vector_load %arg9[%get3A_120, %get3A_121] {strides = array<i32>} : memref<80x128xf32, #tpu.memory_space<vmem>>, vector<16xf32>,
      %add3A_123 = arith.addf %get3A_119, %get3A_122 : vector<16xf32>
      %max3A_124 = arith.constant 0.000000e+00 : f32
      %max3A_125 = vector.broadcast %max3A_124 : f32 to vector<16xf32>
      %max3A_126 = arith.maximumf %add3A_123, %max3A_125 : vector<16xf32>
      %swap3A_127 = arith.index_cast %scan3A_106 : i32 to index
      %swap3A_128 = arith.constant 16 : index
      %swap3A_129 = tpu.vector_load %arg7[%swap3A_127, %swap3A_128] {strides = array<i32>} : memref<80x128xf32, #tpu.memory_space<vmem>>, vector<16xf32>,
      tpu.vector_store %arg7[%swap3A_127, %swap3A_128], %max3A_126 {strides = array<i32>} : memref<80x128xf32, #tpu.memory_space<vmem>>, vector<16xf32>,
      %get3A_130 = arith.index_cast %scan3A_106 : i32 to index
      %get3A_131 = arith.constant 32 : index
      %get3A_132 = tpu.vector_load %arg7[%get3A_130, %get3A_131] {strides = array<i32>} : memref<80x128xf32, #tpu.memory_space<vmem>>, vector<16xf32>,
      %get3A_133 = arith.index_cast %scan3A_106 : i32 to index
      %get3A_134 = arith.constant 32 : index
      %get3A_135 = tpu.vector_load %arg9[%get3A_133, %get3A_134] {strides = array<i32>} : memref<80x128xf32, #tpu.memory_space<vmem>>, vector<16xf32>,
      %add3A_136 = arith.addf %get3A_132, %get3A_135 : vector<16xf32>
      %max3A_137 = arith.constant 0.000000e+00 : f32
      %max3A_138 = vector.broadcast %max3A_137 : f32 to vector<16xf32>
      %max3A_139 = arith.maximumf %add3A_136, %max3A_138 : vector<16xf32>
      %swap3A_140 = arith.index_cast %scan3A_106 : i32 to index
      %swap3A_141 = arith.constant 32 : index
      %swap3A_142 = tpu.vector_load %arg7[%swap3A_140, %swap3A_141] {strides = array<i32>} : memref<80x128xf32, #tpu.memory_space<vmem>>, vector<16xf32>,
      tpu.vector_store %arg7[%swap3A_140, %swap3A_141], %max3A_139 {strides = array<i32>} : memref<80x128xf32, #tpu.memory_space<vmem>>, vector<16xf32>,
      %get3A_143 = arith.index_cast %scan3A_106 : i32 to index
      %get3A_144 = arith.constant 48 : index
      %get3A_145 = tpu.vector_load %arg7[%get3A_143, %get3A_144] {strides = array<i32>} : memref<80x128xf32, #tpu.memory_space<vmem>>, vector<16xf32>,
      %get3A_146 = arith.index_cast %scan3A_106 : i32 to index
      %get3A_147 = arith.constant 48 : index
      %get3A_148 = tpu.vector_load %arg9[%get3A_146, %get3A_147] {strides = array<i32>} : memref<80x128xf32, #tpu.memory_space<vmem>>, vector<16xf32>,
      %add3A_149 = arith.addf %get3A_145, %get3A_148 : vector<16xf32>
      %max3A_150 = arith.constant 0.000000e+00 : f32
      %max3A_151 = vector.broadcast %max3A_150 : f32 to vector<16xf32>
      %max3A_152 = arith.maximumf %add3A_149, %max3A_151 : vector<16xf32>
      %swap3A_153 = arith.index_cast %scan3A_106 : i32 to index
      %swap3A_154 = arith.constant 48 : index
      %swap3A_155 = tpu.vector_load %arg7[%swap3A_153, %swap3A_154] {strides = array<i32>} : memref<80x128xf32, #tpu.memory_space<vmem>>, vector<16xf32>,
      tpu.vector_store %arg7[%swap3A_153, %swap3A_154], %max3A_152 {strides = array<i32>} : memref<80x128xf32, #tpu.memory_space<vmem>>, vector<16xf32>,
      %get3A_156 = arith.index_cast %scan3A_106 : i32 to index
      %get3A_157 = arith.constant 64 : index
      %get3A_158 = tpu.vector_load %arg7[%get3A_156, %get3A_157] {strides = array<i32>} : memref<80x128xf32, #tpu.memory_space<vmem>>, vector<16xf32>,
      %get3A_159 = arith.index_cast %scan3A_106 : i32 to index
      %get3A_160 = arith.constant 64 : index
      %get3A_161 = tpu.vector_load %arg9[%get3A_159, %get3A_160] {strides = array<i32>} : memref<80x128xf32, #tpu.memory_space<vmem>>, vector<16xf32>,
      %add3A_162 = arith.addf %get3A_158, %get3A_161 : vector<16xf32>
      %max3A_163 = arith.constant 0.000000e+00 : f32
      %max3A_164 = vector.broadcast %max3A_163 : f32 to vector<16xf32>
      %max3A_165 = arith.maximumf %add3A_162, %max3A_164 : vector<16xf32>
      %swap3A_166 = arith.index_cast %scan3A_106 : i32 to index
      %swap3A_167 = arith.constant 64 : index
      %swap3A_168 = tpu.vector_load %arg7[%swap3A_166, %swap3A_167] {strides = array<i32>} : memref<80x128xf32, #tpu.memory_space<vmem>>, vector<16xf32>,
      tpu.vector_store %arg7[%swap3A_166, %swap3A_167], %max3A_165 {strides = array<i32>} : memref<80x128xf32, #tpu.memory_space<vmem>>, vector<16xf32>,
      %get3A_169 = arith.index_cast %scan3A_106 : i32 to index
      %get3A_170 = arith.constant 80 : index
      %get3A_171 = tpu.vector_load %arg7[%get3A_169, %get3A_170] {strides = array<i32>} : memref<80x128xf32, #tpu.memory_space<vmem>>, vector<16xf32>,
      %get3A_172 = arith.index_cast %scan3A_106 : i32 to index
      %get3A_173 = arith.constant 80 : index
      %get3A_174 = tpu.vector_load %arg9[%get3A_172, %get3A_173] {strides = array<i32>} : memref<80x128xf32, #tpu.memory_space<vmem>>, vector<16xf32>,
      %add3A_175 = arith.addf %get3A_171, %get3A_174 : vector<16xf32>
      %max3A_176 = arith.constant 0.000000e+00 : f32
      %max3A_177 = vector.broadcast %max3A_176 : f32 to vector<16xf32>
      %max3A_178 = arith.maximumf %add3A_175, %max3A_177 : vector<16xf32>
      %swap3A_179 = arith.index_cast %scan3A_106 : i32 to index
      %swap3A_180 = arith.constant 80 : index
      %swap3A_181 = tpu.vector_load %arg7[%swap3A_179, %swap3A_180] {strides = array<i32>} : memref<80x128xf32, #tpu.memory_space<vmem>>, vector<16xf32>,
      tpu.vector_store %arg7[%swap3A_179, %swap3A_180], %max3A_178 {strides = array<i32>} : memref<80x128xf32, #tpu.memory_space<vmem>>, vector<16xf32>,
      %get3A_182 = arith.index_cast %scan3A_106 : i32 to index
      %get3A_183 = arith.constant 96 : index
      %get3A_184 = tpu.vector_load %arg7[%get3A_182, %get3A_183] {strides = array<i32>} : memref<80x128xf32, #tpu.memory_space<vmem>>, vector<16xf32>,
      %get3A_185 = arith.index_cast %scan3A_106 : i32 to index
      %get3A_186 = arith.constant 96 : index
      %get3A_187 = tpu.vector_load %arg9[%get3A_185, %get3A_186] {strides = array<i32>} : memref<80x128xf32, #tpu.memory_space<vmem>>, vector<16xf32>,
      %add3A_188 = arith.addf %get3A_184, %get3A_187 : vector<16xf32>
      %max3A_189 = arith.constant 0.000000e+00 : f32
      %max3A_190 = vector.broadcast %max3A_189 : f32 to vector<16xf32>
      %max3A_191 = arith.maximumf %add3A_188, %max3A_190 : vector<16xf32>
      %swap3A_192 = arith.index_cast %scan3A_106 : i32 to index
      %swap3A_193 = arith.constant 96 : index
      %swap3A_194 = tpu.vector_load %arg7[%swap3A_192, %swap3A_193] {strides = array<i32>} : memref<80x128xf32, #tpu.memory_space<vmem>>, vector<16xf32>,
      tpu.vector_store %arg7[%swap3A_192, %swap3A_193], %max3A_191 {strides = array<i32>} : memref<80x128xf32, #tpu.memory_space<vmem>>, vector<16xf32>,
      %get3A_195 = arith.index_cast %scan3A_106 : i32 to index
      %get3A_196 = arith.constant 112 : index
      %get3A_197 = tpu.vector_load %arg7[%get3A_195, %get3A_196] {strides = array<i32>} : memref<80x128xf32, #tpu.memory_space<vmem>>, vector<16xf32>,
      %get3A_198 = arith.index_cast %scan3A_106 : i32 to index
      %get3A_199 = arith.constant 112 : index
      %get3A_200 = tpu.vector_load %arg9[%get3A_198, %get3A_199] {strides = array<i32>} : memref<80x128xf32, #tpu.memory_space<vmem>>, vector<16xf32>,
      %add3A_201 = arith.addf %get3A_197, %get3A_200 : vector<16xf32>
      %max3A_202 = arith.constant 0.000000e+00 : f32
      %max3A_203 = vector.broadcast %max3A_202 : f32 to vector<16xf32>
      %max3A_204 = arith.maximumf %add3A_201, %max3A_203 : vector<16xf32>
      %swap3A_205 = arith.index_cast %scan3A_106 : i32 to index
      %swap3A_206 = arith.constant 112 : index
      %swap3A_207 = tpu.vector_load %arg7[%swap3A_205, %swap3A_206] {strides = array<i32>} : memref<80x128xf32, #tpu.memory_space<vmem>>, vector<16xf32>,
      tpu.vector_store %arg7[%swap3A_205, %swap3A_206], %max3A_204 {strides = array<i32>} : memref<80x128xf32, #tpu.memory_space<vmem>>, vector<16xf32>,
    }
    %scan3A_89 = arith.constant 80 : i32
    %dma_start3A_90 = arith.constant 0 : i32
    %dma_start3A_91 = arith.constant 0 : i32
    %dma_start3A_92 = tpu.memref_slice %arg19[%dma_start3A_90, %dma_start3A_91] : memref<10000x128xf32, #tpu.memory_space<vmem_shared>> -> memref<10000x128xf32, #tpu.memory_space<vmem_shared>>
    tpu.enqueue_indirect_dma source(%arg7 : memref<80x128xf32, #tpu.memory_space<vmem>>) target(%dma_start3A_92 : memref<10000x128xf32, #tpu.memory_space<vmem_shared>>) offsets(%arg15 : memref<80xi32, #tpu.memory_space<vmem>>) semaphore(%arg26 : memref<!tpu.dma_semaphore, #tpu.memory_space<semaphore_mem>>) {add = true}
    %dma_wait3A_93 = arith.constant 0 : i32
    %dma_wait3A_94 = arith.constant 0 : i32
    %dma_wait3A_95 = tpu.memref_slice %arg19[%dma_wait3A_93, %dma_wait3A_94] : memref<10000x128xf32, #tpu.memory_space<vmem_shared>> -> memref<10000x128xf32, #tpu.memory_space<vmem_shared>>
    tpu.wait_indirect_dma semaphore(%arg26 : memref<!tpu.dma_semaphore, #tpu.memory_space<semaphore_mem>>) src(%arg7 : memref<80x128xf32, #tpu.memory_space<vmem>>) dst(%dma_wait3A_95 : memref<10000x128xf32, #tpu.memory_space<vmem_shared>>)
    %barrier3A_96 = arith.constant 0 : index
    tpu.barrier barrier_id(%barrier3A_96)
    %mul3A_97 = arith.constant 624 : i32
    %mul3A_98 = arith.muli %arg1, %mul3A_97 : i32
    %mul3A_99 = arith.constant 624 : i32
    %mul3A_100 = arith.muli %arg1, %mul3A_99 : i32
    "tpu.region"() ({
      %run_scoped3A = tpu.sem_alloc : memref<!tpu.dma_semaphore, #tpu.memory_space<semaphore_mem>>
      %dma_start3A_106 = arith.constant 0 : i32
      %dma_start3A_107 = tpu.memref_slice %arg6[%arg0, %mul3A_100, %dma_start3A_106] : memref<2x10000x128xf32, #tpu.memory_space<hbm>> -> memref<1x624x128xf32, #tpu.memory_space<hbm>>
      %dma_start3A_108 = tpu.memref_squeeze %dma_start3A_107 : memref<1x624x128xf32, #tpu.memory_space<hbm>> -> memref<624x128xf32, #tpu.memory_space<hbm>>
      %dma_start3A_109 = arith.constant 0 : i32
      %dma_start3A_110 = tpu.memref_slice %arg19[%mul3A_98, %dma_start3A_109] : memref<10000x128xf32, #tpu.memory_space<vmem_shared>> -> memref<624x128xf32, #tpu.memory_space<vmem_shared>>
      tpu.enqueue_dma source(%dma_start3A_110 : memref<624x128xf32, #tpu.memory_space<vmem_shared>>) target(%dma_start3A_108 : memref<624x128xf32, #tpu.memory_space<hbm>>) target_semaphore(%run_scoped3A : memref<!tpu.dma_semaphore, #tpu.memory_space<semaphore_mem>>)
      %dma_wait3A_111 = arith.constant 0 : i32
      %dma_wait3A_112 = tpu.memref_slice %arg6[%arg0, %mul3A_100, %dma_wait3A_111] : memref<2x10000x128xf32, #tpu.memory_space<hbm>> -> memref<1x624x128xf32, #tpu.memory_space<hbm>>
      %dma_wait3A_113 = tpu.memref_squeeze %dma_wait3A_112 : memref<1x624x128xf32, #tpu.memory_space<hbm>> -> memref<624x128xf32, #tpu.memory_space<hbm>>
      %dma_wait3A_114 = arith.constant 0 : i32
      %dma_wait3A_115 = tpu.memref_slice %arg19[%mul3A_98, %dma_wait3A_114] : memref<10000x128xf32, #tpu.memory_space<vmem_shared>> -> memref<624x128xf32, #tpu.memory_space<vmem_shared>>
      tpu.wait_dma2 semaphore(%run_scoped3A : memref<!tpu.dma_semaphore, #tpu.memory_space<semaphore_mem>>) src(%dma_wait3A_115 : memref<624x128xf32, #tpu.memory_space<vmem_shared>>) dst(%dma_wait3A_113 : memref<624x128xf32, #tpu.memory_space<hbm>>)
      tpu.yield
    }) : () -> ()
    %eq3A_101 = arith.constant 15 : i32
    %eq3A_102 = arith.cmpi eq, %arg1, %eq3A_101 : i32
    %convert_element_type3A_103 = arith.extui %eq3A_102 : i1 to i32
    %cond3A_104 = arith.constant 0 : i32
    %cond3A_105 = arith.cmpi ne, %convert_element_type3A_103, %cond3A_104 : i32
    scf.if %cond3A_105 {
      "tpu.region"() ({
        %run_scoped3A = tpu.sem_alloc : memref<!tpu.dma_semaphore, #tpu.memory_space<semaphore_mem>>
        %dma_start3A_106 = arith.constant 9984 : i32
        %dma_start3A_107 = arith.constant 0 : i32
        %dma_start3A_108 = tpu.memref_slice %arg6[%arg0, %dma_start3A_106, %dma_start3A_107] : memref<2x10000x128xf32, #tpu.memory_space<hbm>> -> memref<1x16x128xf32, #tpu.memory_space<hbm>>
        %dma_start3A_109 = tpu.memref_squeeze %dma_start3A_108 : memref<1x16x128xf32, #tpu.memory_space<hbm>> -> memref<16x128xf32, #tpu.memory_space<hbm>>
        %dma_start3A_110 = arith.constant 9984 : i32
        %dma_start3A_111 = arith.constant 0 : i32
        %dma_start3A_112 = tpu.memref_slice %arg19[%dma_start3A_110, %dma_start3A_111] : memref<10000x128xf32, #tpu.memory_space<vmem_shared>> -> memref<16x128xf32, #tpu.memory_space<vmem_shared>>
        tpu.enqueue_dma source(%dma_start3A_112 : memref<16x128xf32, #tpu.memory_space<vmem_shared>>) target(%dma_start3A_109 : memref<16x128xf32, #tpu.memory_space<hbm>>) target_semaphore(%run_scoped3A : memref<!tpu.dma_semaphore, #tpu.memory_space<semaphore_mem>>)
        %dma_wait3A_113 = arith.constant 9984 : i32
        %dma_wait3A_114 = arith.constant 0 : i32
        %dma_wait3A_115 = tpu.memref_slice %arg6[%arg0, %dma_wait3A_113, %dma_wait3A_114] : memref<2x10000x128xf32, #tpu.memory_space<hbm>> -> memref<1x16x128xf32, #tpu.memory_space<hbm>>
        %dma_wait3A_116 = tpu.memref_squeeze %dma_wait3A_115 : memref<1x16x128xf32, #tpu.memory_space<hbm>> -> memref<16x128xf32, #tpu.memory_space<hbm>>
        %dma_wait3A_117 = arith.constant 9984 : i32
        %dma_wait3A_118 = arith.constant 0 : i32
        %dma_wait3A_119 = tpu.memref_slice %arg19[%dma_wait3A_117, %dma_wait3A_118] : memref<10000x128xf32, #tpu.memory_space<vmem_shared>> -> memref<16x128xf32, #tpu.memory_space<vmem_shared>>
        tpu.wait_dma2 semaphore(%run_scoped3A : memref<!tpu.dma_semaphore, #tpu.memory_space<semaphore_mem>>) src(%dma_wait3A_119 : memref<16x128xf32, #tpu.memory_space<vmem_shared>>) dst(%dma_wait3A_116 : memref<16x128xf32, #tpu.memory_space<hbm>>)
        tpu.yield
      }) : () -> ()
    } else {
    }
    return
  }
}

module attributes {stable_mosaic.version = 14 : i64} {
  func.func @_proj_body(%arg0: i32, %arg1: memref<2000x128xf32, #tpu.memory_space<vmem>>, %arg2: memref<128x128xf32, #tpu.memory_space<vmem>>, %arg3: memref<128x128xf32, #tpu.memory_space<vmem>>, %arg4: memref<2000x128xf32, #tpu.memory_space<vmem>>, %arg5: memref<2000x128xf32, #tpu.memory_space<vmem>>) attributes {dimension_semantics = [#tpu.dimension_semantics<arbitrary>], iteration_bounds = array<i64: 5>, scalar_prefetch = 0 : i64, scratch_operands = 0 : i64, tpu.core_type = #tpu.core_type<tc>, window_params = [{transform_indices = @transform_0, window_bounds = array<i64: 2000, 128>}, {pipeline_mode = #tpu.pipeline_mode<synchronous>, transform_indices = @transform_1, window_bounds = array<i64: 128, 128>}, {pipeline_mode = #tpu.pipeline_mode<synchronous>, transform_indices = @transform_2, window_bounds = array<i64: 128, 128>}, {transform_indices = @transform_3, window_bounds = array<i64: 2000, 128>}, {transform_indices = @transform_4, window_bounds = array<i64: 2000, 128>}]} {
    %get3A = arith.constant 0 : index
    %get3A_0 = arith.constant 0 : index
    %get3A_1 = vector.load %arg1[%get3A, %get3A_0] : memref<2000x128xf32, #tpu.memory_space<vmem>>, vector<2000x128xf32>
    %get3A_2 = arith.constant 0 : index
    %get3A_3 = arith.constant 0 : index
    %get3A_4 = vector.load %arg2[%get3A_2, %get3A_3] : memref<128x128xf32, #tpu.memory_space<vmem>>, vector<128x128xf32>
    %dot_general3A = arith.constant dense<0.000000e+00> : vector<2000x128xf32>
    %dot_general3A_5 = tpu.matmul %get3A_1, %get3A_4, %dot_general3A {dimension_numbers = #tpu.dot_dimension_numbers<[1], [0], [0], [1], [0, 0, 1, 1], [], []>, transpose_lhs_hint = false} : vector<2000x128xf32>, vector<128x128xf32>, vector<2000x128xf32> -> vector<2000x128xf32>
    %swap3A = arith.constant 0 : index
    %swap3A_6 = arith.constant 0 : index
    %swap3A_7 = vector.load %arg4[%swap3A, %swap3A_6] : memref<2000x128xf32, #tpu.memory_space<vmem>>, vector<2000x128xf32>
    tpu.vector_store %arg4[%swap3A, %swap3A_6], %dot_general3A_5 {strides = array<i32>} : memref<2000x128xf32, #tpu.memory_space<vmem>>, vector<2000x128xf32>,
    %get3A_8 = arith.constant 0 : index
    %get3A_9 = arith.constant 0 : index
    %get3A_10 = vector.load %arg3[%get3A_8, %get3A_9] : memref<128x128xf32, #tpu.memory_space<vmem>>, vector<128x128xf32>
    %dot_general3A_11 = arith.constant dense<0.000000e+00> : vector<2000x128xf32>
    %dot_general3A_12 = tpu.matmul %get3A_1, %get3A_10, %dot_general3A_11 {dimension_numbers = #tpu.dot_dimension_numbers<[1], [0], [0], [1], [0, 0, 1, 1], [], []>, transpose_lhs_hint = false} : vector<2000x128xf32>, vector<128x128xf32>, vector<2000x128xf32> -> vector<2000x128xf32>
    %swap3A_13 = arith.constant 0 : index
    %swap3A_14 = arith.constant 0 : index
    %swap3A_15 = vector.load %arg5[%swap3A_13, %swap3A_14] : memref<2000x128xf32, #tpu.memory_space<vmem>>, vector<2000x128xf32>
    tpu.vector_store %arg5[%swap3A_13, %swap3A_14], %dot_general3A_12 {strides = array<i32>} : memref<2000x128xf32, #tpu.memory_space<vmem>>, vector<2000x128xf32>,
    return
  }
  func.func @transform_0(%arg0: i32) -> (i32, i32) {
    %c0_i32 = arith.constant 0 : i32
    %c0_i32_0 = arith.constant 0 : i32
    return %arg0, %c0_i32 : i32, i32
  }
  func.func @transform_1(%arg0: i32) -> (i32, i32) {
    %c0_i32 = arith.constant 0 : i32
    %c0_i32_0 = arith.constant 0 : i32
    %c0_i32_1 = arith.constant 0 : i32
    return %c0_i32, %c0_i32_0 : i32, i32
  }
  func.func @transform_2(%arg0: i32) -> (i32, i32) {
    %c0_i32 = arith.constant 0 : i32
    %c0_i32_0 = arith.constant 0 : i32
    %c0_i32_1 = arith.constant 0 : i32
    return %c0_i32, %c0_i32_0 : i32, i32
  }
  func.func @transform_3(%arg0: i32) -> (i32, i32) {
    %c0_i32 = arith.constant 0 : i32
    %c0_i32_0 = arith.constant 0 : i32
    return %arg0, %c0_i32 : i32, i32
  }
  func.func @transform_4(%arg0: i32) -> (i32, i32) {
    %c0_i32 = arith.constant 0 : i32
    %c0_i32_0 = arith.constant 0 : i32
    return %arg0, %c0_i32 : i32, i32
  }
}

module attributes {stable_mosaic.version = 14 : i64} {
  func.func @_edgeconst_body(%arg0: i32, %arg1: memref<4000x16xf32, #tpu.memory_space<vmem>>, %arg2: memref<16x16xf32, #tpu.memory_space<vmem>>, %arg3: memref<1x32xf32, #tpu.memory_space<vmem>>, %arg4: memref<32x16xf32, #tpu.memory_space<vmem>>, %arg5: memref<1x16xf32, #tpu.memory_space<vmem>>, %arg6: memref<4000x16xf32, #tpu.memory_space<vmem>>) attributes {dimension_semantics = [#tpu.dimension_semantics<arbitrary>], iteration_bounds = array<i64: 80>, scalar_prefetch = 0 : i64, scratch_operands = 0 : i64, tpu.core_type = #tpu.core_type<tc>, window_params = [{transform_indices = @transform_0, window_bounds = array<i64: 4000, 16>}, {pipeline_mode = #tpu.pipeline_mode<synchronous>, transform_indices = @transform_1, window_bounds = array<i64: 16, 16>}, {pipeline_mode = #tpu.pipeline_mode<synchronous>, transform_indices = @transform_2, window_bounds = array<i64: 1, 32>}, {pipeline_mode = #tpu.pipeline_mode<synchronous>, transform_indices = @transform_3, window_bounds = array<i64: 32, 16>}, {pipeline_mode = #tpu.pipeline_mode<synchronous>, transform_indices = @transform_4, window_bounds = array<i64: 1, 16>}, {transform_indices = @transform_5, window_bounds = array<i64: 4000, 16>}]} {
    %get3A = arith.constant 0 : index
    %get3A_0 = arith.constant 0 : index
    %get3A_1 = vector.load %arg3[%get3A, %get3A_0] : memref<1x32xf32, #tpu.memory_space<vmem>>, vector<1x32xf32>
    %get3A_2 = arith.constant 0 : index
    %get3A_3 = arith.constant 0 : index
    %get3A_4 = vector.load %arg4[%get3A_2, %get3A_3] : memref<32x16xf32, #tpu.memory_space<vmem>>, vector<32x16xf32>
    %dot_general3A = arith.constant dense<0.000000e+00> : vector<1x16xf32>
    %dot_general3A_5 = tpu.matmul %get3A_1, %get3A_4, %dot_general3A {dimension_numbers = #tpu.dot_dimension_numbers<[1], [0], [0], [1], [0, 0, 1, 1], [], []>, transpose_lhs_hint = false} : vector<1x32xf32>, vector<32x16xf32>, vector<1x16xf32> -> vector<1x16xf32>
    %get3A_6 = arith.constant 0 : index
    %get3A_7 = arith.constant 0 : index
    %get3A_8 = vector.load %arg1[%get3A_6, %get3A_7] : memref<4000x16xf32, #tpu.memory_space<vmem>>, vector<4000x16xf32>
    %get3A_9 = arith.constant 0 : index
    %get3A_10 = arith.constant 0 : index
    %get3A_11 = vector.load %arg2[%get3A_9, %get3A_10] : memref<16x16xf32, #tpu.memory_space<vmem>>, vector<16x16xf32>
    %dot_general3A_12 = arith.constant dense<0.000000e+00> : vector<4000x16xf32>
    %dot_general3A_13 = tpu.matmul %get3A_8, %get3A_11, %dot_general3A_12 {dimension_numbers = #tpu.dot_dimension_numbers<[1], [0], [0], [1], [0, 0, 1, 1], [], []>, transpose_lhs_hint = false} : vector<4000x16xf32>, vector<16x16xf32>, vector<4000x16xf32> -> vector<4000x16xf32>
    %add3A = vector.broadcast %dot_general3A_5 : vector<1x16xf32> to vector<4000x16xf32>
    %add3A_14 = arith.addf %dot_general3A_13, %add3A : vector<4000x16xf32>
    %get3A_15 = arith.constant 0 : index
    %get3A_16 = arith.constant 0 : index
    %get3A_17 = vector.load %arg5[%get3A_15, %get3A_16] : memref<1x16xf32, #tpu.memory_space<vmem>>, vector<1x16xf32>
    %add3A_18 = vector.broadcast %get3A_17 : vector<1x16xf32> to vector<4000x16xf32>
    %add3A_19 = arith.addf %add3A_14, %add3A_18 : vector<4000x16xf32>
    %swap3A = arith.constant 0 : index
    %swap3A_20 = arith.constant 0 : index
    %swap3A_21 = vector.load %arg6[%swap3A, %swap3A_20] : memref<4000x16xf32, #tpu.memory_space<vmem>>, vector<4000x16xf32>
    tpu.vector_store %arg6[%swap3A, %swap3A_20], %add3A_19 {strides = array<i32>} : memref<4000x16xf32, #tpu.memory_space<vmem>>, vector<4000x16xf32>,
    return
  }
  func.func @transform_0(%arg0: i32) -> (i32, i32) {
    %c0_i32 = arith.constant 0 : i32
    %c0_i32_0 = arith.constant 0 : i32
    return %arg0, %c0_i32 : i32, i32
  }
  func.func @transform_1(%arg0: i32) -> (i32, i32) {
    %c0_i32 = arith.constant 0 : i32
    %c0_i32_0 = arith.constant 0 : i32
    %c0_i32_1 = arith.constant 0 : i32
    return %c0_i32, %c0_i32_0 : i32, i32
  }
  func.func @transform_2(%arg0: i32) -> (i32, i32) {
    %c0_i32 = arith.constant 0 : i32
    %c0_i32_0 = arith.constant 0 : i32
    %c0_i32_1 = arith.constant 0 : i32
    return %c0_i32, %c0_i32_0 : i32, i32
  }
  func.func @transform_3(%arg0: i32) -> (i32, i32) {
    %c0_i32 = arith.constant 0 : i32
    %c0_i32_0 = arith.constant 0 : i32
    %c0_i32_1 = arith.constant 0 : i32
    return %c0_i32, %c0_i32_0 : i32, i32
  }
  func.func @transform_4(%arg0: i32) -> (i32, i32) {
    %c0_i32 = arith.constant 0 : i32
    %c0_i32_0 = arith.constant 0 : i32
    %c0_i32_1 = arith.constant 0 : i32
    return %c0_i32, %c0_i32_0 : i32, i32
  }
  func.func @transform_5(%arg0: i32) -> (i32, i32) {
    %c0_i32 = arith.constant 0 : i32
    %c0_i32_0 = arith.constant 0 : i32
    return %arg0, %c0_i32 : i32, i32
  }
}

module attributes {stable_mosaic.version = 14 : i64} {
  func.func @_tmat_body(%arg0: i32, %arg1: memref<4000x16xf32, #tpu.memory_space<vmem>>, %arg2: memref<16x128xf32, #tpu.memory_space<vmem>>, %arg3: memref<1x128xf32, #tpu.memory_space<vmem>>, %arg4: memref<4000x128xf32, #tpu.memory_space<vmem>>) attributes {dimension_semantics = [#tpu.dimension_semantics<arbitrary>], iteration_bounds = array<i64: 80>, scalar_prefetch = 0 : i64, scratch_operands = 0 : i64, tpu.core_type = #tpu.core_type<tc>, window_params = [{transform_indices = @transform_0, window_bounds = array<i64: 4000, 16>}, {pipeline_mode = #tpu.pipeline_mode<synchronous>, transform_indices = @transform_1, window_bounds = array<i64: 16, 128>}, {pipeline_mode = #tpu.pipeline_mode<synchronous>, transform_indices = @transform_2, window_bounds = array<i64: 1, 128>}, {transform_indices = @transform_3, window_bounds = array<i64: 4000, 128>}]} {
    %get3A = arith.constant 0 : index
    %get3A_0 = arith.constant 0 : index
    %get3A_1 = vector.load %arg1[%get3A, %get3A_0] : memref<4000x16xf32, #tpu.memory_space<vmem>>, vector<4000x16xf32>
    %get3A_2 = arith.constant 0 : index
    %get3A_3 = arith.constant 0 : index
    %get3A_4 = vector.load %arg2[%get3A_2, %get3A_3] : memref<16x128xf32, #tpu.memory_space<vmem>>, vector<16x128xf32>
    %dot_general3A = arith.constant dense<0.000000e+00> : vector<4000x128xf32>
    %dot_general3A_5 = tpu.matmul %get3A_1, %get3A_4, %dot_general3A {dimension_numbers = #tpu.dot_dimension_numbers<[1], [0], [0], [1], [0, 0, 1, 1], [], []>, transpose_lhs_hint = false} : vector<4000x16xf32>, vector<16x128xf32>, vector<4000x128xf32> -> vector<4000x128xf32>
    %get3A_6 = arith.constant 0 : index
    %get3A_7 = arith.constant 0 : index
    %get3A_8 = vector.load %arg3[%get3A_6, %get3A_7] : memref<1x128xf32, #tpu.memory_space<vmem>>, vector<1x128xf32>
    %add3A = vector.broadcast %get3A_8 : vector<1x128xf32> to vector<4000x128xf32>
    %add3A_9 = arith.addf %dot_general3A_5, %add3A : vector<4000x128xf32>
    %swap3A = arith.constant 0 : index
    %swap3A_10 = arith.constant 0 : index
    %swap3A_11 = vector.load %arg4[%swap3A, %swap3A_10] : memref<4000x128xf32, #tpu.memory_space<vmem>>, vector<4000x128xf32>
    tpu.vector_store %arg4[%swap3A, %swap3A_10], %add3A_9 {strides = array<i32>} : memref<4000x128xf32, #tpu.memory_space<vmem>>, vector<4000x128xf32>,
    return
  }
  func.func @transform_0(%arg0: i32) -> (i32, i32) {
    %c0_i32 = arith.constant 0 : i32
    %c0_i32_0 = arith.constant 0 : i32
    return %arg0, %c0_i32 : i32, i32
  }
  func.func @transform_1(%arg0: i32) -> (i32, i32) {
    %c0_i32 = arith.constant 0 : i32
    %c0_i32_0 = arith.constant 0 : i32
    %c0_i32_1 = arith.constant 0 : i32
    return %c0_i32, %c0_i32_0 : i32, i32
  }
  func.func @transform_2(%arg0: i32) -> (i32, i32) {
    %c0_i32 = arith.constant 0 : i32
    %c0_i32_0 = arith.constant 0 : i32
    %c0_i32_1 = arith.constant 0 : i32
    return %c0_i32, %c0_i32_0 : i32, i32
  }
  func.func @transform_3(%arg0: i32) -> (i32, i32) {
    %c0_i32 = arith.constant 0 : i32
    %c0_i32_0 = arith.constant 0 : i32
    return %arg0, %c0_i32 : i32, i32
  }
}

module attributes {stable_mosaic.version = 14 : i64} {
  func.func @_node_body(%arg0: i32, %arg1: memref<2000x128xf32, #tpu.memory_space<vmem>>, %arg2: memref<2000x128xf32, #tpu.memory_space<vmem>>, %arg3: memref<2000x128xf32, #tpu.memory_space<vmem>>, %arg4: memref<2000x32xf32, #tpu.memory_space<vmem>>, %arg5: memref<1x32xf32, #tpu.memory_space<vmem>>, %arg6: memref<128x128xf32, #tpu.memory_space<vmem>>, %arg7: memref<128x128xf32, #tpu.memory_space<vmem>>, %arg8: memref<32x128xf32, #tpu.memory_space<vmem>>, %arg9: memref<1x128xf32, #tpu.memory_space<vmem>>, %arg10: memref<32x32xf32, #tpu.memory_space<vmem>>, %arg11: memref<128x32xf32, #tpu.memory_space<vmem>>, %arg12: memref<1x32xf32, #tpu.memory_space<vmem>>, %arg13: memref<2000x128xf32, #tpu.memory_space<vmem>>, %arg14: memref<1x32xf32, #tpu.memory_space<vmem>>, %arg15: memref<1x128xf32, #tpu.memory_space<vmem>>) attributes {dimension_semantics = [#tpu.dimension_semantics<arbitrary>], iteration_bounds = array<i64: 5>, scalar_prefetch = 0 : i64, scratch_operands = 1 : i64, tpu.core_type = #tpu.core_type<tc>, window_params = [{transform_indices = @transform_0, window_bounds = array<i64: 2000, 128>}, {transform_indices = @transform_1, window_bounds = array<i64: 2000, 128>}, {transform_indices = @transform_2, window_bounds = array<i64: 2000, 128>}, {transform_indices = @transform_3, window_bounds = array<i64: 2000, 32>}, {pipeline_mode = #tpu.pipeline_mode<synchronous>, transform_indices = @transform_4, window_bounds = array<i64: 1, 32>}, {pipeline_mode = #tpu.pipeline_mode<synchronous>, transform_indices = @transform_5, window_bounds = array<i64: 128, 128>}, {pipeline_mode = #tpu.pipeline_mode<synchronous>, transform_indices = @transform_6, window_bounds = array<i64: 128, 128>}, {pipeline_mode = #tpu.pipeline_mode<synchronous>, transform_indices = @transform_7, window_bounds = array<i64: 32, 128>}, {pipeline_mode = #tpu.pipeline_mode<synchronous>, transform_indices = @transform_8, window_bounds = array<i64: 1, 128>}, {pipeline_mode = #tpu.pipeline_mode<synchronous>, transform_indices = @transform_9, window_bounds = array<i64: 32, 32>}, {pipeline_mode = #tpu.pipeline_mode<synchronous>, transform_indices = @transform_10, window_bounds = array<i64: 128, 32>}, {pipeline_mode = #tpu.pipeline_mode<synchronous>, transform_indices = @transform_11, window_bounds = array<i64: 1, 32>}, {transform_indices = @transform_12, window_bounds = array<i64: 2000, 128>}, {pipeline_mode = #tpu.pipeline_mode<synchronous>, transform_indices = @transform_13, window_bounds = array<i64: 1, 32>}]} {
    %get3A = arith.constant 0 : index
    %get3A_0 = arith.constant 0 : index
    %get3A_1 = vector.load %arg4[%get3A, %get3A_0] : memref<2000x32xf32, #tpu.memory_space<vmem>>, vector<2000x32xf32>
    %reduce_sum3A = arith.constant dense<0.000000e+00> : vector<2000xf32>
    %reduce_sum3A_2 = vector.multi_reduction <add>, %get3A_1, %reduce_sum3A [1] : vector<2000x32xf32> to vector<2000xf32>
    %broadcast_in_dim3A = vector.shape_cast %reduce_sum3A_2 : vector<2000xf32> to vector<2000x1xf32>
    %max3A = arith.constant 1.000000e+00 : f32
    %max3A_3 = vector.broadcast %max3A : f32 to vector<2000x1xf32>
    %max3A_4 = arith.maximumf %broadcast_in_dim3A, %max3A_3 : vector<2000x1xf32>
    %get3A_5 = arith.constant 0 : index
    %get3A_6 = arith.constant 0 : index
    %get3A_7 = vector.load %arg2[%get3A_5, %get3A_6] : memref<2000x128xf32, #tpu.memory_space<vmem>>, vector<2000x128xf32>
    %get3A_8 = arith.constant 0 : index
    %get3A_9 = arith.constant 0 : index
    %get3A_10 = vector.load %arg3[%get3A_8, %get3A_9] : memref<2000x128xf32, #tpu.memory_space<vmem>>, vector<2000x128xf32>
    %add3A = arith.addf %get3A_7, %get3A_10 : vector<2000x128xf32>
    %div3A = vector.broadcast %max3A_4 : vector<2000x1xf32> to vector<2000x128xf32>
    %div3A_11 = arith.divf %add3A, %div3A : vector<2000x128xf32>
    %get3A_12 = arith.constant 0 : index
    %get3A_13 = arith.constant 0 : index
    %get3A_14 = vector.load %arg1[%get3A_12, %get3A_13] : memref<2000x128xf32, #tpu.memory_space<vmem>>, vector<2000x128xf32>
    %get3A_15 = arith.constant 0 : index
    %get3A_16 = arith.constant 0 : index
    %get3A_17 = vector.load %arg6[%get3A_15, %get3A_16] : memref<128x128xf32, #tpu.memory_space<vmem>>, vector<128x128xf32>
    %dot_general3A = arith.constant dense<0.000000e+00> : vector<2000x128xf32>
    %dot_general3A_18 = tpu.matmul %get3A_14, %get3A_17, %dot_general3A {dimension_numbers = #tpu.dot_dimension_numbers<[1], [0], [0], [1], [0, 0, 1, 1], [], []>, transpose_lhs_hint = false} : vector<2000x128xf32>, vector<128x128xf32>, vector<2000x128xf32> -> vector<2000x128xf32>
    %get3A_19 = arith.constant 0 : index
    %get3A_20 = arith.constant 0 : index
    %get3A_21 = vector.load %arg7[%get3A_19, %get3A_20] : memref<128x128xf32, #tpu.memory_space<vmem>>, vector<128x128xf32>
    %dot_general3A_22 = arith.constant dense<0.000000e+00> : vector<2000x128xf32>
    %dot_general3A_23 = tpu.matmul %div3A_11, %get3A_21, %dot_general3A_22 {dimension_numbers = #tpu.dot_dimension_numbers<[1], [0], [0], [1], [0, 0, 1, 1], [], []>, transpose_lhs_hint = false} : vector<2000x128xf32>, vector<128x128xf32>, vector<2000x128xf32> -> vector<2000x128xf32>
    %add3A_24 = arith.addf %dot_general3A_18, %dot_general3A_23 : vector<2000x128xf32>
    %get3A_25 = arith.constant 0 : index
    %get3A_26 = arith.constant 0 : index
    %get3A_27 = vector.load %arg5[%get3A_25, %get3A_26] : memref<1x32xf32, #tpu.memory_space<vmem>>, vector<1x32xf32>
    %get3A_28 = arith.constant 0 : index
    %get3A_29 = arith.constant 0 : index
    %get3A_30 = vector.load %arg8[%get3A_28, %get3A_29] : memref<32x128xf32, #tpu.memory_space<vmem>>, vector<32x128xf32>
    %dot_general3A_31 = arith.constant dense<0.000000e+00> : vector<1x128xf32>
    %dot_general3A_32 = tpu.matmul %get3A_27, %get3A_30, %dot_general3A_31 {dimension_numbers = #tpu.dot_dimension_numbers<[1], [0], [0], [1], [0, 0, 1, 1], [], []>, transpose_lhs_hint = false} : vector<1x32xf32>, vector<32x128xf32>, vector<1x128xf32> -> vector<1x128xf32>
    %add3A_33 = vector.broadcast %dot_general3A_32 : vector<1x128xf32> to vector<2000x128xf32>
    %add3A_34 = arith.addf %add3A_24, %add3A_33 : vector<2000x128xf32>
    %get3A_35 = arith.constant 0 : index
    %get3A_36 = arith.constant 0 : index
    %get3A_37 = vector.load %arg9[%get3A_35, %get3A_36] : memref<1x128xf32, #tpu.memory_space<vmem>>, vector<1x128xf32>
    %add3A_38 = vector.broadcast %get3A_37 : vector<1x128xf32> to vector<2000x128xf32>
    %add3A_39 = arith.addf %add3A_34, %add3A_38 : vector<2000x128xf32>
    %max3A_40 = arith.constant 0.000000e+00 : f32
    %max3A_41 = vector.broadcast %max3A_40 : f32 to vector<2000x128xf32>
    %max3A_42 = arith.maximumf %add3A_39, %max3A_41 : vector<2000x128xf32>
    %swap3A = arith.constant 0 : index
    %swap3A_43 = arith.constant 0 : index
    %swap3A_44 = vector.load %arg13[%swap3A, %swap3A_43] : memref<2000x128xf32, #tpu.memory_space<vmem>>, vector<2000x128xf32>
    tpu.vector_store %arg13[%swap3A, %swap3A_43], %max3A_42 {strides = array<i32>} : memref<2000x128xf32, #tpu.memory_space<vmem>>, vector<2000x128xf32>,
    %eq3A = arith.constant 0 : i32
    %eq3A_45 = arith.cmpi eq, %arg0, %eq3A : i32
    %convert_element_type3A = arith.extui %eq3A_45 : i1 to i32
    %cond3A = arith.constant 0 : i32
    %cond3A_46 = arith.cmpi ne, %convert_element_type3A, %cond3A : i32
    scf.if %cond3A_46 {
      %broadcast_in_dim3A_62 = arith.constant 0.000000e+00 : f32
      %broadcast_in_dim3A_63 = vector.broadcast %broadcast_in_dim3A_62 : f32 to vector<1x128xf32>
      %swap3A_64 = arith.constant 0 : index
      %swap3A_65 = arith.constant 0 : index
      %swap3A_66 = vector.load %arg15[%swap3A_64, %swap3A_65] : memref<1x128xf32, #tpu.memory_space<vmem>>, vector<1x128xf32>
      tpu.vector_store %arg15[%swap3A_64, %swap3A_65], %broadcast_in_dim3A_63 {strides = array<i32>} : memref<1x128xf32, #tpu.memory_space<vmem>>, vector<1x128xf32>,
    } else {
    }
    %get3A_47 = arith.constant 0 : index
    %get3A_48 = arith.constant 0 : index
    %get3A_49 = vector.load %arg15[%get3A_47, %get3A_48] : memref<1x128xf32, #tpu.memory_space<vmem>>, vector<1x128xf32>
    %reduce_sum3A_50 = arith.constant dense<0.000000e+00> : vector<128xf32>
    %reduce_sum3A_51 = vector.multi_reduction <add>, %max3A_42, %reduce_sum3A_50 [0] : vector<2000x128xf32> to vector<128xf32>
    %broadcast_in_dim3A_52 = vector.shape_cast %reduce_sum3A_51 : vector<128xf32> to vector<1x128xf32>
    %add3A_53 = arith.addf %get3A_49, %broadcast_in_dim3A_52 : vector<1x128xf32>
    %swap3A_54 = arith.constant 0 : index
    %swap3A_55 = arith.constant 0 : index
    %swap3A_56 = vector.load %arg15[%swap3A_54, %swap3A_55] : memref<1x128xf32, #tpu.memory_space<vmem>>, vector<1x128xf32>
    tpu.vector_store %arg15[%swap3A_54, %swap3A_55], %add3A_53 {strides = array<i32>} : memref<1x128xf32, #tpu.memory_space<vmem>>, vector<1x128xf32>,
    %eq3A_57 = arith.constant 4 : i32
    %eq3A_58 = arith.cmpi eq, %arg0, %eq3A_57 : i32
    %convert_element_type3A_59 = arith.extui %eq3A_58 : i1 to i32
    %cond3A_60 = arith.constant 0 : i32
    %cond3A_61 = arith.cmpi ne, %convert_element_type3A_59, %cond3A_60 : i32
    scf.if %cond3A_61 {
      %get3A_62 = arith.constant 0 : index
      %get3A_63 = arith.constant 0 : index
      %get3A_64 = vector.load %arg15[%get3A_62, %get3A_63] : memref<1x128xf32, #tpu.memory_space<vmem>>, vector<1x128xf32>
      %mul3A = arith.constant 9.99999974E-5 : f32
      %mul3A_65 = vector.broadcast %mul3A : f32 to vector<1x128xf32>
      %mul3A_66 = arith.mulf %get3A_64, %mul3A_65 : vector<1x128xf32>
      %get3A_67 = arith.constant 0 : index
      %get3A_68 = arith.constant 0 : index
      %get3A_69 = vector.load %arg5[%get3A_67, %get3A_68] : memref<1x32xf32, #tpu.memory_space<vmem>>, vector<1x32xf32>
      %get3A_70 = arith.constant 0 : index
      %get3A_71 = arith.constant 0 : index
      %get3A_72 = vector.load %arg10[%get3A_70, %get3A_71] : memref<32x32xf32, #tpu.memory_space<vmem>>, vector<32x32xf32>
      %dot_general3A_73 = arith.constant dense<0.000000e+00> : vector<1x32xf32>
      %dot_general3A_74 = tpu.matmul %get3A_69, %get3A_72, %dot_general3A_73 {dimension_numbers = #tpu.dot_dimension_numbers<[1], [0], [0], [1], [0, 0, 1, 1], [], []>, transpose_lhs_hint = false} : vector<1x32xf32>, vector<32x32xf32>, vector<1x32xf32> -> vector<1x32xf32>
      %get3A_75 = arith.constant 0 : index
      %get3A_76 = arith.constant 0 : index
      %get3A_77 = vector.load %arg11[%get3A_75, %get3A_76] : memref<128x32xf32, #tpu.memory_space<vmem>>, vector<128x32xf32>
      %dot_general3A_78 = arith.constant dense<0.000000e+00> : vector<1x32xf32>
      %dot_general3A_79 = tpu.matmul %mul3A_66, %get3A_77, %dot_general3A_78 {dimension_numbers = #tpu.dot_dimension_numbers<[1], [0], [0], [1], [0, 0, 1, 1], [], []>, transpose_lhs_hint = false} : vector<1x128xf32>, vector<128x32xf32>, vector<1x32xf32> -> vector<1x32xf32>
      %add3A_80 = arith.addf %dot_general3A_74, %dot_general3A_79 : vector<1x32xf32>
      %get3A_81 = arith.constant 0 : index
      %get3A_82 = arith.constant 0 : index
      %get3A_83 = vector.load %arg12[%get3A_81, %get3A_82] : memref<1x32xf32, #tpu.memory_space<vmem>>, vector<1x32xf32>
      %add3A_84 = arith.addf %add3A_80, %get3A_83 : vector<1x32xf32>
      %max3A_85 = arith.constant 0.000000e+00 : f32
      %max3A_86 = vector.broadcast %max3A_85 : f32 to vector<1x32xf32>
      %max3A_87 = arith.maximumf %add3A_84, %max3A_86 : vector<1x32xf32>
      %swap3A_88 = arith.constant 0 : index
      %swap3A_89 = arith.constant 0 : index
      %swap3A_90 = vector.load %arg14[%swap3A_88, %swap3A_89] : memref<1x32xf32, #tpu.memory_space<vmem>>, vector<1x32xf32>
      tpu.vector_store %arg14[%swap3A_88, %swap3A_89], %max3A_87 {strides = array<i32>} : memref<1x32xf32, #tpu.memory_space<vmem>>, vector<1x32xf32>,
    } else {
    }
    return
  }
  func.func @transform_0(%arg0: i32) -> (i32, i32) {
    %c0_i32 = arith.constant 0 : i32
    %c0_i32_0 = arith.constant 0 : i32
    return %arg0, %c0_i32 : i32, i32
  }
  func.func @transform_1(%arg0: i32) -> (i32, i32) {
    %c0_i32 = arith.constant 0 : i32
    %c0_i32_0 = arith.constant 0 : i32
    return %arg0, %c0_i32 : i32, i32
  }
  func.func @transform_2(%arg0: i32) -> (i32, i32) {
    %c0_i32 = arith.constant 0 : i32
    %c0_i32_0 = arith.constant 0 : i32
    return %arg0, %c0_i32 : i32, i32
  }
  func.func @transform_3(%arg0: i32) -> (i32, i32) {
    %c0_i32 = arith.constant 0 : i32
    %c0_i32_0 = arith.constant 0 : i32
    return %arg0, %c0_i32 : i32, i32
  }
  func.func @transform_4(%arg0: i32) -> (i32, i32) {
    %c0_i32 = arith.constant 0 : i32
    %c0_i32_0 = arith.constant 0 : i32
    %c0_i32_1 = arith.constant 0 : i32
    return %c0_i32, %c0_i32_0 : i32, i32
  }
  func.func @transform_5(%arg0: i32) -> (i32, i32) {
    %c0_i32 = arith.constant 0 : i32
    %c0_i32_0 = arith.constant 0 : i32
    %c0_i32_1 = arith.constant 0 : i32
    return %c0_i32, %c0_i32_0 : i32, i32
  }
  func.func @transform_6(%arg0: i32) -> (i32, i32) {
    %c0_i32 = arith.constant 0 : i32
    %c0_i32_0 = arith.constant 0 : i32
    %c0_i32_1 = arith.constant 0 : i32
    return %c0_i32, %c0_i32_0 : i32, i32
  }
  func.func @transform_7(%arg0: i32) -> (i32, i32) {
    %c0_i32 = arith.constant 0 : i32
    %c0_i32_0 = arith.constant 0 : i32
    %c0_i32_1 = arith.constant 0 : i32
    return %c0_i32, %c0_i32_0 : i32, i32
  }
  func.func @transform_8(%arg0: i32) -> (i32, i32) {
    %c0_i32 = arith.constant 0 : i32
    %c0_i32_0 = arith.constant 0 : i32
    %c0_i32_1 = arith.constant 0 : i32
    return %c0_i32, %c0_i32_0 : i32, i32
  }
  func.func @transform_9(%arg0: i32) -> (i32, i32) {
    %c0_i32 = arith.constant 0 : i32
    %c0_i32_0 = arith.constant 0 : i32
    %c0_i32_1 = arith.constant 0 : i32
    return %c0_i32, %c0_i32_0 : i32, i32
  }
  func.func @transform_10(%arg0: i32) -> (i32, i32) {
    %c0_i32 = arith.constant 0 : i32
    %c0_i32_0 = arith.constant 0 : i32
    %c0_i32_1 = arith.constant 0 : i32
    return %c0_i32, %c0_i32_0 : i32, i32
  }
  func.func @transform_11(%arg0: i32) -> (i32, i32) {
    %c0_i32 = arith.constant 0 : i32
    %c0_i32_0 = arith.constant 0 : i32
    %c0_i32_1 = arith.constant 0 : i32
    return %c0_i32, %c0_i32_0 : i32, i32
  }
  func.func @transform_12(%arg0: i32) -> (i32, i32) {
    %c0_i32 = arith.constant 0 : i32
    %c0_i32_0 = arith.constant 0 : i32
    return %arg0, %c0_i32 : i32, i32
  }
  func.func @transform_13(%arg0: i32) -> (i32, i32) {
    %c0_i32 = arith.constant 0 : i32
    %c0_i32_0 = arith.constant 0 : i32
    %c0_i32_1 = arith.constant 0 : i32
    return %c0_i32, %c0_i32_0 : i32, i32
  }
}

</mosaic_0001>

<sc_bundles>
// kernel: kernel.11.cloned.1.call-start
scs
__scs_entry_jumppad:
0x0: {  	(pc) =	sbr.rel $0x88, $3  }
0x1: {  	(tag) =	ssettag $0x0;
	lr =	simm.s32 $0x1  }
0x2: {  	[smem:$0x3F95] =	sst lr;
	_ =	strace $0xD0000000  }
0x3: {  	_ = 	snop  }
0x4: {  	_ = 	snop  }
0x5: {  	_ = 	snop  }
0x6: {  	_ = 	snop  }
0x7: {  	_ = 	snop  }
__scs_overlays_trampoline_lowered:
0x8: {  	[smem:$0x3FA4] =	sst s0  }
0x9: {  	[smem:$0x3FA5] =	sst s1  }
0xa: {  	[smem:$0x3FA6] =	sst s2  }
0xb: {  	[smem:$0x3FA7] =	sst s3  }
0xc: {  	[smem:$0x3FA8] =	sst s4  }
0xd: {  	[smem:$0x3FA9] =	sst s5  }
0xe: {  	[smem:$0x3FAA] =	sst s6  }
0xf: {  	[smem:$0x3FAB] =	sst s7  }
0x10: {  	[smem:$0x3FAC] =	sst s8  }
0x11: {  	[smem:$0x3FAD] =	sst s9;
	s0 =	simm.s32 @!p0 $0x0  }
0x12: {  	s1 =	sld [smem:$0x3F93];
	s0 =	simm.s32 @p0 $0x1  }
0x13: {  	[smem:$0x3FAE] =	sst s0;
	s0 =	simm.s32 @!p1 $0x0  }
0x14: {  	s2 =	sld [smem:$0x3F92];
	s0 =	simm.s32 @p1 $0x1  }
0x15: {  	[smem:$0x3FAF] =	sst s0;
	s0 =	simm.s32 @!p2 $0x0  }
0x16: {  	s3 =	sld [smem:$0x3FDB];
	s0 =	simm.s32 @p2 $0x1  }
0x17: {  	s4 =	simm.s32 $0x1BF5;
	[smem:$0x3FB1] =	sst s0  }
0x18: {  	s0 =	sld [smem:$0x3F94];
	_ =	swait.ge [sflag:s4], $0x0  }
0x19: {  	s7 =	sld [smem:$0x3F95]  }
0x1a: {  	s8 =	sadd.s32 $0xFFFFE003, lr  }
0x1b: {  	s9 =	sadd.s32 $0xFFFFFEF7, lr;
	s5 =	simm.s32 $0xFFFFFFFF;
	p2 =	slt.u32 s8, $0xFFFFF086  }
0x1c: {  	p1 =	slt.u32 s9, $0xF7A;
	s5 =	simm.s32 @!p2 $0x0  }
0x1d: {  	s5 =	simm.s32 @p1 $0x1;
	p0 =	seq.s32 s7, s2  }
0x1e: {  	s7 =	smul.u32 @!p0 $0xF7A, s2;
	p2 =	seq.s32 @!p0 s5, $0x0  }
0x1f: {  	s9 =	smul.u32 $0xF7A, s1;
	s8 =	simm.s32 @!p0 $0x1BF5;
	p2 =	por !p2, p0  }
0x20: {  	[sflag:s8] =	ssyncset.s32 @!p0 $0xFFFFF086;
	s6 =	sadd.s32 @!p0 s3, s7;
	s7 =	simm.s32 @!p0 $0x108  }
0x21: {  	s3 =	sadd.s32 s3, s9;
	s6 =	sadd.s32 @!p0 $0x88, s6;
	s7 =	simm.s32 @p2 $0x1082  }
0x22: {  	[simem:s7], [sflag:s8] =	dma.local @!p0 [hbm:s6], $0xF7A  }
0x23: {  	s9 =	sor.u32 $0xD0000000, s2;
	s6 =	simm.s32 $0x108;
	_ =	swait.ge @!p0 [sflag:s8], $0x0  }
0x24: {  	s3 =	sadd.s32 $0x88, s3;
	s6 =	simm.s32 @!p1 $0x1082;
	[sflag:s4] =	ssyncset.s32 $0xFFFFF086  }
0x25: {  	[simem:s6], [sflag:s4] =	dma.local [hbm:s3], $0xF7A  }
0x26: {  	[smem:$0x3F95] =	sst s1;
	(tag) =	ssettag s2;
	_ =	strace s9  }
0x27: {  	s1 =	sld [smem:$0x3FA5]  }
0x28: {  	s2 =	sld [smem:$0x3FA6]  }
0x29: {  	s4 =	sld [smem:$0x3FA8]  }
0x2a: {  	p0 =	seq.s32 s5, $0x0;
	s5 =	sld [smem:$0x3FA9]  }
0x2b: {  	s6 =	sld [smem:$0x3FAA]  }
0x2c: {  	s7 =	sld [smem:$0x3FAB]  }
0x2d: {  	s3 =	simm.s32 $0x108;
	s8 =	sld [smem:$0x3FAC]  }
0x2e: {  	s3 =	simm.s32 @!p0 $0x1082;
	s9 =	sld [smem:$0x3FAD]  }
0x2f: {  	lr =	sadd.s32 s0, s3;
	s0 =	sld [smem:$0x3FA4]  }
0x30: {  	s3 =	sld [smem:$0x3FA7]  }
0x31: {  	[smem:$0x3FB0] =	sst s10  }
0x32: {  	s10 =	sld [smem:$0x3FAE];
	_ =	sdelay $0x3  }
0x33: {  	p0 =	seq.s32 s10, $0x1;
	s10 =	sld [smem:$0x3FB0];
	_ =	sdelay $0x3  }
0x34: {  	[smem:$0x3FB0] =	sst s10  }
0x35: {  	s10 =	sld [smem:$0x3FAF];
	_ =	sdelay $0x3  }
0x36: {  	p1 =	seq.s32 s10, $0x1;
	s10 =	sld [smem:$0x3FB0];
	_ =	sdelay $0x3  }
0x37: {  	[smem:$0x3FB0] =	sst s10  }
0x38: {  	s10 =	sld [smem:$0x3FB1]  }
0x39: {  	_ = 	snop;
	(pc) =	sbr.ind lr, $3  }
0x3a: {  	_ = 	snop  }
0x3b: {  	_ = 	snop  }
0x3c: {  	p2 =	seq.s32 s10, $0x1;
	s10 =	sld [smem:$0x3FB0]  }
0x3d: {  	_ =	shalt  }
0x3e: {  	_ =	shalt  }
0x3f: {  	_ =	shalt  }
0x40: {  	_ =	shalt  }
0x41: {  	_ =	shalt  }
0x42: {  	_ =	shalt  }
0x43: {  	_ =	shalt  }
0x44: {  	_ =	shalt  }
0x45: {  	_ =	shalt  }
0x46: {  	_ =	shalt  }
0x47: {  	_ =	shalt  }
0x48: {  	_ =	shalt  }
0x49: {  	_ =	shalt  }
0x4a: {  	_ =	shalt  }
0x4b: {  	_ =	shalt  }
0x4c: {  	_ =	shalt  }
0x4d: {  	_ =	shalt  }
0x4e: {  	_ =	shalt  }
0x4f: {  	_ =	shalt  }
0x50: {  	_ =	shalt  }
0x51: {  	_ =	shalt  }
0x52: {  	_ =	shalt  }
0x53: {  	_ =	shalt  }
0x54: {  	_ =	shalt  }
0x55: {  	_ =	shalt  }
0x56: {  	_ =	shalt  }
0x57: {  	_ =	shalt  }
0x58: {  	_ =	shalt  }
0x59: {  	_ =	shalt  }
0x5a: {  	_ =	shalt  }
0x5b: {  	_ =	shalt  }
0x5c: {  	_ =	shalt  }
0x5d: {  	_ =	shalt  }
0x5e: {  	_ =	shalt  }
0x5f: {  	_ =	shalt  }
0x60: {  	_ =	shalt  }
0x61: {  	_ =	shalt  }
0x62: {  	_ =	shalt  }
0x63: {  	_ =	shalt  }
0x64: {  	_ =	shalt  }
0x65: {  	_ =	shalt  }
0x66: {  	_ =	shalt  }
0x67: {  	_ =	shalt  }
0x68: {  	_ =	shalt  }
0x69: {  	_ =	shalt  }
0x6a: {  	_ =	shalt  }
0x6b: {  	_ =	shalt  }
0x6c: {  	_ =	shalt  }
0x6d: {  	_ =	shalt  }
0x6e: {  	_ =	shalt  }
0x6f: {  	_ =	shalt  }
0x70: {  	_ =	shalt  }
0x71: {  	_ =	shalt  }
0x72: {  	_ =	shalt  }
0x73: {  	_ =	shalt  }
0x74: {  	_ =	shalt  }
0x75: {  	_ =	shalt  }
0x76: {  	_ =	shalt  }
0x77: {  	_ =	shalt  }
0x78: {  	_ =	shalt  }
0x79: {  	_ =	shalt  }
0x7a: {  	_ =	shalt  }
0x7b: {  	_ =	shalt  }
0x7c: {  	_ =	shalt  }
0x7d: {  	_ =	shalt  }
0x7e: {  	_ =	shalt  }
0x7f: {  	_ =	shalt  }
0x80: {  	_ =	shalt  }
0x81: {  	_ =	shalt  }
0x82: {  	_ =	shalt  }
0x83: {  	_ =	shalt  }
0x84: {  	_ =	shalt  }
0x85: {  	_ =	shalt  }
0x86: {  	_ =	shalt  }
0x87: {  	_ =	shalt  }
.Lfunc_end0:
.L_simem_size_0:
called_computation.1_lowered:
.L_overlay_start_0:
0x88: {  	s2 =	sld [smem:$0x3FD9]  }
0x89: {  	s3 =	sld [smem:$0x3FFE];
	_ =	sdelay $0x1  }
0x8a: {  	s1 =	srdreg.scid  }
0x8b: {  	s0 =	sand.u32 $0x1, s1  }
0x8c: {  	s14 =	sshll.u32 s0, $0xA;
	s2 =	sadd.s32 s3, s2  }
0x8d: {  	s2 =	sadd.s32 s2, s14  }
0x8e: {  	[smem:$0x3FBC] =	sst s2  }
0x8f: {  	_ = 	snop  }
0x90: {  	s2 =	sld [smem:$0x3FD0];
	_ =	sdelay $0x2  }
0x91: {  	s15 =	simm.s32 $0xA;
	s4 =	simm.s32 $0x10  }
0x92: {  	[smem:s4], [sflag:s15] =	dma.local [hbm:s2], $0x1  }
0x93: {  	_ =	swait.eq [sflag:s15], $0x1  }
0x94: {  	[sflag:s15] =	ssyncset.done $0x0  }
0x95: {  	s16 =	sld [smem:$0x10];
	[sflag:s15] =	ssyncadd.s32 $0xFFFFFFFF  }
0x96: {  	s17 =	sld [smem:$0x11];
	(tm) =	ssettm $0x1  }
0x97: {  	s18 =	sld [smem:$0x3FFB];
	_ =	sdelay $0x3  }
0x98: {  	_ =	strace s18  }
0x99: {  	s4 =	sld [smem:$0x3FFC];
	_ =	sdelay $0x3  }
0x9a: {  	_ =	strace s4  }
0x9b: {  	s4 =	sld [smem:$0x3FFD];
	_ =	sdelay $0x3  }
0x9c: {  	_ =	strace s4  }
0x9d: {  	_ =	strace $0x8FFFFFFF  }
0x9e: {  	s19 =	sld [smem:$0x3FDB];
	_ =	sdelay $0x1  }
0x9f: {  	s5 =	simm.s32 $_scs_section_size  }
0xa0: {  	s6 =	simm.s32 $_size__tile_overlayer_lowered;
	s7 =	simm.s32 $_tile_overlayer_lowered  }
0xa1: {  	s22 =	simm.s32 $0x1BFF;
	s21 =	sshll.u32 s7, $0x1;
	s4 =	sadd.s32 s5, s19  }
0xa2: {  	s8 =	simm.s32 $0x0;
	s20 =	sshll.u32 s6, $0x1;
	s6 =	sadd.s32 s21, s4  }
0xa3: {  	[timem:s8], [sflag:s22] =	dma.local [hbm:s6], s20  }
0xa4: {  	_ =	swait.ge [sflag:s22], s20  }
0xa5: {  	s5 =	ssub.s32 $0x0, s20;
	[sflag:s22] =	ssyncset.done $0x0  }
0xa6: {  	[sflag:s22] =	ssyncadd.s32 s5;
	_ =	sdelay $0x1  }
0xa7: {  	s23 =	simm.s32 $0x1B8B  }
0xa8: {  	_ =	swait.ge [sflag:s23], $0x1  }
0xa9: {  	[sflag:s23] =	ssyncset.done $0x0  }
0xaa: {  	s25 =	simm.s32 $0x1B8E;
	s24 =	sld [smem:$0x3FFE];
	[sflag:s23] =	ssyncadd.s32 $0xFFFFFFFF  }
0xab: {  	s26 =	simm.s32 $execute0_lowered;
	[smem:$0x3FD2] =	sst s25  }
0xac: {  	s6 =	sshll.u32 s26, $0x1;
	_ =	strace $0x80000049;
	[dreg:$0x1] =	wrdreg $0xFFFFFFFF  }
0xad: {  	s28 =	simm.s32 $_size_execute0_lowered;
	s4 =	sadd.s32 s4, s6;
	[dreg:$0x0] =	wrdreg $0x0  }
0xae: {  	s6 =	sshll.u32 s28, $0x1;
	[dreg:$0x2] =	wrdreg s4  }
0xaf: {  	[dreg:$0x3] =	wrdreg s6  }
0xb0: {  	[dreg:$0x4] =	wrdreg $0xC0  }
0xb1: {  	_ =	task [dreg:s8], $0x5FFFF  }
0xb2: {  	[dreg:$0x1] =	wrdreg $0xFFFFFFFF  }
0xb3: {  	[dreg:$0x0] =	wrdreg $0x60  }
0xb4: {  	[dreg:$0x2] =	wrdreg s16  }
0xb5: {  	[dreg:$0x3] =	wrdreg s24  }
0xb6: {  	[dreg:$0x4] =	wrdreg s17  }
0xb7: {  	[dreg:$0x5] =	wrdreg $0xA4000  }
0xb8: {  	[dreg:$0x6] =	wrdreg $0x9  }
0xb9: {  	_ =	task.clear_ibuf [dreg:s8], $0x7FFFF;
	_ =	strace $0x90000049  }
0xba: {  	s29 =	simm.s32 $0x9;
	_ =	strace $0x8000004B  }
0xbb: {  	_ =	swait.ge [sflag:s29], $0x1  }
0xbc: {  	[sflag:s29] =	ssyncadd.s32 $0xFFFFFFFF  }
0xbd: {  	_ =	strace $0x9000004B  }
0xbe: {  	_ =	sfence  }
0xbf: {  	s30 =	sld [smem:$0x0];
	_ =	sdelay $0x2  }
0xc0: {  	s31 =	sshll.u32 s1, $0xD;
	s1 =	sshrl.u32 s1, $0x2  }
0xc1: {  	s3 =	sand.u32 $0x4000, s31;
	s1 =	sadd.s32 s1, s30  }
0xc2: {  	s0 =	sor.u32 s3, s0;
	s1 =	sshll.u32 s1, $0x11  }
0xc3: {  	s0 =	sor.u32 s1, s0  }
0xc4: {  	s0 =	sadd.s32 $0x8F2B, s0  }
0xc5: {  	[sflag:s0] =	ssyncadd.remote.s32 $0x1  }
0xc6: {  	_ =	sfence.sel $0xFFFF  }
0xc7: {  	[dreg:$0x0] =	wrdreg $0xFFFFFFFF;
	(pc) =	sbr.abs _section_cstart, $3  }
0xc8: {  	[dreg:$0x1] =	wrdreg $0xFFFFFFFF  }
0xc9: {  	_ =	task.clear_ibuf [dreg:s8], $0x2FFFF;
	_ =	strace $0x9FFFFFFF  }
0xca: {  	(tm) =	ssettm $0x7FFFFFFF  }
0xcb: {  	_ =	shalt  }
tec
execute0_lowered:
.L_overlay_start_1:
0x0: {  	(tag) =	ssettag $0x1  }
0x1: {  	s1 =	rddreg [dreg:$0x0]  }
0x2: {  	s0 =	rddreg [dreg:$0x1]  }
0x3: {  	s2 =	rddreg [dreg:$0x2]  }
0x4: {  	s3 =	rddreg [dreg:$0x3];
	s4 =	simm.s32 $0x0;
	s23 =	srdreg.scid  }
0x5: {  	s11 =	stileid.u32;
	s29 =	simm.s32 $0x9;
	[smem:$0x7FF] =	sst s4  }
0x6: {  	s6 =	sadd.s32 $0x4EFC00, s0;
	s4 =	sand.u32 $0x1, s23;
	s5 =	smul.u32 $0x4E000, s11  }
0x7: {  	s7 =	sadd.s32 $0x3E00, s0;
	s0 =	sadd.s32 $0x9DBA00, s0;
	s15 =	smul.u32 $0x13800, s11  }
0x8: {  	p0 =	sne.s32 s11, $0xF;
	s28 =	sadd.s32 $0x138000, s3;
	_ =	strace $0x8000004A  }
0x9: {  	s8 =	ssub.s32 $0x2, s4;
	s10 =	sshll.u32 s4, $0x4;
	s5 =	sshrl.u32 s5, $0x2  }
0xa: {  	s4 =	smul.u32 $0x138800, s4;
	[dreg:$0x17] =	wrdreg s28;
	s12 =	sadd.s32 s5, s3  }
0xb: {  	s9 =	sshrl.u32 s8, $0x1;
	s5 =	sadd.s32 $0x2800, s12;
	[dreg:$0x5] =	wrdreg s12  }
0xc: {  	s24 =	sor.u32 s11, s10;
	s25 =	sadd.s32 $0x5000, s12;
	[dreg:$0x7] =	wrdreg s5  }
0xd: {  	s11 =	simm.s32 $0x6;
	s26 =	sadd.s32 $0x7800, s12;
	[dreg:$0x8] =	wrdreg s25  }
0xe: {  	s8 =	ssub.s32 s8, s9;
	s30 =	sadd.s32 $0xA000, s12;
	[dreg:$0x9] =	wrdreg s26  }
0xf: {  	s13 =	smul.u32 $0x2710, s24;
	s31 =	sadd.s32 $0xC800, s12;
	[dreg:$0xa] =	wrdreg s30  }
0x10: {  	s19 =	sadd.s32 s15, s4;
	s14 =	sadd.s32 $0xF000, s12;
	[dreg:$0xb] =	wrdreg s31  }
0x11: {  	s9 =	smul.u32 $0x27100, s24;
	s16 =	sadd.s32 $0x11800, s12;
	[dreg:$0xc] =	wrdreg s14  }
0x12: {  	s4 =	sshrl.u32 s4, $0x3;
	s24 =	smax.u32 s8, $0x1;
	[dreg:$0xd] =	wrdreg s16  }
0x13: {  	s15 =	simm.s32 $0x5000;
	s8 =	simm.s32 $0x2;
	[dreg:$0x16] =	wrdreg s24  }
0x14: {  	s10 =	sshrl.u32 s13, $0x3;
	s18 =	sadd.s32 $0x50, s13;
	[dreg:$0x6] =	wrdreg s13  }
0x15: {  	s23 =	sadd.s32 s6, s9;
	s25 =	sadd.s32 $0xA0, s13;
	[dreg:$0x10] =	wrdreg s18  }
0x16: {  	s26 =	sadd.s32 $0xF0, s13;
	s30 =	sadd.s32 $0x140, s13;
	[dreg:$0x14] =	wrdreg s23  }
0x17: {  	s31 =	sadd.s32 $0x190, s13;
	s13 =	simm.s32 $0x3;
	[dreg:$0x18] =	wrdreg s25  }
0x18: {  	s14 =	simm.s32 $0x50;
	s16 =	simm.s32 $0xA100;
	[dreg:$0x19] =	wrdreg s26  }
0x19: {  	s24 =	simm.s32 $0xA180;
	s17 =	sadd.s32 s7, s10;
	[dreg:$0x1a] =	wrdreg s30  }
0x1a: {  	s5 =	sadd.s32 s2, s10;
	s20 =	sshrl.u32 s18, $0x3;
	[dreg:$0x1b] =	wrdreg s31  }
0x1b: {  	s10 =	simm.s32 $0xA200;
	s18 =	simm.s32 $0x4;
	s23 =	simm.s32 $0x7  }
0x1c: {  	s25 =	simm.s32 $0xA380;
	s26 =	simm.s32 $0x5;
	[dreg:$0xe] =	wrdreg s17  }
0x1d: {  	[dreg:$0xf] =	wrdreg s5;
	s5 =	sshrl.u32 s19, $0x3;
	s21 =	sadd.s32 s7, s20  }
0x1e: {  	s22 =	sadd.s32 s2, s20;
	s17 =	simm.s32 $0xA300;
	s20 =	simm.s32 $0x2800  }
0x1f: {  	s19 =	simm.s32 $0x0;
	s5 =	sadd.s32 s0, s5;
	[dreg:$0x12] =	wrdreg s21  }
0x20: {  	s0 =	sadd.s32 s0, s4;
	[dreg:$0x13] =	wrdreg s22;
	s4 =	simm.s32 $0xA000  }
0x21: {  	s21 =	simm.s32 $0x7800;
	[dreg:$0x11] =	wrdreg s5;
	s0 =	sadd.s32 $0x27000, s0  }
0x22: {  	v0 =	vimm.f32 $0.0e+00;
	s22 =	simm.s32 $0x1;
	[dreg:$0x15] =	wrdreg s0;
	s0 =	simm.s32 $0x8  }
.LBB2_1:
0x23: {  	[dreg:$0x1c] =	wrdreg s19;
	s5 =	simm.s32 $0x0;
	s9 =	simm.s32 $0x200  }
.LBB2_2:
0x24: {  	p1 =	sne.s32 s9, $0x9E00;
	[tilespmem:s5+$0x70] =	vst v0  }
0x25: {  	[tilespmem:s5+$0x0] =	vst v0  }
0x26: {  	[tilespmem:s5+$0x10] =	vst v0  }
.Ltmp0:
0x27: {  	[tilespmem:s5+$0x20] =	vst v0;
	(pc) =	sbr.rel @p1 .LBB2_2-.Ltmp0, $4  }
0x28: {  	[tilespmem:s5+$0x30] =	vst v0  }
0x29: {  	[tilespmem:s5+$0x40] =	vst v0  }
0x2a: {  	[tilespmem:s5+$0x50] =	vst v0  }
0x2b: {  	[tilespmem:s5+$0x60] =	vst v0;
	s5 =	sshra.s32 s9, $0x2;
	s9 =	sadd.s32 $0x200, s9  }
0x2c: {  	[tilespmem:s5+$0x70] =	vst v0  }
0x2d: {  	[tilespmem:s5+$0x0] =	vst v0  }
0x2e: {  	[tilespmem:s5+$0x10] =	vst v0  }
0x2f: {  	[tilespmem:s5+$0x20] =	vst v0  }
0x30: {  	[tilespmem:s5+$0x30] =	vst v0  }
0x31: {  	[tilespmem:s5+$0x40] =	vst v0  }
0x32: {  	[tilespmem:s5+$0x50] =	vst v0  }
0x33: {  	[tilespmem:s5+$0x60] =	vst v0;
	s5 =	simm.s32 $0x0  }
0x34: {  	[spmem:s12] =	stream.linear.scatter [tilespmem:s5], [sflag:$0x9], $0x2800, $0x38;
	[tilespmem:$0x1DC80] =	vst v63  }
0x35: {  	_ =	swait.ge [sflag:s29], $0x2800  }
0x36: {  	[sflag:s29] =	ssyncset.done $0x0  }
0x37: {  	s9 =	rddreg [dreg:$0x7];
	[sflag:s29] =	ssyncadd.s32 $0xFFFFD800  }
0x38: {  	[spmem:s9] =	stream.linear.scatter [tilespmem:s5], [sflag:$0x9], $0x2800, $0x38;
	[tilespmem:$0x1DC80] =	vst v63  }
0x39: {  	_ =	swait.ge [sflag:s29], $0x2800  }
0x3a: {  	[sflag:s29] =	ssyncset.done $0x0  }
0x3b: {  	s19 =	rddreg [dreg:$0x8];
	[sflag:s29] =	ssyncadd.s32 $0xFFFFD800  }
0x3c: {  	[spmem:s19] =	stream.linear.scatter [tilespmem:s5], [sflag:$0x9], $0x2800, $0x38;
	[tilespmem:$0x1DC80] =	vst v63  }
0x3d: {  	_ =	swait.ge [sflag:s29], $0x2800  }
0x3e: {  	[sflag:s29] =	ssyncset.done $0x0  }
0x3f: {  	s30 =	rddreg [dreg:$0x9];
	[sflag:s29] =	ssyncadd.s32 $0xFFFFD800  }
0x40: {  	[spmem:s30] =	stream.linear.scatter [tilespmem:s5], [sflag:$0x9], $0x2800, $0x38;
	[tilespmem:$0x1DC80] =	vst v63  }
0x41: {  	_ =	swait.ge [sflag:s29], $0x2800  }
0x42: {  	[sflag:s29] =	ssyncset.done $0x0  }
0x43: {  	s31 =	rddreg [dreg:$0xa];
	[sflag:s29] =	ssyncadd.s32 $0xFFFFD800  }
0x44: {  	[spmem:s31] =	stream.linear.scatter [tilespmem:s5], [sflag:$0x9], $0x2800, $0x38;
	[tilespmem:$0x1DC80] =	vst v63  }
0x45: {  	_ =	swait.ge [sflag:s29], $0x2800  }
0x46: {  	[sflag:s29] =	ssyncset.done $0x0  }
0x47: {  	s12 =	rddreg [dreg:$0xb];
	[sflag:s29] =	ssyncadd.s32 $0xFFFFD800  }
0x48: {  	[spmem:s12] =	stream.linear.scatter [tilespmem:s5], [sflag:$0x9], $0x2800, $0x38;
	[tilespmem:$0x1DC80] =	vst v63  }
0x49: {  	_ =	swait.ge [sflag:s29], $0x2800  }
0x4a: {  	[sflag:s29] =	ssyncset.done $0x0  }
0x4b: {  	s19 =	rddreg [dreg:$0xc];
	[sflag:s29] =	ssyncadd.s32 $0xFFFFD800  }
0x4c: {  	[spmem:s19] =	stream.linear.scatter [tilespmem:s5], [sflag:$0x9], $0x2800, $0x38;
	[tilespmem:$0x1DC80] =	vst v63  }
0x4d: {  	_ =	swait.ge [sflag:s29], $0x2800  }
0x4e: {  	[sflag:s29] =	ssyncset.done $0x0  }
0x4f: {  	s30 =	rddreg [dreg:$0xd];
	[sflag:s29] =	ssyncadd.s32 $0xFFFFD800  }
0x50: {  	[spmem:s30] =	stream.linear.scatter [tilespmem:s5], [sflag:$0x9], $0x2000, $0x38;
	[tilespmem:$0x1DC80] =	vst v63  }
0x51: {  	_ =	swait.ge [sflag:s29], $0x2000  }
0x52: {  	[sflag:s29] =	ssyncset.done $0x0  }
0x53: {  	s5 =	simm.s32 @!p0 $0x0;
	[sflag:s29] =	ssyncadd.s32 $0xFFFFE000  }
0x54: {  	[spmem:s28] =	stream.linear.scatter @!p0 [tilespmem:s5], [sflag:$0x9], $0x800, $0x38;
	[tilespmem:$0x1DC80] =	vst v63  }
0x55: {  	s5 =	simm.s32 @!p0 $0x9  }
0x56: {  	_ =	swait.ge @!p0 [sflag:s5], $0x800  }
0x57: {  	[sflag:s5] =	ssyncset.done @!p0 $0x0  }
0x58: {  	[sflag:s5] =	ssyncadd.s32 @!p0 $0xFFFFF800  }
0x59: {  	[bflag:$0x0] =	sbarrier.arrive $0xFFFF  }
0x5a: {  	s12 =	simm.s32 $0x0;
	s31 =	rddreg [dreg:$0xe]  }
0x5b: {  	[tilespmem:s4], [sflag:$0x3] =	stream.linear.gather [hbm4b:s31+s12], $0x50, $0x38;
	[tilespmem:$0x1DC80] =	vst v63  }
0x5c: {  	s9 =	rddreg [dreg:$0xf]  }
0x5d: {  	[tilespmem:s10], [sflag:$0x3] =	stream.linear.gather [hbm4b:s9+s12], $0x50, $0x38;
	[tilespmem:$0x1DC80] =	vst v63  }
0x5e: {  	s28 =	simm.s32 $0xA080;
	s19 =	rddreg [dreg:$0x12]  }
0x5f: {  	[tilespmem:s28], [sflag:$0x4] =	stream.linear.gather [hbm4b:s19+s12], $0x50, $0x38;
	[tilespmem:$0x1DC80] =	vst v63  }
0x60: {  	s30 =	simm.s32 $0xA280;
	s29 =	rddreg [dreg:$0x13]  }
0x61: {  	[tilespmem:s30], [sflag:$0x4] =	stream.linear.gather [hbm4b:s29+s12], $0x50, $0x38;
	[tilespmem:$0x1DC80] =	vst v63  }
0x62: {  	_ =	swait.ge [sflag:s13], $0x50  }
0x63: {  	[sflag:s13] =	ssyncset.done $0x0  }
0x64: {  	[sflag:s13] =	ssyncadd.s32 $0xFFFFFFB0  }
0x65: {  	_ =	swait.ge [sflag:s13], $0x50  }
0x66: {  	[sflag:s13] =	ssyncset.done $0x0  }
0x67: {  	[sflag:s13] =	ssyncadd.s32 $0xFFFFFFB0  }
0x68: {  	[tilespmem:s12], [sflag:$0x1] =	stream.indirect.gather [hbm4b:s1+s14], $0x80, s4, s14, $0xb8;
	[tilespmem:$0x1DC80] =	vst v63  }
0x69: {  	s5 =	simm.s32 $0x0;
	s31 =	rddreg [dreg:$0x14]  }
0x6a: {  	[tilespmem:s15], [sflag:$0x1] =	stream.linear.gather [hbm4b:s31+s12], $0x2800, $0x38;
	[tilespmem:$0x1DC80] =	vst v63  }
.LBB2_4:
0x6b: {  	p1 =	seq.s32 s5, $0x0  }
0x6c: {  	s19 =	simm.s32 @!p1 $0x8  }
0x6d: {  	s9 =	smul.u32 $0x140, s5;
	_ =	swait.ge @!p1 [sflag:s19], $0x2800  }
0x6e: {  	s28 =	rddreg [dreg:$0x18]  }
0x6f: {  	s28 =	sadd.s32 s9, s28  }
0x70: {  	[sflag:s19] =	ssyncset.done @!p1 $0x0;
	s29 =	sshrl.u32 s28, $0x3  }
0x71: {  	[sflag:s19] =	ssyncadd.s32 @!p1 $0xFFFFD800;
	s31 =	sadd.s32 s7, s29  }
0x72: {  	[tilespmem:s16], [sflag:$0x5] =	stream.linear.gather [hbm4b:s31+s12], $0x50, $0x38;
	[tilespmem:$0x1DC80] =	vst v63  }
0x73: {  	s31 =	sadd.s32 s2, s29  }
0x74: {  	[tilespmem:s17], [sflag:$0x5] =	stream.linear.gather [hbm4b:s31+s12], $0x50, $0x38;
	[tilespmem:$0x1DC80] =	vst v63  }
0x75: {  	_ =	swait.ge [sflag:s18], $0x50  }
0x76: {  	[sflag:s18] =	ssyncset.done $0x0  }
0x77: {  	[sflag:s18] =	ssyncadd.s32 $0xFFFFFFB0  }
0x78: {  	_ =	swait.ge [sflag:s18], $0x50  }
0x79: {  	[sflag:s18] =	ssyncset.done $0x0  }
0x7a: {  	s31 =	simm.s32 $0xA080;
	[sflag:s18] =	ssyncadd.s32 $0xFFFFFFB0  }
0x7b: {  	[tilespmem:s20], [sflag:$0x2] =	stream.indirect.gather [hbm4b:s1+s14], $0x80, s31, s14, $0xb8;
	[tilespmem:$0x1DC80] =	vst v63  }
0x7c: {  	s31 =	rddreg [dreg:$0x10]  }
0x7d: {  	s19 =	sadd.s32 s31, s9  }
0x7e: {  	s19 =	sshll.u32 s19, $0x4  }
0x7f: {  	s19 =	sadd.s32 s6, s19  }
0x80: {  	[tilespmem:s21], [sflag:$0x2] =	stream.linear.gather [hbm4b:s19+s12], $0x2800, $0x38;
	[tilespmem:$0x1DC80] =	vst v63  }
0x81: {  	_ =	swait.ge [sflag:s22], $0x2800  }
0x82: {  	[sflag:s22] =	ssyncset.done $0x0  }
0x83: {  	[sflag:s22] =	ssyncadd.s32 $0xFFFFD800  }
0x84: {  	_ =	swait.ge [sflag:s22], $0x2800  }
0x85: {  	[sflag:s22] =	ssyncset.done $0x0  }
0x86: {  	s29 =	simm.s32 $0x0;
	[sflag:s22] =	ssyncadd.s32 $0xFFFFD800  }
0x87: {  	v7 =	vld [tilespmem:s29+$0x5000]  }
0x88: {  	v12 =	vld [tilespmem:s29+$0x5010]  }
0x89: {  	v6 =	vld [tilespmem:s29+$0x5020]  }
0x8a: {  	v5 =	vld [tilespmem:s29+$0x5030]  }
0x8b: {  	v4 =	vld [tilespmem:s29+$0x5040]  }
0x8c: {  	v3 =	vld [tilespmem:s29+$0x5050]  }
0x8d: {  	v2 =	vld [tilespmem:s29+$0x5060]  }
0x8e: {  	v1 =	vld [tilespmem:s29+$0x5070]  }
0x8f: {  	v13 =	vld [tilespmem:s29+$0x0]  }
0x90: {  	v14 =	vld [tilespmem:s29+$0x10]  }
0x91: {  	v11 =	vld [tilespmem:s29+$0x20]  }
0x92: {  	v10 =	vld [tilespmem:s29+$0x30]  }
0x93: {  	v9 =	vld [tilespmem:s29+$0x40]  }
0x94: {  	v8 =	vld [tilespmem:s29+$0x50];
	v13 =	vadd.f32 v7, v13  }
0x95: {  	s30 =	simm.s32 $0x200;
	s19 =	sshll.u32 s5, $0x2;
	v12 =	vadd.f32 v12, v14;
	v7 =	vld [tilespmem:s29+$0x60]  }
.LBB2_5:
0x96: {  	s31 =	sshra.s32 s30, $0x2;
	p1 =	sne.s32 s30, $0x9E00;
	v13 =	vmax.f32 v13, $0.0e+00;
	v6 =	vadd.f32 v6, v11;
	v11 =	vld [tilespmem:s29+$0x70]  }
0x97: {  	v14 =	vld [tilespmem:s31+$0x5000];
	[tilespmem:s29+$0x0] =	vst v13;
	v12 =	vmax.f32 v12, $0.0e+00;
	v5 =	vadd.f32 v5, v10  }
0x98: {  	v15 =	vld [tilespmem:s31+$0x5010];
	[tilespmem:s29+$0x10] =	vst v12;
	v10 =	vmax.f32 v6, $0.0e+00;
	v4 =	vadd.f32 v4, v9  }
0x99: {  	v6 =	vld [tilespmem:s31+$0x5020];
	[tilespmem:s29+$0x20] =	vst v10;
	v9 =	vmax.f32 v5, $0.0e+00;
	v3 =	vadd.f32 v3, v8  }
0x9a: {  	v5 =	vld [tilespmem:s31+$0x5030];
	[tilespmem:s29+$0x30] =	vst v9;
	v8 =	vmax.f32 v4, $0.0e+00;
	v2 =	vadd.f32 v2, v7  }
0x9b: {  	v4 =	vld [tilespmem:s31+$0x5040];
	[tilespmem:s29+$0x40] =	vst v8;
	v7 =	vmax.f32 v3, $0.0e+00;
	v1 =	vadd.f32 v1, v11  }
0x9c: {  	v3 =	vld [tilespmem:s31+$0x5050];
	[tilespmem:s29+$0x50] =	vst v7;
	v7 =	vmax.f32 v2, $0.0e+00  }
0x9d: {  	v2 =	vld [tilespmem:s31+$0x5060];
	[tilespmem:s29+$0x60] =	vst v7;
	v7 =	vmax.f32 v1, $0.0e+00  }
0x9e: {  	v1 =	vld [tilespmem:s31+$0x5070];
	[tilespmem:s29+$0x70] =	vst v7;
	s29 =	smov.u32 s31  }
0x9f: {  	v7 =	vld [tilespmem:s29+$0x0]  }
0xa0: {  	v12 =	vld [tilespmem:s29+$0x10]  }
.Ltmp1:
0xa1: {  	v11 =	vld [tilespmem:s29+$0x20];
	(pc) =	sbr.rel @p1 .LBB2_5-.Ltmp1, $4  }
0xa2: {  	v10 =	vld [tilespmem:s29+$0x30]  }
0xa3: {  	v9 =	vld [tilespmem:s29+$0x40]  }
0xa4: {  	v13 =	vadd.f32 v14, v7;
	v8 =	vld [tilespmem:s29+$0x50]  }
0xa5: {  	s30 =	sadd.s32 $0x200, s30;
	v12 =	vadd.f32 v15, v12;
	v7 =	vld [tilespmem:s29+$0x60]  }
0xa6: {  	v13 =	vmax.f32 v13, $0.0e+00;
	v6 =	vadd.f32 v6, v11;
	v11 =	vld [tilespmem:s29+$0x70]  }
0xa7: {  	[tilespmem:s29+$0x0] =	vst v13;
	v12 =	vmax.f32 v12, $0.0e+00;
	v5 =	vadd.f32 v5, v10  }
0xa8: {  	[tilespmem:s29+$0x10] =	vst v12;
	v6 =	vmax.f32 v6, $0.0e+00;
	v4 =	vadd.f32 v4, v9  }
0xa9: {  	[tilespmem:s29+$0x20] =	vst v6;
	v5 =	vmax.f32 v5, $0.0e+00;
	v3 =	vadd.f32 v3, v8  }
0xaa: {  	[tilespmem:s29+$0x30] =	vst v5;
	v4 =	vmax.f32 v4, $0.0e+00;
	v2 =	vadd.f32 v2, v7  }
0xab: {  	[tilespmem:s29+$0x40] =	vst v4;
	v3 =	vmax.f32 v3, $0.0e+00;
	v1 =	vadd.f32 v1, v11  }
0xac: {  	[tilespmem:s29+$0x50] =	vst v3;
	v2 =	vmax.f32 v2, $0.0e+00  }
0xad: {  	[tilespmem:s29+$0x60] =	vst v2;
	v1 =	vmax.f32 v1, $0.0e+00  }
0xae: {  	[tilespmem:s29+$0x70] =	vst v1;
	s29 =	simm.s32 $0x0  }
0xaf: {  	[spmem:s3] =	stream.indirect.scatter.add.f32 [tilespmem:s29], [sflag:$0x7], $0x80, s10, s14, $0xb8;
	[tilespmem:$0x1DC80] =	vst v63  }
0xb0: {  	_ =	swait.ge [sflag:s23], $0x2800  }
0xb1: {  	s30 =	rddreg [dreg:$0x19]  }
0xb2: {  	s30 =	sadd.s32 s9, s30  }
0xb3: {  	[sflag:s23] =	ssyncset.done $0x0;
	s30 =	sshrl.u32 s30, $0x3  }
0xb4: {  	[sflag:s23] =	ssyncadd.s32 $0xFFFFD800;
	s31 =	sadd.s32 s7, s30  }
0xb5: {  	[tilespmem:s24], [sflag:$0x6] =	stream.linear.gather [hbm4b:s31+s29], $0x50, $0x38;
	[tilespmem:$0x1DC80] =	vst v63  }
0xb6: {  	s30 =	sadd.s32 s2, s30  }
0xb7: {  	[tilespmem:s25], [sflag:$0x6] =	stream.linear.gather [hbm4b:s30+s29], $0x50, $0x38;
	[tilespmem:$0x1DC80] =	vst v63  }
0xb8: {  	_ =	swait.ge [sflag:s26], $0x50  }
0xb9: {  	[sflag:s26] =	ssyncset.done $0x0  }
0xba: {  	[sflag:s26] =	ssyncadd.s32 $0xFFFFFFB0  }
0xbb: {  	_ =	swait.ge [sflag:s26], $0x50  }
0xbc: {  	[sflag:s26] =	ssyncset.done $0x0  }
0xbd: {  	s28 =	sshll.u32 s28, $0x4;
	[sflag:s26] =	ssyncadd.s32 $0xFFFFFFB0  }
0xbe: {  	[tilespmem:s29], [sflag:$0x1] =	stream.indirect.gather [hbm4b:s1+s14], $0x80, s16, s14, $0xb8;
	[tilespmem:$0x1DC80] =	vst v63  }
0xbf: {  	s28 =	sadd.s32 s6, s28  }
0xc0: {  	[tilespmem:s15], [sflag:$0x1] =	stream.linear.gather [hbm4b:s28+s29], $0x2800, $0x38;
	[tilespmem:$0x1DC80] =	vst v63  }
0xc1: {  	_ =	swait.ge [sflag:s8], $0x2800  }
0xc2: {  	[sflag:s8] =	ssyncset.done $0x0  }
0xc3: {  	[sflag:s8] =	ssyncadd.s32 $0xFFFFD800  }
0xc4: {  	_ =	swait.ge [sflag:s8], $0x2800  }
0xc5: {  	[sflag:s8] =	ssyncset.done $0x0  }
0xc6: {  	s28 =	simm.s32 $0x0;
	[sflag:s8] =	ssyncadd.s32 $0xFFFFD800  }
0xc7: {  	v7 =	vld [tilespmem:s28+$0x7800]  }
0xc8: {  	v12 =	vld [tilespmem:s28+$0x7810]  }
0xc9: {  	v6 =	vld [tilespmem:s28+$0x7820]  }
0xca: {  	v5 =	vld [tilespmem:s28+$0x7830]  }
0xcb: {  	v4 =	vld [tilespmem:s28+$0x7840]  }
0xcc: {  	v3 =	vld [tilespmem:s28+$0x7850]  }
0xcd: {  	v2 =	vld [tilespmem:s28+$0x7860]  }
0xce: {  	v1 =	vld [tilespmem:s28+$0x7870]  }
0xcf: {  	v13 =	vld [tilespmem:s28+$0x2800]  }
0xd0: {  	v14 =	vld [tilespmem:s28+$0x2810]  }
0xd1: {  	v11 =	vld [tilespmem:s28+$0x2820]  }
0xd2: {  	v10 =	vld [tilespmem:s28+$0x2830]  }
0xd3: {  	v9 =	vld [tilespmem:s28+$0x2840]  }
0xd4: {  	v8 =	vld [tilespmem:s28+$0x2850];
	v13 =	vadd.f32 v7, v13  }
0xd5: {  	s29 =	simm.s32 $0x200;
	v12 =	vadd.f32 v12, v14;
	v7 =	vld [tilespmem:s28+$0x2860]  }
.LBB2_7:
0xd6: {  	s30 =	sshra.s32 s29, $0x2;
	p1 =	sne.s32 s29, $0x9E00;
	v13 =	vmax.f32 v13, $0.0e+00;
	v6 =	vadd.f32 v6, v11;
	v11 =	vld [tilespmem:s28+$0x2870]  }
0xd7: {  	v14 =	vld [tilespmem:s30+$0x7800];
	[tilespmem:s28+$0x2800] =	vst v13;
	v12 =	vmax.f32 v12, $0.0e+00;
	v5 =	vadd.f32 v5, v10  }
0xd8: {  	v15 =	vld [tilespmem:s30+$0x7810];
	[tilespmem:s28+$0x2810] =	vst v12;
	v10 =	vmax.f32 v6, $0.0e+00;
	v4 =	vadd.f32 v4, v9  }
0xd9: {  	v6 =	vld [tilespmem:s30+$0x7820];
	[tilespmem:s28+$0x2820] =	vst v10;
	v9 =	vmax.f32 v5, $0.0e+00;
	v3 =	vadd.f32 v3, v8  }
0xda: {  	v5 =	vld [tilespmem:s30+$0x7830];
	[tilespmem:s28+$0x2830] =	vst v9;
	v8 =	vmax.f32 v4, $0.0e+00;
	v2 =	vadd.f32 v2, v7  }
0xdb: {  	v4 =	vld [tilespmem:s30+$0x7840];
	[tilespmem:s28+$0x2840] =	vst v8;
	v7 =	vmax.f32 v3, $0.0e+00;
	v1 =	vadd.f32 v1, v11  }
0xdc: {  	v3 =	vld [tilespmem:s30+$0x7850];
	[tilespmem:s28+$0x2850] =	vst v7;
	v7 =	vmax.f32 v2, $0.0e+00  }
0xdd: {  	v2 =	vld [tilespmem:s30+$0x7860];
	[tilespmem:s28+$0x2860] =	vst v7;
	v7 =	vmax.f32 v1, $0.0e+00  }
0xde: {  	v1 =	vld [tilespmem:s30+$0x7870];
	[tilespmem:s28+$0x2870] =	vst v7;
	s28 =	smov.u32 s30  }
0xdf: {  	v7 =	vld [tilespmem:s28+$0x2800]  }
0xe0: {  	v12 =	vld [tilespmem:s28+$0x2810]  }
.Ltmp2:
0xe1: {  	v11 =	vld [tilespmem:s28+$0x2820];
	(pc) =	sbr.rel @p1 .LBB2_7-.Ltmp2, $4  }
0xe2: {  	v10 =	vld [tilespmem:s28+$0x2830]  }
0xe3: {  	v9 =	vld [tilespmem:s28+$0x2840]  }
0xe4: {  	v13 =	vadd.f32 v14, v7;
	v8 =	vld [tilespmem:s28+$0x2850]  }
0xe5: {  	s29 =	sadd.s32 $0x200, s29;
	v12 =	vadd.f32 v15, v12;
	v7 =	vld [tilespmem:s28+$0x2860]  }
0xe6: {  	v13 =	vmax.f32 v13, $0.0e+00;
	v6 =	vadd.f32 v6, v11;
	v11 =	vld [tilespmem:s28+$0x2870]  }
0xe7: {  	[tilespmem:s28+$0x2800] =	vst v13;
	v12 =	vmax.f32 v12, $0.0e+00;
	v5 =	vadd.f32 v5, v10  }
0xe8: {  	[tilespmem:s28+$0x2810] =	vst v12;
	v6 =	vmax.f32 v6, $0.0e+00;
	v4 =	vadd.f32 v4, v9  }
0xe9: {  	[tilespmem:s28+$0x2820] =	vst v6;
	v5 =	vmax.f32 v5, $0.0e+00;
	v3 =	vadd.f32 v3, v8  }
0xea: {  	[tilespmem:s28+$0x2830] =	vst v5;
	v4 =	vmax.f32 v4, $0.0e+00;
	v2 =	vadd.f32 v2, v7  }
0xeb: {  	[tilespmem:s28+$0x2840] =	vst v4;
	v3 =	vmax.f32 v3, $0.0e+00;
	v1 =	vadd.f32 v1, v11  }
0xec: {  	[tilespmem:s28+$0x2850] =	vst v3;
	v2 =	vmax.f32 v2, $0.0e+00  }
0xed: {  	[tilespmem:s28+$0x2860] =	vst v2;
	v1 =	vmax.f32 v1, $0.0e+00  }
0xee: {  	[tilespmem:s28+$0x2870] =	vst v1;
	s28 =	simm.s32 $0xA280  }
0xef: {  	[spmem:s3] =	stream.indirect.scatter.add.f32 [tilespmem:s20], [sflag:$0x8], $0x80, s28, s14, $0xb8;
	[tilespmem:$0x1DC80] =	vst v63  }
0xf0: {  	_ =	swait.ge [sflag:s0], $0x2800  }
0xf1: {  	s28 =	rddreg [dreg:$0x1a]  }
0xf2: {  	s28 =	sadd.s32 s9, s28  }
0xf3: {  	[sflag:s0] =	ssyncset.done $0x0;
	s29 =	sshrl.u32 s28, $0x3  }
0xf4: {  	s31 =	simm.s32 $0x0;
	[sflag:s0] =	ssyncadd.s32 $0xFFFFD800;
	s30 =	sadd.s32 s7, s29  }
0xf5: {  	[tilespmem:s4], [sflag:$0x3] =	stream.linear.gather [hbm4b:s30+s31], $0x50, $0x38;
	[tilespmem:$0x1DC80] =	vst v63  }
0xf6: {  	s29 =	sadd.s32 s2, s29  }
0xf7: {  	[tilespmem:s10], [sflag:$0x3] =	stream.linear.gather [hbm4b:s29+s31], $0x50, $0x38;
	[tilespmem:$0x1DC80] =	vst v63  }
0xf8: {  	_ =	swait.ge [sflag:s11], $0x50  }
0xf9: {  	[sflag:s11] =	ssyncset.done $0x0  }
0xfa: {  	s19 =	sor.u32 $0x3, s19;
	[sflag:s11] =	ssyncadd.s32 $0xFFFFFFB0  }
0xfb: {  	s29 =	smul.u32 $0x50, s19;
	_ =	swait.ge [sflag:s11], $0x50  }
0xfc: {  	[sflag:s11] =	ssyncset.done $0x0;
	s30 =	rddreg [dreg:$0x6]  }
0xfd: {  	[sflag:s11] =	ssyncadd.s32 $0xFFFFFFB0;
	s29 =	sadd.s32 s30, s29  }
0xfe: {  	[tilespmem:s20], [sflag:$0x2] =	stream.indirect.gather [hbm4b:s1+s14], $0x80, s24, s14, $0xb8;
	[tilespmem:$0x1DC80] =	vst v63  }
0xff: {  	s29 =	sshll.u32 s29, $0x4  }
0x100: {  	s29 =	sadd.s32 s6, s29  }
0x101: {  	[tilespmem:s21], [sflag:$0x2] =	stream.linear.gather [hbm4b:s29+s31], $0x2800, $0x38;
	[tilespmem:$0x1DC80] =	vst v63  }
0x102: {  	_ =	swait.ge [sflag:s22], $0x2800  }
0x103: {  	[sflag:s22] =	ssyncset.done $0x0  }
0x104: {  	[sflag:s22] =	ssyncadd.s32 $0xFFFFD800  }
0x105: {  	_ =	swait.ge [sflag:s22], $0x2800  }
0x106: {  	[sflag:s22] =	ssyncset.done $0x0  }
0x107: {  	s29 =	simm.s32 $0x0;
	[sflag:s22] =	ssyncadd.s32 $0xFFFFD800  }
0x108: {  	v7 =	vld [tilespmem:s29+$0x5000]  }
0x109: {  	v12 =	vld [tilespmem:s29+$0x5010]  }
0x10a: {  	v6 =	vld [tilespmem:s29+$0x5020]  }
0x10b: {  	v5 =	vld [tilespmem:s29+$0x5030]  }
0x10c: {  	v4 =	vld [tilespmem:s29+$0x5040]  }
0x10d: {  	v3 =	vld [tilespmem:s29+$0x5050]  }
0x10e: {  	v2 =	vld [tilespmem:s29+$0x5060]  }
0x10f: {  	v1 =	vld [tilespmem:s29+$0x5070]  }
0x110: {  	v13 =	vld [tilespmem:s29+$0x0]  }
0x111: {  	v14 =	vld [tilespmem:s29+$0x10]  }
0x112: {  	v11 =	vld [tilespmem:s29+$0x20]  }
0x113: {  	v10 =	vld [tilespmem:s29+$0x30]  }
0x114: {  	v9 =	vld [tilespmem:s29+$0x40]  }
0x115: {  	v8 =	vld [tilespmem:s29+$0x50];
	v13 =	vadd.f32 v7, v13  }
0x116: {  	s30 =	simm.s32 $0x200;
	v12 =	vadd.f32 v12, v14;
	v7 =	vld [tilespmem:s29+$0x60]  }
.LBB2_9:
0x117: {  	s31 =	sshra.s32 s30, $0x2;
	p1 =	sne.s32 s30, $0x9E00;
	v13 =	vmax.f32 v13, $0.0e+00;
	v6 =	vadd.f32 v6, v11;
	v11 =	vld [tilespmem:s29+$0x70]  }
0x118: {  	v14 =	vld [tilespmem:s31+$0x5000];
	[tilespmem:s29+$0x0] =	vst v13;
	v12 =	vmax.f32 v12, $0.0e+00;
	v5 =	vadd.f32 v5, v10  }
0x119: {  	v15 =	vld [tilespmem:s31+$0x5010];
	[tilespmem:s29+$0x10] =	vst v12;
	v10 =	vmax.f32 v6, $0.0e+00;
	v4 =	vadd.f32 v4, v9  }
0x11a: {  	v6 =	vld [tilespmem:s31+$0x5020];
	[tilespmem:s29+$0x20] =	vst v10;
	v9 =	vmax.f32 v5, $0.0e+00;
	v3 =	vadd.f32 v3, v8  }
0x11b: {  	v5 =	vld [tilespmem:s31+$0x5030];
	[tilespmem:s29+$0x30] =	vst v9;
	v8 =	vmax.f32 v4, $0.0e+00;
	v2 =	vadd.f32 v2, v7  }
0x11c: {  	v4 =	vld [tilespmem:s31+$0x5040];
	[tilespmem:s29+$0x40] =	vst v8;
	v7 =	vmax.f32 v3, $0.0e+00;
	v1 =	vadd.f32 v1, v11  }
0x11d: {  	v3 =	vld [tilespmem:s31+$0x5050];
	[tilespmem:s29+$0x50] =	vst v7;
	v7 =	vmax.f32 v2, $0.0e+00  }
0x11e: {  	v2 =	vld [tilespmem:s31+$0x5060];
	[tilespmem:s29+$0x60] =	vst v7;
	v7 =	vmax.f32 v1, $0.0e+00  }
0x11f: {  	v1 =	vld [tilespmem:s31+$0x5070];
	[tilespmem:s29+$0x70] =	vst v7;
	s29 =	smov.u32 s31  }
0x120: {  	v7 =	vld [tilespmem:s29+$0x0]  }
0x121: {  	v12 =	vld [tilespmem:s29+$0x10]  }
.Ltmp3:
0x122: {  	v11 =	vld [tilespmem:s29+$0x20];
	(pc) =	sbr.rel @p1 .LBB2_9-.Ltmp3, $4  }
0x123: {  	v10 =	vld [tilespmem:s29+$0x30]  }
0x124: {  	v9 =	vld [tilespmem:s29+$0x40]  }
0x125: {  	v13 =	vadd.f32 v14, v7;
	v8 =	vld [tilespmem:s29+$0x50]  }
0x126: {  	s30 =	sadd.s32 $0x200, s30;
	v12 =	vadd.f32 v15, v12;
	v7 =	vld [tilespmem:s29+$0x60]  }
0x127: {  	v13 =	vmax.f32 v13, $0.0e+00;
	v6 =	vadd.f32 v6, v11;
	v11 =	vld [tilespmem:s29+$0x70]  }
0x128: {  	[tilespmem:s29+$0x0] =	vst v13;
	v12 =	vmax.f32 v12, $0.0e+00;
	v5 =	vadd.f32 v5, v10  }
0x129: {  	[tilespmem:s29+$0x10] =	vst v12;
	v6 =	vmax.f32 v6, $0.0e+00;
	v4 =	vadd.f32 v4, v9  }
0x12a: {  	[tilespmem:s29+$0x20] =	vst v6;
	v5 =	vmax.f32 v5, $0.0e+00;
	v3 =	vadd.f32 v3, v8  }
0x12b: {  	[tilespmem:s29+$0x30] =	vst v5;
	v4 =	vmax.f32 v4, $0.0e+00;
	v2 =	vadd.f32 v2, v7  }
0x12c: {  	[tilespmem:s29+$0x40] =	vst v4;
	v3 =	vmax.f32 v3, $0.0e+00;
	v1 =	vadd.f32 v1, v11  }
0x12d: {  	[tilespmem:s29+$0x50] =	vst v3;
	v2 =	vmax.f32 v2, $0.0e+00  }
0x12e: {  	[tilespmem:s29+$0x60] =	vst v2;
	v1 =	vmax.f32 v1, $0.0e+00  }
0x12f: {  	s31 =	simm.s32 $0x0;
	[tilespmem:s29+$0x70] =	vst v1  }
0x130: {  	[spmem:s3] =	stream.indirect.scatter.add.f32 [tilespmem:s31], [sflag:$0x7], $0x80, s17, s14, $0xb8;
	[tilespmem:$0x1DC80] =	vst v63  }
0x131: {  	_ =	swait.ge [sflag:s23], $0x2800  }
0x132: {  	p1 =	sgt.u32 s19, $0x7A;
	s19 =	rddreg [dreg:$0x1b]  }
0x133: {  	s9 =	sadd.s32 @!p1 s9, s19  }
0x134: {  	s30 =	simm.s32 @!p1 $0xA080;
	[sflag:s23] =	ssyncset.done $0x0;
	s9 =	sshrl.u32 @!p1 s9, $0x3  }
0x135: {  	s29 =	simm.s32 @!p1 $0x0;
	[sflag:s23] =	ssyncadd.s32 $0xFFFFD800;
	s19 =	sadd.s32 @!p1 s7, s9  }
0x136: {  	[tilespmem:s30], [sflag:$0x4] =	stream.linear.gather @!p1 [hbm4b:s19+s29], $0x50, $0x38;
	[tilespmem:$0x1DC80] =	vst v63  }
0x137: {  	s9 =	sadd.s32 @!p1 s2, s9;
	s19 =	simm.s32 @!p1 $0xA280  }
0x138: {  	[tilespmem:s19], [sflag:$0x4] =	stream.linear.gather @!p1 [hbm4b:s9+s29], $0x50, $0x38;
	[tilespmem:$0x1DC80] =	vst v63  }
0x139: {  	_ =	swait.ge [sflag:s13], $0x50  }
0x13a: {  	[sflag:s13] =	ssyncset.done $0x0  }
0x13b: {  	[sflag:s13] =	ssyncadd.s32 $0xFFFFFFB0  }
0x13c: {  	_ =	swait.ge [sflag:s13], $0x50  }
0x13d: {  	[sflag:s13] =	ssyncset.done $0x0  }
0x13e: {  	s31 =	sshll.u32 s28, $0x4;
	s30 =	simm.s32 $0x0;
	[sflag:s13] =	ssyncadd.s32 $0xFFFFFFB0  }
0x13f: {  	[tilespmem:s30], [sflag:$0x1] =	stream.indirect.gather [hbm4b:s1+s14], $0x80, s4, s14, $0xb8;
	[tilespmem:$0x1DC80] =	vst v63  }
0x140: {  	s19 =	sadd.s32 s6, s31  }
0x141: {  	[tilespmem:s15], [sflag:$0x1] =	stream.linear.gather [hbm4b:s19+s30], $0x2800, $0x38;
	[tilespmem:$0x1DC80] =	vst v63  }
0x142: {  	_ =	swait.ge [sflag:s8], $0x2800  }
0x143: {  	[sflag:s8] =	ssyncset.done $0x0  }
0x144: {  	[sflag:s8] =	ssyncadd.s32 $0xFFFFD800  }
0x145: {  	_ =	swait.ge [sflag:s8], $0x2800  }
0x146: {  	[sflag:s8] =	ssyncset.done $0x0  }
0x147: {  	s9 =	simm.s32 $0x0;
	[sflag:s8] =	ssyncadd.s32 $0xFFFFD800  }
0x148: {  	v7 =	vld [tilespmem:s9+$0x7800]  }
0x149: {  	v12 =	vld [tilespmem:s9+$0x7810]  }
0x14a: {  	v6 =	vld [tilespmem:s9+$0x7820]  }
0x14b: {  	v5 =	vld [tilespmem:s9+$0x7830]  }
0x14c: {  	v4 =	vld [tilespmem:s9+$0x7840]  }
0x14d: {  	v3 =	vld [tilespmem:s9+$0x7850]  }
0x14e: {  	v2 =	vld [tilespmem:s9+$0x7860]  }
0x14f: {  	v1 =	vld [tilespmem:s9+$0x7870]  }
0x150: {  	v13 =	vld [tilespmem:s9+$0x2800]  }
0x151: {  	v14 =	vld [tilespmem:s9+$0x2810]  }
0x152: {  	v11 =	vld [tilespmem:s9+$0x2820]  }
0x153: {  	v10 =	vld [tilespmem:s9+$0x2830]  }
0x154: {  	v9 =	vld [tilespmem:s9+$0x2840]  }
0x155: {  	v8 =	vld [tilespmem:s9+$0x2850];
	v13 =	vadd.f32 v7, v13  }
0x156: {  	s19 =	simm.s32 $0x200;
	v12 =	vadd.f32 v12, v14;
	v7 =	vld [tilespmem:s9+$0x2860]  }
.LBB2_11:
0x157: {  	s28 =	sshra.s32 s19, $0x2;
	p1 =	sne.s32 s19, $0x9E00;
	v13 =	vmax.f32 v13, $0.0e+00;
	v6 =	vadd.f32 v6, v11;
	v11 =	vld [tilespmem:s9+$0x2870]  }
0x158: {  	v14 =	vld [tilespmem:s28+$0x7800];
	[tilespmem:s9+$0x2800] =	vst v13;
	v12 =	vmax.f32 v12, $0.0e+00;
	v5 =	vadd.f32 v5, v10  }
0x159: {  	v15 =	vld [tilespmem:s28+$0x7810];
	[tilespmem:s9+$0x2810] =	vst v12;
	v10 =	vmax.f32 v6, $0.0e+00;
	v4 =	vadd.f32 v4, v9  }
0x15a: {  	v6 =	vld [tilespmem:s28+$0x7820];
	[tilespmem:s9+$0x2820] =	vst v10;
	v9 =	vmax.f32 v5, $0.0e+00;
	v3 =	vadd.f32 v3, v8  }
0x15b: {  	v5 =	vld [tilespmem:s28+$0x7830];
	[tilespmem:s9+$0x2830] =	vst v9;
	v8 =	vmax.f32 v4, $0.0e+00;
	v2 =	vadd.f32 v2, v7  }
0x15c: {  	v4 =	vld [tilespmem:s28+$0x7840];
	[tilespmem:s9+$0x2840] =	vst v8;
	v7 =	vmax.f32 v3, $0.0e+00;
	v1 =	vadd.f32 v1, v11  }
0x15d: {  	v3 =	vld [tilespmem:s28+$0x7850];
	[tilespmem:s9+$0x2850] =	vst v7;
	v7 =	vmax.f32 v2, $0.0e+00  }
0x15e: {  	v2 =	vld [tilespmem:s28+$0x7860];
	[tilespmem:s9+$0x2860] =	vst v7;
	v7 =	vmax.f32 v1, $0.0e+00  }
0x15f: {  	v1 =	vld [tilespmem:s28+$0x7870];
	[tilespmem:s9+$0x2870] =	vst v7;
	s9 =	smov.u32 s28  }
0x160: {  	v7 =	vld [tilespmem:s9+$0x2800]  }
0x161: {  	v12 =	vld [tilespmem:s9+$0x2810]  }
.Ltmp4:
0x162: {  	v11 =	vld [tilespmem:s9+$0x2820];
	(pc) =	sbr.rel @p1 .LBB2_11-.Ltmp4, $4  }
0x163: {  	v10 =	vld [tilespmem:s9+$0x2830]  }
0x164: {  	v9 =	vld [tilespmem:s9+$0x2840]  }
0x165: {  	v13 =	vadd.f32 v14, v7;
	v8 =	vld [tilespmem:s9+$0x2850]  }
0x166: {  	s19 =	sadd.s32 $0x200, s19;
	v12 =	vadd.f32 v15, v12;
	v7 =	vld [tilespmem:s9+$0x2860]  }
0x167: {  	v13 =	vmax.f32 v13, $0.0e+00;
	v6 =	vadd.f32 v6, v11;
	v63 =	vld [tilespmem:s9+$0x2870]  }
0x168: {  	[tilespmem:s9+$0x2800] =	vst v13;
	v12 =	vmax.f32 v12, $0.0e+00;
	v5 =	vadd.f32 v5, v10  }
0x169: {  	[tilespmem:s9+$0x2810] =	vst v12;
	v6 =	vmax.f32 v6, $0.0e+00;
	v4 =	vadd.f32 v4, v9  }
0x16a: {  	s5 =	sadd.s32 $0x1, s5;
	[tilespmem:s9+$0x2820] =	vst v6;
	v5 =	vmax.f32 v5, $0.0e+00;
	v3 =	vadd.f32 v3, v8  }
0x16b: {  	p1 =	sne.s32 s5, $0x1F;
	[tilespmem:s9+$0x2830] =	vst v5;
	v4 =	vmax.f32 v4, $0.0e+00;
	v2 =	vadd.f32 v2, v7  }
.Ltmp5:
0x16c: {  	[tilespmem:s9+$0x2840] =	vst v4;
	v3 =	vmax.f32 v3, $0.0e+00;
	v1 =	vadd.f32 v1, v63;
	(pc) =	sbr.rel @p1 .LBB2_4-.Ltmp5, $4  }
0x16d: {  	[tilespmem:s9+$0x2850] =	vst v3;
	v2 =	vmax.f32 v2, $0.0e+00  }
0x16e: {  	[tilespmem:s9+$0x2860] =	vst v2;
	v1 =	vmax.f32 v1, $0.0e+00  }
0x16f: {  	[tilespmem:s9+$0x2870] =	vst v1  }
0x170: {  	[spmem:s3] =	stream.indirect.scatter.add.f32 [tilespmem:s20], [sflag:$0x8], $0x80, s25, s14, $0xb8;
	[tilespmem:$0x1DC80] =	vst v63  }
0x171: {  	_ =	swait.ge [sflag:s0], $0x2800  }
0x172: {  	[sflag:s0] =	ssyncset.done $0x0  }
0x173: {  	[sflag:s0] =	ssyncadd.s32 $0xFFFFD800  }
0x174: {  	_ =	swait.ge [sflag:s22], $0x2800  }
0x175: {  	[sflag:s22] =	ssyncset.done $0x0  }
0x176: {  	[sflag:s22] =	ssyncadd.s32 $0xFFFFD800  }
0x177: {  	_ =	swait.ge [sflag:s22], $0x2800  }
0x178: {  	[sflag:s22] =	ssyncset.done $0x0  }
0x179: {  	s5 =	simm.s32 $0x0;
	[sflag:s22] =	ssyncadd.s32 $0xFFFFD800  }
0x17a: {  	v7 =	vld [tilespmem:s5+$0x5000]  }
0x17b: {  	v12 =	vld [tilespmem:s5+$0x5010]  }
0x17c: {  	v6 =	vld [tilespmem:s5+$0x5020]  }
0x17d: {  	v5 =	vld [tilespmem:s5+$0x5030]  }
0x17e: {  	v4 =	vld [tilespmem:s5+$0x5040]  }
0x17f: {  	v3 =	vld [tilespmem:s5+$0x5050]  }
0x180: {  	v2 =	vld [tilespmem:s5+$0x5060]  }
0x181: {  	v1 =	vld [tilespmem:s5+$0x5070]  }
0x182: {  	v13 =	vld [tilespmem:s5+$0x0]  }
0x183: {  	v14 =	vld [tilespmem:s5+$0x10]  }
0x184: {  	v11 =	vld [tilespmem:s5+$0x20]  }
0x185: {  	v10 =	vld [tilespmem:s5+$0x30]  }
0x186: {  	v9 =	vld [tilespmem:s5+$0x40]  }
0x187: {  	v8 =	vld [tilespmem:s5+$0x50];
	v13 =	vadd.f32 v7, v13  }
0x188: {  	s9 =	simm.s32 $0x200;
	v12 =	vadd.f32 v12, v14;
	v7 =	vld [tilespmem:s5+$0x60]  }
.LBB2_14:
0x189: {  	s12 =	sshra.s32 s9, $0x2;
	p1 =	sne.s32 s9, $0x9E00;
	v13 =	vmax.f32 v13, $0.0e+00;
	v6 =	vadd.f32 v6, v11;
	v11 =	vld [tilespmem:s5+$0x70]  }
0x18a: {  	v14 =	vld [tilespmem:s12+$0x5000];
	[tilespmem:s5+$0x0] =	vst v13;
	v12 =	vmax.f32 v12, $0.0e+00;
	v5 =	vadd.f32 v5, v10  }
0x18b: {  	v15 =	vld [tilespmem:s12+$0x5010];
	[tilespmem:s5+$0x10] =	vst v12;
	v10 =	vmax.f32 v6, $0.0e+00;
	v4 =	vadd.f32 v4, v9  }
0x18c: {  	v6 =	vld [tilespmem:s12+$0x5020];
	[tilespmem:s5+$0x20] =	vst v10;
	v9 =	vmax.f32 v5, $0.0e+00;
	v3 =	vadd.f32 v3, v8  }
0x18d: {  	v5 =	vld [tilespmem:s12+$0x5030];
	[tilespmem:s5+$0x30] =	vst v9;
	v8 =	vmax.f32 v4, $0.0e+00;
	v2 =	vadd.f32 v2, v7  }
0x18e: {  	v4 =	vld [tilespmem:s12+$0x5040];
	[tilespmem:s5+$0x40] =	vst v8;
	v7 =	vmax.f32 v3, $0.0e+00;
	v1 =	vadd.f32 v1, v11  }
0x18f: {  	v3 =	vld [tilespmem:s12+$0x5050];
	[tilespmem:s5+$0x50] =	vst v7;
	v7 =	vmax.f32 v2, $0.0e+00  }
0x190: {  	v2 =	vld [tilespmem:s12+$0x5060];
	[tilespmem:s5+$0x60] =	vst v7;
	v7 =	vmax.f32 v1, $0.0e+00  }
0x191: {  	v1 =	vld [tilespmem:s12+$0x5070];
	[tilespmem:s5+$0x70] =	vst v7;
	s5 =	smov.u32 s12  }
0x192: {  	v7 =	vld [tilespmem:s5+$0x0]  }
0x193: {  	v12 =	vld [tilespmem:s5+$0x10]  }
.Ltmp6:
0x194: {  	v11 =	vld [tilespmem:s5+$0x20];
	(pc) =	sbr.rel @p1 .LBB2_14-.Ltmp6, $4  }
0x195: {  	v10 =	vld [tilespmem:s5+$0x30]  }
0x196: {  	v9 =	vld [tilespmem:s5+$0x40]  }
0x197: {  	v13 =	vadd.f32 v14, v7;
	v8 =	vld [tilespmem:s5+$0x50]  }
0x198: {  	s9 =	sadd.s32 $0x200, s9;
	v12 =	vadd.f32 v15, v12;
	v7 =	vld [tilespmem:s5+$0x60]  }
0x199: {  	v13 =	vmax.f32 v13, $0.0e+00;
	v6 =	vadd.f32 v6, v11;
	v63 =	vld [tilespmem:s5+$0x70]  }
0x19a: {  	[tilespmem:s5+$0x0] =	vst v13;
	v12 =	vmax.f32 v12, $0.0e+00;
	v5 =	vadd.f32 v5, v10  }
0x19b: {  	[tilespmem:s5+$0x10] =	vst v12;
	v6 =	vmax.f32 v6, $0.0e+00;
	v4 =	vadd.f32 v4, v9  }
0x19c: {  	[tilespmem:s5+$0x20] =	vst v6;
	v5 =	vmax.f32 v5, $0.0e+00;
	v3 =	vadd.f32 v3, v8  }
0x19d: {  	[tilespmem:s5+$0x30] =	vst v5;
	v4 =	vmax.f32 v4, $0.0e+00;
	v2 =	vadd.f32 v2, v7  }
0x19e: {  	[tilespmem:s5+$0x40] =	vst v4;
	v3 =	vmax.f32 v3, $0.0e+00;
	v1 =	vadd.f32 v1, v63  }
0x19f: {  	[tilespmem:s5+$0x50] =	vst v3;
	v2 =	vmax.f32 v2, $0.0e+00  }
0x1a0: {  	[tilespmem:s5+$0x60] =	vst v2;
	v1 =	vmax.f32 v1, $0.0e+00  }
0x1a1: {  	s12 =	simm.s32 $0x0;
	[tilespmem:s5+$0x70] =	vst v1  }
0x1a2: {  	[spmem:s3] =	stream.indirect.scatter.add.f32 [tilespmem:s12], [sflag:$0x7], $0x80, s10, s14, $0xb8;
	[tilespmem:$0x1DC80] =	vst v63  }
0x1a3: {  	_ =	swait.ge [sflag:s23], $0x2800  }
0x1a4: {  	[sflag:s23] =	ssyncset.done $0x0  }
0x1a5: {  	[sflag:s23] =	ssyncadd.s32 $0xFFFFD800  }
0x1a6: {  	s19 =	stileid.u32;
	[bflag:$0x0] =	sbarrier.arrive $0xFFFF  }
0x1a7: {  	s29 =	simm.s32 $0x9;
	s5 =	sshll.u32 s19, $0x6;
	s12 =	rddreg [dreg:$0x5]  }
0x1a8: {  	s5 =	sor.u32 $0x1C09, s5;
	s19 =	rddreg [dreg:$0x11];
	s9 =	sshrl.u32 s12, $0x3  }
0x1a9: {  	[hbm:s19], [sflag:s5] =	dma.local [spmem:s9], $0x2700  }
0x1aa: {  	_ =	swait.ge [sflag:s29], $0x2700  }
0x1ab: {  	[sflag:s29] =	ssyncset.done $0x0;
	s28 =	rddreg [dreg:$0x17]  }
0x1ac: {  	s19 =	rddreg [dreg:$0x15];
	[sflag:s29] =	ssyncadd.s32 $0xFFFFD900;
	s9 =	sshrl.u32 @!p0 s28, $0x3  }
0x1ad: {  	[hbm:s19], [sflag:s5] =	dma.local @!p0 [spmem:s9], $0x100  }
0x1ae: {  	s5 =	simm.s32 @!p0 $0x9  }
0x1af: {  	_ =	swait.ge @!p0 [sflag:s5], $0x100  }
0x1b0: {  	s30 =	rddreg [dreg:$0x1c]  }
0x1b1: {  	s31 =	rddreg [dreg:$0x16];
	s19 =	sadd.s32 $0x1, s30  }
0x1b2: {  	p1 =	sne.s32 s19, s31  }
.Ltmp7:
0x1b3: {  	_ = 	snop;
	(pc) =	sbr.rel @p1 .LBB2_1-.Ltmp7, $3  }
0x1b4: {  	_ =	sdelay $0x1  }
0x1b5: {  	[sflag:s5] =	ssyncset.done @!p0 $0x0  }
0x1b6: {  	[sflag:s5] =	ssyncadd.s32 @!p0 $0xFFFFFF00  }
0x1b7: {  	_ =	sfence.sel $0x180000  }
0x1b8: {  	[bflag:$0x0] =	sbarrier.arrive $0xFFFF  }
0x1b9: {  	_ =	strace $0x9000004A  }
0x1ba: {  	s0 =	stileid.u32;
	[bflag:$0x2] =	sbarrier.arrive $0xFFFF  }
0x1bb: {  	p0 =	sne.s32 s0, $0x0;
	s0 =	rddreg [dreg:$0x4]  }
0x1bc: {  	s0 =	sadd.s32 @!p0 $0x100000, s0  }
0x1bd: {  	[sflag:s0] =	ssyncadd.tile.s32 @!p0 $0x1;
	_ =	shalt  }
.Lfunc_end2:
_tile_overlayer_lowered:
.L_overlay_start_2:
0x1be: {  	(tag) =	ssettag $0x2  }
0x1bf: {  	s0 =	rddreg [dreg:$0x0];
	s2 =	stileid.u32  }
0x1c0: {  	s1 =	rddreg [dreg:$0x1];
	p0 =	sne.s32 s2, $0x0  }
0x1c1: {  	s3 =	rddreg [dreg:$0x2];
	[bflag:$0x3] =	sbarrier.arrive $0xFFFF;
	s2 =	simm.s32 @!p0 $0x1C09  }
0x1c2: {  	[timem:s3], [sflag:s2] =	dma.local @!p0 [hbm:s0], s1  }
0x1c3: {  	s0 =	simm.s32 @!p0 $0x9  }
0x1c4: {  	_ =	swait.ge @!p0 [sflag:s0], s1  }
0x1c5: {  	s1 =	ssub.s32 @!p0 $0x0, s1;
	[sflag:s0] =	ssyncset.done @!p0 $0x0  }
0x1c6: {  	[sflag:s0] =	ssyncadd.s32 @!p0 s1  }
0x1c7: {  	[bflag:$0x3] =	sbarrier.arrive $0xFFFF  }
0x1c8: {  	_ =	shalt  }

// kernel: kernel.8.cloned.1.call-start
scs
__scs_entry_jumppad:
0x0: {  	(pc) =	sbr.rel $0x88, $3  }
0x1: {  	(tag) =	ssettag $0x0;
	lr =	simm.s32 $0x1  }
0x2: {  	[smem:$0x3F95] =	sst lr;
	_ =	strace $0xD0000000  }
0x3: {  	_ = 	snop  }
0x4: {  	_ = 	snop  }
0x5: {  	_ = 	snop  }
0x6: {  	_ = 	snop  }
0x7: {  	_ = 	snop  }
__scs_overlays_trampoline_lowered:
0x8: {  	[smem:$0x3FA4] =	sst s0  }
0x9: {  	[smem:$0x3FA5] =	sst s1  }
0xa: {  	[smem:$0x3FA6] =	sst s2  }
0xb: {  	[smem:$0x3FA7] =	sst s3  }
0xc: {  	[smem:$0x3FA8] =	sst s4  }
0xd: {  	[smem:$0x3FA9] =	sst s5  }
0xe: {  	[smem:$0x3FAA] =	sst s6  }
0xf: {  	[smem:$0x3FAB] =	sst s7  }
0x10: {  	[smem:$0x3FAC] =	sst s8  }
0x11: {  	[smem:$0x3FAD] =	sst s9;
	s0 =	simm.s32 @!p0 $0x0  }
0x12: {  	s1 =	sld [smem:$0x3F93];
	s0 =	simm.s32 @p0 $0x1  }
0x13: {  	[smem:$0x3FAE] =	sst s0;
	s0 =	simm.s32 @!p1 $0x0  }
0x14: {  	s2 =	sld [smem:$0x3F92];
	s0 =	simm.s32 @p1 $0x1  }
0x15: {  	[smem:$0x3FAF] =	sst s0;
	s0 =	simm.s32 @!p2 $0x0  }
0x16: {  	s3 =	sld [smem:$0x3FDB];
	s0 =	simm.s32 @p2 $0x1  }
0x17: {  	s4 =	simm.s32 $0x1BF5;
	[smem:$0x3FB1] =	sst s0  }
0x18: {  	s0 =	sld [smem:$0x3F94];
	_ =	swait.ge [sflag:s4], $0x0  }
0x19: {  	s7 =	sld [smem:$0x3F95]  }
0x1a: {  	s8 =	sadd.s32 $0xFFFFE003, lr  }
0x1b: {  	s9 =	sadd.s32 $0xFFFFFEF7, lr;
	s5 =	simm.s32 $0xFFFFFFFF;
	p2 =	slt.u32 s8, $0xFFFFF086  }
0x1c: {  	p1 =	slt.u32 s9, $0xF7A;
	s5 =	simm.s32 @!p2 $0x0  }
0x1d: {  	s5 =	simm.s32 @p1 $0x1;
	p0 =	seq.s32 s7, s2  }
0x1e: {  	s7 =	smul.u32 @!p0 $0xF7A, s2;
	p2 =	seq.s32 @!p0 s5, $0x0  }
0x1f: {  	s9 =	smul.u32 $0xF7A, s1;
	s8 =	simm.s32 @!p0 $0x1BF5;
	p2 =	por !p2, p0  }
0x20: {  	[sflag:s8] =	ssyncset.s32 @!p0 $0xFFFFF086;
	s6 =	sadd.s32 @!p0 s3, s7;
	s7 =	simm.s32 @!p0 $0x108  }
0x21: {  	s3 =	sadd.s32 s3, s9;
	s6 =	sadd.s32 @!p0 $0x88, s6;
	s7 =	simm.s32 @p2 $0x1082  }
0x22: {  	[simem:s7], [sflag:s8] =	dma.local @!p0 [hbm:s6], $0xF7A  }
0x23: {  	s9 =	sor.u32 $0xD0000000, s2;
	s6 =	simm.s32 $0x108;
	_ =	swait.ge @!p0 [sflag:s8], $0x0  }
0x24: {  	s3 =	sadd.s32 $0x88, s3;
	s6 =	simm.s32 @!p1 $0x1082;
	[sflag:s4] =	ssyncset.s32 $0xFFFFF086  }
0x25: {  	[simem:s6], [sflag:s4] =	dma.local [hbm:s3], $0xF7A  }
0x26: {  	[smem:$0x3F95] =	sst s1;
	(tag) =	ssettag s2;
	_ =	strace s9  }
0x27: {  	s1 =	sld [smem:$0x3FA5]  }
0x28: {  	s2 =	sld [smem:$0x3FA6]  }
0x29: {  	s4 =	sld [smem:$0x3FA8]  }
0x2a: {  	p0 =	seq.s32 s5, $0x0;
	s5 =	sld [smem:$0x3FA9]  }
0x2b: {  	s6 =	sld [smem:$0x3FAA]  }
0x2c: {  	s7 =	sld [smem:$0x3FAB]  }
0x2d: {  	s3 =	simm.s32 $0x108;
	s8 =	sld [smem:$0x3FAC]  }
0x2e: {  	s3 =	simm.s32 @!p0 $0x1082;
	s9 =	sld [smem:$0x3FAD]  }
0x2f: {  	lr =	sadd.s32 s0, s3;
	s0 =	sld [smem:$0x3FA4]  }
0x30: {  	s3 =	sld [smem:$0x3FA7]  }
0x31: {  	[smem:$0x3FB0] =	sst s10  }
0x32: {  	s10 =	sld [smem:$0x3FAE];
	_ =	sdelay $0x3  }
0x33: {  	p0 =	seq.s32 s10, $0x1;
	s10 =	sld [smem:$0x3FB0];
	_ =	sdelay $0x3  }
0x34: {  	[smem:$0x3FB0] =	sst s10  }
0x35: {  	s10 =	sld [smem:$0x3FAF];
	_ =	sdelay $0x3  }
0x36: {  	p1 =	seq.s32 s10, $0x1;
	s10 =	sld [smem:$0x3FB0];
	_ =	sdelay $0x3  }
0x37: {  	[smem:$0x3FB0] =	sst s10  }
0x38: {  	s10 =	sld [smem:$0x3FB1]  }
0x39: {  	_ = 	snop;
	(pc) =	sbr.ind lr, $3  }
0x3a: {  	_ = 	snop  }
0x3b: {  	_ = 	snop  }
0x3c: {  	p2 =	seq.s32 s10, $0x1;
	s10 =	sld [smem:$0x3FB0]  }
0x3d: {  	_ =	shalt  }
0x3e: {  	_ =	shalt  }
0x3f: {  	_ =	shalt  }
0x40: {  	_ =	shalt  }
0x41: {  	_ =	shalt  }
0x42: {  	_ =	shalt  }
0x43: {  	_ =	shalt  }
0x44: {  	_ =	shalt  }
0x45: {  	_ =	shalt  }
0x46: {  	_ =	shalt  }
0x47: {  	_ =	shalt  }
0x48: {  	_ =	shalt  }
0x49: {  	_ =	shalt  }
0x4a: {  	_ =	shalt  }
0x4b: {  	_ =	shalt  }
0x4c: {  	_ =	shalt  }
0x4d: {  	_ =	shalt  }
0x4e: {  	_ =	shalt  }
0x4f: {  	_ =	shalt  }
0x50: {  	_ =	shalt  }
0x51: {  	_ =	shalt  }
0x52: {  	_ =	shalt  }
0x53: {  	_ =	shalt  }
0x54: {  	_ =	shalt  }
0x55: {  	_ =	shalt  }
0x56: {  	_ =	shalt  }
0x57: {  	_ =	shalt  }
0x58: {  	_ =	shalt  }
0x59: {  	_ =	shalt  }
0x5a: {  	_ =	shalt  }
0x5b: {  	_ =	shalt  }
0x5c: {  	_ =	shalt  }
0x5d: {  	_ =	shalt  }
0x5e: {  	_ =	shalt  }
0x5f: {  	_ =	shalt  }
0x60: {  	_ =	shalt  }
0x61: {  	_ =	shalt  }
0x62: {  	_ =	shalt  }
0x63: {  	_ =	shalt  }
0x64: {  	_ =	shalt  }
0x65: {  	_ =	shalt  }
0x66: {  	_ =	shalt  }
0x67: {  	_ =	shalt  }
0x68: {  	_ =	shalt  }
0x69: {  	_ =	shalt  }
0x6a: {  	_ =	shalt  }
0x6b: {  	_ =	shalt  }
0x6c: {  	_ =	shalt  }
0x6d: {  	_ =	shalt  }
0x6e: {  	_ =	shalt  }
0x6f: {  	_ =	shalt  }
0x70: {  	_ =	shalt  }
0x71: {  	_ =	shalt  }
0x72: {  	_ =	shalt  }
0x73: {  	_ =	shalt  }
0x74: {  	_ =	shalt  }
0x75: {  	_ =	shalt  }
0x76: {  	_ =	shalt  }
0x77: {  	_ =	shalt  }
0x78: {  	_ =	shalt  }
0x79: {  	_ =	shalt  }
0x7a: {  	_ =	shalt  }
0x7b: {  	_ =	shalt  }
0x7c: {  	_ =	shalt  }
0x7d: {  	_ =	shalt  }
0x7e: {  	_ =	shalt  }
0x7f: {  	_ =	shalt  }
0x80: {  	_ =	shalt  }
0x81: {  	_ =	shalt  }
0x82: {  	_ =	shalt  }
0x83: {  	_ =	shalt  }
0x84: {  	_ =	shalt  }
0x85: {  	_ =	shalt  }
0x86: {  	_ =	shalt  }
0x87: {  	_ =	shalt  }
.Lfunc_end0:
.L_simem_size_0:
called_computation_lowered:
.L_overlay_start_0:
0x88: {  	s2 =	sld [smem:$0x3FD9]  }
0x89: {  	s3 =	sld [smem:$0x3FFE];
	_ =	sdelay $0x1  }
0x8a: {  	s1 =	srdreg.scid  }
0x8b: {  	s0 =	sand.u32 $0x1, s1  }
0x8c: {  	s14 =	sshll.u32 s0, $0xA;
	s2 =	sadd.s32 s3, s2  }
0x8d: {  	s2 =	sadd.s32 s2, s14  }
0x8e: {  	[smem:$0x3FBC] =	sst s2  }
0x8f: {  	_ = 	snop  }
0x90: {  	s2 =	sld [smem:$0x3FD0];
	_ =	sdelay $0x2  }
0x91: {  	s15 =	simm.s32 $0xA;
	s4 =	simm.s32 $0x10  }
0x92: {  	[smem:s4], [sflag:s15] =	dma.local [hbm:s2], $0x1  }
0x93: {  	_ =	swait.eq [sflag:s15], $0x1  }
0x94: {  	[sflag:s15] =	ssyncset.done $0x0  }
0x95: {  	s16 =	sld [smem:$0x11];
	[sflag:s15] =	ssyncadd.s32 $0xFFFFFFFF  }
0x96: {  	s17 =	sld [smem:$0x12];
	(tm) =	ssettm $0x1  }
0x97: {  	s18 =	sld [smem:$0x3FFB];
	_ =	sdelay $0x3  }
0x98: {  	_ =	strace s18  }
0x99: {  	s4 =	sld [smem:$0x3FFC];
	_ =	sdelay $0x3  }
0x9a: {  	_ =	strace s4  }
0x9b: {  	s4 =	sld [smem:$0x3FFD];
	_ =	sdelay $0x3  }
0x9c: {  	_ =	strace s4  }
0x9d: {  	_ =	strace $0x8FFFFFFF  }
0x9e: {  	s19 =	sld [smem:$0x3FDB];
	_ =	sdelay $0x1  }
0x9f: {  	s5 =	simm.s32 $_scs_section_size  }
0xa0: {  	s6 =	simm.s32 $_size__tile_overlayer_lowered;
	s7 =	simm.s32 $_tile_overlayer_lowered  }
0xa1: {  	s22 =	simm.s32 $0x1BFF;
	s21 =	sshll.u32 s7, $0x1;
	s4 =	sadd.s32 s5, s19  }
0xa2: {  	s8 =	simm.s32 $0x0;
	s20 =	sshll.u32 s6, $0x1;
	s6 =	sadd.s32 s21, s4  }
0xa3: {  	[timem:s8], [sflag:s22] =	dma.local [hbm:s6], s20  }
0xa4: {  	_ =	swait.ge [sflag:s22], s20  }
0xa5: {  	s5 =	ssub.s32 $0x0, s20;
	[sflag:s22] =	ssyncset.done $0x0  }
0xa6: {  	[sflag:s22] =	ssyncadd.s32 s5;
	_ =	sdelay $0x1  }
0xa7: {  	s23 =	simm.s32 $0x1B8B  }
0xa8: {  	_ =	swait.ge [sflag:s23], $0x1  }
0xa9: {  	[sflag:s23] =	ssyncset.done $0x0  }
0xaa: {  	s25 =	simm.s32 $0x1B8E;
	s24 =	sld [smem:$0x3FFE];
	[sflag:s23] =	ssyncadd.s32 $0xFFFFFFFF  }
0xab: {  	s26 =	simm.s32 $execute0_lowered;
	[smem:$0x3FD2] =	sst s25  }
0xac: {  	s6 =	sshll.u32 s26, $0x1;
	_ =	strace $0x80000046;
	[dreg:$0x1] =	wrdreg $0xFFFFFFFF  }
0xad: {  	s28 =	simm.s32 $_size_execute0_lowered;
	s4 =	sadd.s32 s4, s6;
	[dreg:$0x0] =	wrdreg $0x0  }
0xae: {  	s6 =	sshll.u32 s28, $0x1;
	[dreg:$0x2] =	wrdreg s4  }
0xaf: {  	[dreg:$0x3] =	wrdreg s6  }
0xb0: {  	[dreg:$0x4] =	wrdreg $0xC0  }
0xb1: {  	_ =	task [dreg:s8], $0x5FFFF  }
0xb2: {  	[dreg:$0x1] =	wrdreg $0xFFFFFFFF  }
0xb3: {  	[dreg:$0x0] =	wrdreg $0x60  }
0xb4: {  	[dreg:$0x2] =	wrdreg s17  }
0xb5: {  	[dreg:$0x3] =	wrdreg s24  }
0xb6: {  	[dreg:$0x4] =	wrdreg s16  }
0xb7: {  	[dreg:$0x5] =	wrdreg $0x9  }
0xb8: {  	_ =	task.clear_ibuf [dreg:s8], $0x6FFFF;
	_ =	strace $0x90000046  }
0xb9: {  	s29 =	simm.s32 $0x9;
	_ =	strace $0x80000048  }
0xba: {  	_ =	swait.ge [sflag:s29], $0x1  }
0xbb: {  	[sflag:s29] =	ssyncadd.s32 $0xFFFFFFFF  }
0xbc: {  	_ =	strace $0x90000048  }
0xbd: {  	_ =	sfence  }
0xbe: {  	s30 =	sld [smem:$0x0];
	_ =	sdelay $0x2  }
0xbf: {  	s31 =	sshll.u32 s1, $0xD;
	s1 =	sshrl.u32 s1, $0x2  }
0xc0: {  	s3 =	sand.u32 $0x4000, s31;
	s1 =	sadd.s32 s1, s30  }
0xc1: {  	s0 =	sor.u32 s3, s0;
	s1 =	sshll.u32 s1, $0x11  }
0xc2: {  	s0 =	sor.u32 s1, s0  }
0xc3: {  	s0 =	sadd.s32 $0x8F2B, s0  }
0xc4: {  	[sflag:s0] =	ssyncadd.remote.s32 $0x1  }
0xc5: {  	_ =	sfence.sel $0xFFFF  }
0xc6: {  	[dreg:$0x0] =	wrdreg $0xFFFFFFFF;
	(pc) =	sbr.abs _section_cstart, $3  }
0xc7: {  	[dreg:$0x1] =	wrdreg $0xFFFFFFFF  }
0xc8: {  	_ =	task.clear_ibuf [dreg:s8], $0x2FFFF;
	_ =	strace $0x9FFFFFFF  }
0xc9: {  	(tm) =	ssettm $0x7FFFFFFF  }
tec
execute0_lowered:
.L_overlay_start_1:
0x0: {  	(tag) =	ssettag $0x1  }
0x1: {  	s0 =	rddreg [dreg:$0x0]  }
0x2: {  	s2 =	rddreg [dreg:$0x1]  }
0x3: {  	s1 =	srdreg.scid;
	s7 =	rddreg [dreg:$0x2]  }
0x4: {  	s5 =	stileid.u32;
	s3 =	simm.s32 $0x0;
	s13 =	simm.s32 $0x5  }
0x5: {  	s14 =	simm.s32 $0x2780;
	s15 =	simm.s32 $0x50;
	s16 =	simm.s32 $0x4F00  }
0x6: {  	s17 =	simm.s32 $0x9F00;
	s18 =	simm.s32 $0xEF00;
	s19 =	simm.s32 $0x7700  }
0x7: {  	s20 =	simm.s32 $0xC700;
	s21 =	simm.s32 $0x11700;
	s22 =	simm.s32 $0x1  }
0x8: {  	s23 =	simm.s32 $0x13F00;
	s24 =	simm.s32 $0x2;
	s1 =	sand.u32 $0x1, s1  }
0x9: {  	s25 =	simm.s32 $0x16700;
	s28 =	simm.s32 $0x4;
	s4 =	sshll.u32 s1, $0x4  }
0xa: {  	s29 =	simm.s32 $0x18F00;
	s30 =	simm.s32 $0x0;
	s8 =	sor.u32 s5, s4  }
0xb: {  	[smem:$0x7FF] =	sst s3;
	s1 =	ssub.s32 $0x2, s1;
	s4 =	smul.u32 $0x2710, s8  }
0xc: {  	s6 =	sadd.s32 $0xDC00, s2;
	s11 =	sshrl.u32 s1, $0x1;
	s10 =	smul.u32 $0x138800, s8  }
0xd: {  	v0 =	vimm.f32 $0.0e+00;
	v1 =	vimm.f32 $1.000000000e+00;
	_ =	strace $0x80000047;
	s1 =	ssub.s32 s1, s11;
	s8 =	smul.u32 $0x27100, s8  }
0xe: {  	vm0 =	vcmask $0x704;
	vm1 =	vcmask $0xB08;
	vm14 =	vcmask $0x3F3C;
	s5 =	sadd.s32 $0x4EFC00, s2;
	s12 =	smax.u32 s1, $0x1;
	s9 =	sshrl.u32 s4, $0x3  }
0xf: {  	vm2 =	vcmask $0xF0C;
	vm3 =	vcmask $0x1310;
	vm4 =	vcmask $0x1714;
	s10 =	sshrl.u32 s10, $0x3;
	s8 =	sadd.s32 s5, s8;
	s2 =	sadd.s32 s9, s2  }
0x10: {  	vm5 =	vcmask $0x1B18;
	vm6 =	vcmask $0x1F1C;
	vm7 =	vcmask $0x2320;
	s7 =	sadd.s32 s7, s9;
	s31 =	sadd.s32 s6, s10;
	[dreg:$0x6] =	wrdreg s8  }
0x11: {  	vm8 =	vcmask $0x2724;
	vm9 =	vcmask $0x2B28;
	vm10 =	vcmask $0x2F2C;
	s26 =	sadd.s32 $0x3E00, s2;
	[dreg:$0x5] =	wrdreg s7;
	s10 =	sadd.s32 $0x26C00, s31  }
0x12: {  	vm11 =	vcmask $0x3330;
	vm12 =	vcmask $0x3734;
	vm13 =	vcmask $0x3B38;
	s11 =	sadd.s32 $0x9D1C00, s2;
	[dreg:$0x4] =	wrdreg s26;
	s26 =	simm.s32 $0x3  }
.LBB2_1:
0x13: {  	s1 =	simm.s32 $0x40;
	s2 =	simm.s32 $0x0  }
.LBB2_2:
0x14: {  	p0 =	sne.s32 s1, $0x9C00;
	[tilespmem:s2+$0x18F00] =	vst v0;
	s2 =	smov.u32 s1;
	s1 =	sadd.s32 $0x40, s1  }
.Ltmp0:
0x15: {  	(pc) =	sbr.rel @p0 .LBB2_2-.Ltmp0, $2  }
0x16: {  	_ =	sdelay $0x2  }
0x17: {  	s2 =	sshra.s32 s2, $0x2  }
0x18: {  	[tilespmem:s2+$0x18F00] =	vst v0;
	s31 =	simm.s32 $0x0;
	s1 =	rddreg [dreg:$0x4]  }
0x19: {  	[tilespmem:s31], [sflag:$0x5] =	stream.linear.gather [hbm4b:s1+s31], $0x2710, $0x38;
	[tilespmem:$0x1B680] =	vst v63  }
0x1a: {  	_ =	swait.ge [sflag:s13], $0x2710  }
0x1b: {  	[sflag:s13] =	ssyncset.done $0x0  }
0x1c: {  	s8 =	rddreg [dreg:$0x5];
	[sflag:s13] =	ssyncadd.s32 $0xFFFFD8F0  }
0x1d: {  	[tilespmem:s14], [sflag:$0x5] =	stream.linear.gather [hbm4b:s8+s31], $0x2710, $0x38;
	[tilespmem:$0x1B680] =	vst v63  }
0x1e: {  	_ =	swait.ge [sflag:s13], $0x2710  }
0x1f: {  	[sflag:s13] =	ssyncset.done $0x0  }
0x20: {  	[sflag:s13] =	ssyncadd.s32 $0xFFFFD8F0  }
0x21: {  	[tilespmem:s16], [sflag:$0x1] =	stream.indirect.gather [hbm4b:s0+s15], $0x80, s31, s15, $0xb8;
	[tilespmem:$0x1B680] =	vst v63  }
0x22: {  	_ = 	snop  }
0x23: {  	[tilespmem:s17], [sflag:$0x1] =	stream.indirect.gather [hbm4b:s0+s15], $0x80, s14, s15, $0xb8;
	[tilespmem:$0x1B680] =	vst v63  }
0x24: {  	s9 =	rddreg [dreg:$0x6]  }
0x25: {  	[tilespmem:s18], [sflag:$0x1] =	stream.linear.gather [hbm4b:s9+s31], $0x2800, $0x38;
	[tilespmem:$0x1B680] =	vst v63  }
.LBB2_4:
0x26: {  	s2 =	smul.u32 $0xA0, s31;
	_ =	sdelay $0x1  }
0x27: {  	s1 =	sadd.s32 $0x50, s2  }
0x28: {  	[tilespmem:s19], [sflag:$0x2] =	stream.indirect.gather [hbm4b:s0+s15], $0x80, s1, s15, $0xb8;
	[tilespmem:$0x1B680] =	vst v63  }
0x29: {  	s1 =	sadd.s32 s4, s1  }
0x2a: {  	p0 =	seq.s32 s31, $0x0;
	s7 =	sadd.s32 $0x27D0, s2;
	s1 =	sshll.u32 s1, $0x4  }
0x2b: {  	[tilespmem:s20], [sflag:$0x2] =	stream.indirect.gather [hbm4b:s0+s15], $0x80, s7, s15, $0xb8;
	[tilespmem:$0x1B680] =	vst v63  }
0x2c: {  	s9 =	sadd.s32 s5, s1;
	s7 =	simm.s32 @!p0 $0x3  }
0x2d: {  	[tilespmem:s21], [sflag:$0x2] =	stream.linear.gather [hbm4b:s9+s3], $0x2800, $0x38;
	[tilespmem:$0x1B680] =	vst v63  }
0x2e: {  	_ =	swait.ge @!p0 [sflag:s7], $0x2800  }
0x2f: {  	[sflag:s7] =	ssyncset.done @!p0 $0x0  }
0x30: {  	[sflag:s7] =	ssyncadd.s32 @!p0 $0xFFFFD800  }
0x31: {  	_ =	swait.ge [sflag:s22], $0x2800  }
0x32: {  	[sflag:s22] =	ssyncset.done $0x0  }
0x33: {  	[sflag:s22] =	ssyncadd.s32 $0xFFFFD800  }
0x34: {  	_ =	swait.ge [sflag:s22], $0x2800  }
0x35: {  	[sflag:s22] =	ssyncset.done $0x0  }
0x36: {  	[sflag:s22] =	ssyncadd.s32 $0xFFFFD800  }
0x37: {  	_ =	swait.ge [sflag:s22], $0x2800  }
0x38: {  	[sflag:s22] =	ssyncset.done $0x0  }
0x39: {  	s7 =	simm.s32 $0x0;
	[sflag:s22] =	ssyncadd.s32 $0xFFFFD800  }
0x3a: {  	v2 =	vld [tilespmem:s7+$0x4F00]  }
0x3b: {  	v3 =	vld [tilespmem:s7+$0x9F10];
	_ =	sdelay $0x1  }
0x3c: {  	v4 =	vld [tilespmem:s7+$0xEF00];
	_ =	sdelay $0x2  }
0x3d: {  	s8 =	simm.s32 $0x80;
	v3 =	vadd.f32 v3, v2  }
0x3e: {  	v2 =	vld [tilespmem:s8+$0x4F00]  }
0x3f: {  	v5 =	vadd.f32 v4, v3;
	v3 =	vld [tilespmem:s8+$0x9F10];
	_ =	sdelay $0x1  }
0x40: {  	v4 =	vld [tilespmem:s8+$0xEF00]  }
0x41: {  	s9 =	simm.s32 $0x400;
	v5 =	vmax.f32 v5, $0.0e+00  }
.LBB2_5:
0x42: {  	[tilespmem:s7+$0x13F00] =	vst v5;
	s7 =	smov.u32 s8;
	s8 =	sshra.s32 s9, $0x2;
	p1 =	sne.s32 s9, $0x9E00  }
.Ltmp1:
0x43: {  	s9 =	sadd.s32 $0x200, s9;
	v5 =	vadd.f32 v3, v2;
	v2 =	vld [tilespmem:s8+$0x4F00];
	(pc) =	sbr.rel @p1 .LBB2_5-.Ltmp1, $4  }
0x44: {  	v3 =	vld [tilespmem:s8+$0x9F10]  }
0x45: {  	v5 =	vadd.f32 v4, v5  }
0x46: {  	v4 =	vld [tilespmem:s8+$0xEF00]  }
0x47: {  	v5 =	vmax.f32 v5, $0.0e+00  }
0x48: {  	_ = 	snop  }
0x49: {  	v2 =	vadd.f32 v3, v2;
	_ =	sdelay $0x1  }
0x4a: {  	v2 =	vadd.f32 v4, v2  }
0x4b: {  	s9 =	sadd.s32 s4, s2  }
0x4c: {  	[tilespmem:s7+$0x13F00] =	vst v5;
	s9 =	sshll.u32 s9, $0x4;
	v2 =	vmax.f32 v2, $0.0e+00  }
0x4d: {  	s7 =	sadd.s32 s6, s9;
	[tilespmem:s8+$0x13F00] =	vst v2  }
0x4e: {  	[hbm4b:s7+s3] =	stream.linear.scatter [tilespmem:s23], [sflag:$0x3], $0x2800, $0x38;
	[tilespmem:$0x1B680] =	vst v63  }
0x4f: {  	s9 =	sadd.s32 $0xA0, s2  }
0x50: {  	[tilespmem:s16], [sflag:$0x1] =	stream.indirect.gather [hbm4b:s0+s15], $0x80, s9, s15, $0xb8;
	[tilespmem:$0x1B680] =	vst v63  }
0x51: {  	s9 =	sadd.s32 s4, s9  }
0x52: {  	s8 =	sadd.s32 $0x2820, s2;
	s2 =	sshll.u32 s9, $0x4  }
0x53: {  	[tilespmem:s17], [sflag:$0x1] =	stream.indirect.gather [hbm4b:s0+s15], $0x80, s8, s15, $0xb8;
	[tilespmem:$0x1B680] =	vst v63  }
0x54: {  	s2 =	sadd.s32 s5, s2  }
0x55: {  	[tilespmem:s18], [sflag:$0x1] =	stream.linear.gather [hbm4b:s2+s3], $0x2800, $0x38;
	[tilespmem:$0x1B680] =	vst v63  }
0x56: {  	s2 =	simm.s32 @!p0 $0x4  }
0x57: {  	_ =	swait.ge @!p0 [sflag:s2], $0x2800  }
0x58: {  	[sflag:s2] =	ssyncset.done @!p0 $0x0  }
0x59: {  	[sflag:s2] =	ssyncadd.s32 @!p0 $0xFFFFD800  }
0x5a: {  	_ =	swait.ge [sflag:s24], $0x2800  }
0x5b: {  	[sflag:s24] =	ssyncset.done $0x0  }
0x5c: {  	[sflag:s24] =	ssyncadd.s32 $0xFFFFD800  }
0x5d: {  	_ =	swait.ge [sflag:s24], $0x2800  }
0x5e: {  	[sflag:s24] =	ssyncset.done $0x0  }
0x5f: {  	[sflag:s24] =	ssyncadd.s32 $0xFFFFD800  }
0x60: {  	_ =	swait.ge [sflag:s24], $0x2800  }
0x61: {  	[sflag:s24] =	ssyncset.done $0x0  }
0x62: {  	s2 =	simm.s32 $0x0;
	[sflag:s24] =	ssyncadd.s32 $0xFFFFD800  }
0x63: {  	v2 =	vld [tilespmem:s2+$0x7700]  }
0x64: {  	v3 =	vld [tilespmem:s2+$0xC710];
	_ =	sdelay $0x1  }
0x65: {  	v4 =	vld [tilespmem:s2+$0x11700];
	_ =	sdelay $0x2  }
0x66: {  	s7 =	simm.s32 $0x80;
	v3 =	vadd.f32 v3, v2  }
0x67: {  	v2 =	vld [tilespmem:s7+$0x7700]  }
0x68: {  	v5 =	vadd.f32 v4, v3;
	v3 =	vld [tilespmem:s7+$0xC710];
	_ =	sdelay $0x1  }
0x69: {  	v4 =	vld [tilespmem:s7+$0x11700]  }
0x6a: {  	s8 =	simm.s32 $0x400;
	v5 =	vmax.f32 v5, $0.0e+00  }
.LBB2_7:
0x6b: {  	[tilespmem:s2+$0x16700] =	vst v5;
	s2 =	smov.u32 s7;
	s7 =	sshra.s32 s8, $0x2;
	p0 =	sne.s32 s8, $0x9E00  }
.Ltmp2:
0x6c: {  	s8 =	sadd.s32 $0x200, s8;
	v5 =	vadd.f32 v3, v2;
	v2 =	vld [tilespmem:s7+$0x7700];
	(pc) =	sbr.rel @p0 .LBB2_7-.Ltmp2, $4  }
0x6d: {  	v3 =	vld [tilespmem:s7+$0xC710]  }
0x6e: {  	v5 =	vadd.f32 v4, v5  }
0x6f: {  	v4 =	vld [tilespmem:s7+$0x11700]  }
0x70: {  	v5 =	vmax.f32 v5, $0.0e+00  }
0x71: {  	_ = 	snop  }
0x72: {  	s31 =	sadd.s32 $0x1, s31;
	v2 =	vadd.f32 v3, v2  }
0x73: {  	p0 =	sne.s32 s31, $0x3E  }
.Ltmp3:
0x74: {  	v2 =	vadd.f32 v4, v2;
	(pc) =	sbr.rel @p0 .LBB2_4-.Ltmp3, $4  }
0x75: {  	_ = 	snop  }
0x76: {  	[tilespmem:s2+$0x16700] =	vst v5;
	v2 =	vmax.f32 v2, $0.0e+00  }
0x77: {  	s1 =	sadd.s32 s6, s1;
	[tilespmem:s7+$0x16700] =	vst v2  }
0x78: {  	[hbm4b:s1+s3] =	stream.linear.scatter [tilespmem:s25], [sflag:$0x4], $0x2800, $0x38;
	[tilespmem:$0x1B680] =	vst v63  }
0x79: {  	_ =	swait.ge [sflag:s26], $0x2800  }
0x7a: {  	[sflag:s26] =	ssyncset.done $0x0  }
0x7b: {  	[sflag:s26] =	ssyncadd.s32 $0xFFFFD800  }
0x7c: {  	_ =	swait.ge [sflag:s22], $0x2800  }
0x7d: {  	[sflag:s22] =	ssyncset.done $0x0  }
0x7e: {  	[sflag:s22] =	ssyncadd.s32 $0xFFFFD800  }
0x7f: {  	_ =	swait.ge [sflag:s22], $0x2800  }
0x80: {  	[sflag:s22] =	ssyncset.done $0x0  }
0x81: {  	[sflag:s22] =	ssyncadd.s32 $0xFFFFD800  }
0x82: {  	_ =	swait.ge [sflag:s22], $0x2800  }
0x83: {  	[sflag:s22] =	ssyncset.done $0x0  }
0x84: {  	s1 =	simm.s32 $0x0;
	[sflag:s22] =	ssyncadd.s32 $0xFFFFD800  }
0x85: {  	v2 =	vld [tilespmem:s1+$0x4F00]  }
0x86: {  	v3 =	vld [tilespmem:s1+$0x9F10];
	_ =	sdelay $0x1  }
0x87: {  	v4 =	vld [tilespmem:s1+$0xEF00];
	_ =	sdelay $0x2  }
0x88: {  	s2 =	simm.s32 $0x80;
	v3 =	vadd.f32 v3, v2  }
0x89: {  	v2 =	vld [tilespmem:s2+$0x4F00]  }
0x8a: {  	v5 =	vadd.f32 v4, v3;
	v3 =	vld [tilespmem:s2+$0x9F10];
	_ =	sdelay $0x1  }
0x8b: {  	v4 =	vld [tilespmem:s2+$0xEF00]  }
0x8c: {  	s7 =	simm.s32 $0x400;
	v5 =	vmax.f32 v5, $0.0e+00  }
.LBB2_10:
0x8d: {  	[tilespmem:s1+$0x13F00] =	vst v5;
	s1 =	smov.u32 s2;
	s2 =	sshra.s32 s7, $0x2;
	p0 =	sne.s32 s7, $0x9E00  }
.Ltmp4:
0x8e: {  	s7 =	sadd.s32 $0x200, s7;
	v5 =	vadd.f32 v3, v2;
	v2 =	vld [tilespmem:s2+$0x4F00];
	(pc) =	sbr.rel @p0 .LBB2_10-.Ltmp4, $4  }
0x8f: {  	v3 =	vld [tilespmem:s2+$0x9F10]  }
0x90: {  	v5 =	vadd.f32 v4, v5  }
0x91: {  	v4 =	vld [tilespmem:s2+$0xEF00]  }
0x92: {  	v5 =	vmax.f32 v5, $0.0e+00  }
0x93: {  	_ = 	snop  }
0x94: {  	v2 =	vadd.f32 v3, v2;
	_ =	sdelay $0x1  }
0x95: {  	v2 =	vadd.f32 v4, v2;
	_ =	sdelay $0x1  }
0x96: {  	[tilespmem:s1+$0x13F00] =	vst v5;
	v2 =	vmax.f32 v2, $0.0e+00  }
0x97: {  	s9 =	simm.s32 $0x0;
	[tilespmem:s2+$0x13F00] =	vst v2  }
0x98: {  	[hbm4b:s10+s9] =	stream.linear.scatter [tilespmem:s23], [sflag:$0x3], $0x2800, $0x38;
	[tilespmem:$0x1B680] =	vst v63  }
0x99: {  	_ =	swait.ge [sflag:s28], $0x2800  }
0x9a: {  	[sflag:s28] =	ssyncset.done $0x0  }
0x9b: {  	[sflag:s28] =	ssyncadd.s32 $0xFFFFD800  }
0x9c: {  	_ =	swait.ge [sflag:s26], $0x2800  }
0x9d: {  	[sflag:s26] =	ssyncset.done $0x0  }
0x9e: {  	s31 =	simm.s32 $0x0;
	[sflag:s26] =	ssyncadd.s32 $0xFFFFD800  }
0x9f: {  	v2 =	vld [tilespmem:s31+$0x2780];
	_ =	sdelay $0x7  }
0xa0: {  	[tilespmem:v2+s29+$0x0] =	vst.idx.add.f32.msk $0x1, v1  }
0xa1: {  	[tilespmem:v2+s29+$0x0] =	vst.idx.add.f32.msk vm0, v1  }
0xa2: {  	[tilespmem:v2+s29+$0x0] =	vst.idx.add.f32.msk vm1, v1  }
0xa3: {  	[tilespmem:v2+s29+$0x0] =	vst.idx.add.f32.msk vm2, v1  }
0xa4: {  	[tilespmem:v2+s29+$0x0] =	vst.idx.add.f32.msk vm3, v1  }
0xa5: {  	[tilespmem:v2+s29+$0x0] =	vst.idx.add.f32.msk vm4, v1  }
0xa6: {  	[tilespmem:v2+s29+$0x0] =	vst.idx.add.f32.msk vm5, v1  }
0xa7: {  	[tilespmem:v2+s29+$0x0] =	vst.idx.add.f32.msk vm6, v1  }
0xa8: {  	[tilespmem:v2+s29+$0x0] =	vst.idx.add.f32.msk vm7, v1  }
0xa9: {  	[tilespmem:v2+s29+$0x0] =	vst.idx.add.f32.msk vm8, v1  }
0xaa: {  	[tilespmem:v2+s29+$0x0] =	vst.idx.add.f32.msk vm9, v1  }
0xab: {  	[tilespmem:v2+s29+$0x0] =	vst.idx.add.f32.msk vm10, v1  }
0xac: {  	[tilespmem:v2+s29+$0x0] =	vst.idx.add.f32.msk vm11, v1  }
0xad: {  	[tilespmem:v2+s29+$0x0] =	vst.idx.add.f32.msk vm12, v1  }
0xae: {  	s1 =	simm.s32 $0x40;
	s2 =	simm.s32 $0x80;
	[tilespmem:v2+s29+$0x0] =	vst.idx.add.f32.msk vm13, v1  }
.LBB2_12:
0xaf: {  	p0 =	sne.s32 s2, $0x9C00  }
0xb0: {  	s7 =	sshra.s32 s1, $0x2;
	[tilespmem:v2+s29+$0x0] =	vst.idx.add.f32.msk vm14, v1;
	s1 =	smov.u32 s2;
	s2 =	sadd.s32 $0x40, s2  }
0xb1: {  	v2 =	vld [tilespmem:s7+$0x2780];
	_ =	sdelay $0x7  }
0xb2: {  	[tilespmem:v2+s29+$0x0] =	vst.idx.add.f32.msk $0x1, v1  }
0xb3: {  	[tilespmem:v2+s29+$0x0] =	vst.idx.add.f32.msk vm0, v1  }
0xb4: {  	[tilespmem:v2+s29+$0x0] =	vst.idx.add.f32.msk vm1, v1  }
0xb5: {  	[tilespmem:v2+s29+$0x0] =	vst.idx.add.f32.msk vm2, v1  }
0xb6: {  	[tilespmem:v2+s29+$0x0] =	vst.idx.add.f32.msk vm3, v1  }
0xb7: {  	[tilespmem:v2+s29+$0x0] =	vst.idx.add.f32.msk vm4, v1  }
0xb8: {  	[tilespmem:v2+s29+$0x0] =	vst.idx.add.f32.msk vm5, v1  }
0xb9: {  	[tilespmem:v2+s29+$0x0] =	vst.idx.add.f32.msk vm6, v1  }
0xba: {  	[tilespmem:v2+s29+$0x0] =	vst.idx.add.f32.msk vm7, v1  }
0xbb: {  	[tilespmem:v2+s29+$0x0] =	vst.idx.add.f32.msk vm8, v1  }
.Ltmp5:
0xbc: {  	[tilespmem:v2+s29+$0x0] =	vst.idx.add.f32.msk vm9, v1;
	(pc) =	sbr.rel @p0 .LBB2_12-.Ltmp5, $4  }
0xbd: {  	[tilespmem:v2+s29+$0x0] =	vst.idx.add.f32.msk vm10, v1  }
0xbe: {  	[tilespmem:v2+s29+$0x0] =	vst.idx.add.f32.msk vm11, v1  }
0xbf: {  	[tilespmem:v2+s29+$0x0] =	vst.idx.add.f32.msk vm12, v1  }
0xc0: {  	[tilespmem:v2+s29+$0x0] =	vst.idx.add.f32.msk vm13, v1  }
0xc1: {  	_ =	sdelay $0x4  }
0xc2: {  	s1 =	sshra.s32 s1, $0x2;
	[tilespmem:v2+s29+$0x0] =	vst.idx.add.f32.msk vm14, v1  }
0xc3: {  	v2 =	vld [tilespmem:s1+$0x2780];
	_ =	sdelay $0x7  }
0xc4: {  	[tilespmem:v2+s29+$0x0] =	vst.idx.add.f32.msk $0x1, v1  }
0xc5: {  	[tilespmem:v2+s29+$0x0] =	vst.idx.add.f32.msk vm0, v1  }
0xc6: {  	[tilespmem:v2+s29+$0x0] =	vst.idx.add.f32.msk vm1, v1  }
0xc7: {  	[tilespmem:v2+s29+$0x0] =	vst.idx.add.f32.msk vm2, v1  }
0xc8: {  	[tilespmem:v2+s29+$0x0] =	vst.idx.add.f32.msk vm3, v1  }
0xc9: {  	[tilespmem:v2+s29+$0x0] =	vst.idx.add.f32.msk vm4, v1  }
0xca: {  	[tilespmem:v2+s29+$0x0] =	vst.idx.add.f32.msk vm5, v1  }
0xcb: {  	[tilespmem:v2+s29+$0x0] =	vst.idx.add.f32.msk vm6, v1  }
0xcc: {  	[tilespmem:v2+s29+$0x0] =	vst.idx.add.f32.msk vm7, v1  }
0xcd: {  	[tilespmem:v2+s29+$0x0] =	vst.idx.add.f32.msk vm8, v1  }
0xce: {  	[tilespmem:v2+s29+$0x0] =	vst.idx.add.f32.msk vm9, v1  }
0xcf: {  	[tilespmem:v2+s29+$0x0] =	vst.idx.add.f32.msk vm10, v1  }
0xd0: {  	[tilespmem:v2+s29+$0x0] =	vst.idx.add.f32.msk vm11, v1  }
0xd1: {  	s30 =	sadd.s32 $0x1, s30;
	[tilespmem:v2+s29+$0x0] =	vst.idx.add.f32.msk vm12, v1  }
0xd2: {  	p0 =	sne.s32 s30, s12;
	[tilespmem:v2+s29+$0x0] =	vst.idx.add.f32.msk vm13, v1  }
.Ltmp6:
0xd3: {  	[tilespmem:v2+s29+$0x0] =	vst.idx.add.f32.msk vm14, v1;
	(pc) =	sbr.rel @p0 .LBB2_1-.Ltmp6, $4  }
0xd4: {  	[hbm4b:s11+s3] =	stream.linear.scatter [tilespmem:s29], [sflag:$0x5], $0x2710, $0x38;
	[tilespmem:$0x1B680] =	vst v63  }
0xd5: {  	_ =	swait.ge [sflag:s13], $0x2710  }
0xd6: {  	[sflag:s13] =	ssyncset.done $0x0  }
0xd7: {  	[sflag:s13] =	ssyncadd.s32 $0xFFFFD8F0  }
0xd8: {  	_ =	sfence.sel $0x180000  }
0xd9: {  	[bflag:$0x0] =	sbarrier.arrive $0xFFFF  }
0xda: {  	_ =	strace $0x90000047  }
0xdb: {  	s0 =	stileid.u32;
	[bflag:$0x2] =	sbarrier.arrive $0xFFFF  }
0xdc: {  	p0 =	sne.s32 s0, $0x0;
	s0 =	rddreg [dreg:$0x3]  }
0xdd: {  	s0 =	sadd.s32 @!p0 $0x100000, s0  }
0xde: {  	[sflag:s0] =	ssyncadd.tile.s32 @!p0 $0x1;
	_ =	shalt  }
.Lfunc_end2:
_tile_overlayer_lowered:
.L_overlay_start_2:
0xdf: {  	(tag) =	ssettag $0x2  }
0xe0: {  	s0 =	rddreg [dreg:$0x0];
	s2 =	stileid.u32  }
0xe1: {  	s1 =	rddreg [dreg:$0x1];
	p0 =	sne.s32 s2, $0x0  }
0xe2: {  	s3 =	rddreg [dreg:$0x2];
	[bflag:$0x3] =	sbarrier.arrive $0xFFFF;
	s2 =	simm.s32 @!p0 $0x1C05  }
0xe3: {  	[timem:s3], [sflag:s2] =	dma.local @!p0 [hbm:s0], s1  }
0xe4: {  	s0 =	simm.s32 @!p0 $0x5  }
0xe5: {  	_ =	swait.ge @!p0 [sflag:s0], s1  }
0xe6: {  	s1 =	ssub.s32 @!p0 $0x0, s1;
	[sflag:s0] =	ssyncset.done @!p0 $0x0  }
0xe7: {  	[sflag:s0] =	ssyncadd.s32 @!p0 s1  }
0xe8: {  	[bflag:$0x3] =	sbarrier.arrive $0xFFFF  }
0xe9: {  	_ =	shalt  }

</sc_bundles>
